<compile_context>
chip_gen: v7x
topology: tpu7x:2x2x1
jax: 0.10.2.dev20260603
libtpu: 0.0.44.dev20260713+nightly
codegen_flags: <defaults>
</compile_context>

<pallas_src>
import functools

import jax
import jax.numpy as jnp
import numpy as np
from jax import lax
from jax.experimental import pallas as pl
from jax.experimental.pallas import tpu as pltpu
from jax.experimental.pallas import tpu_sc as plsc

_FEAT_STRIDE = 16
_WH = np.array([16., 32., 64., 128., 256., 512., 1024.], dtype=np.float32)
_ANCH = np.stack([-(_WH - 1.0) / 2.0, (_WH - 1.0) / 2.0], axis=1).astype(np.float32)
_PRE_TOPN = 6000
_POST_TOPN = 300
_THRESH = 0.7
_COM_TOPN = 2000
_COM_TOPK = 3

_N = 6000
_C = 512
_NC = 12
_NP = _C * _NC
_R = 384

_INTERPRET = False


def _decode(strings, deltas):
    widths = strings[..., 1] - strings[..., 0] + 1.0
    ctr = strings[..., 0] + 0.5 * widths
    d_ctr = deltas[..., 0]
    d_w = jnp.clip(deltas[..., 1], -10.0, 4.0)
    pred_ctr = d_ctr * widths + ctr
    pred_w = jnp.exp(d_w) * widths
    return jnp.stack([pred_ctr - 0.5 * (pred_w - 1.0),
                      pred_ctr + 0.5 * (pred_w - 1.0)], axis=-1)


def _pairs(prop_a, prop_b, sc_a, sc_b, A, K, primary_is_w):
    B = prop_a.shape[0]
    top_sa, top_ia = jax.lax.top_k(sc_a, _COM_TOPN)
    pos = top_ia // A
    a_sel = jnp.take_along_axis(prop_a, top_ia[..., None], axis=1)
    sc_b_r = sc_b.reshape(B, K, A)
    prop_b_r = prop_b.reshape(B, K, A, 2)
    top_sb, top_ib = jax.lax.top_k(sc_b_r, _COM_TOPK)
    b_strings = jnp.take_along_axis(prop_b_r, top_ib[..., None], axis=2)
    idx_s = jnp.broadcast_to(pos[:, :, None], (B, _COM_TOPN, _COM_TOPK))
    sb_at = jnp.take_along_axis(top_sb, idx_s, axis=1)
    idx_b = jnp.broadcast_to(pos[:, :, None, None], (B, _COM_TOPN, _COM_TOPK, 2))
    b_at = jnp.take_along_axis(b_strings, idx_b, axis=1)
    a_exp = jnp.broadcast_to(a_sel[:, :, None, :], (B, _COM_TOPN, _COM_TOPK, 2))
    if primary_is_w:
        boxes = jnp.stack([a_exp[..., 0], b_at[..., 0], a_exp[..., 1], b_at[..., 1]], axis=-1)
    else:
        boxes = jnp.stack([b_at[..., 0], a_exp[..., 0], b_at[..., 1], a_exp[..., 1]], axis=-1)
    scores = top_sa[:, :, None] * sb_at
    return boxes.reshape(B, _COM_TOPN * _COM_TOPK, 4), scores.reshape(B, _COM_TOPN * _COM_TOPK)


def _pairs_sc_kernel(props, scs, ias, sas, clipb, bx_out, sc_out,
                     a_buf, b_buf, scb_buf, ia_buf, sa_buf,
                     stage_bx, stage_sc, clip_buf):
    cid = lax.axis_index("c")
    sid = lax.axis_index("s")
    wid = sid * 2 + cid
    img = wid // 8
    side = (wid // 4) % 2
    part = wid % 4

    pltpu.sync_copy(props.at[img, side], a_buf)
    pltpu.sync_copy(props.at[img, 1 - side], b_buf)
    pltpu.sync_copy(scs.at[img, 1 - side], scb_buf)
    pltpu.sync_copy(ias.at[img, side, pl.ds(part * 512, 512)], ia_buf)
    pltpu.sync_copy(sas.at[img, side, pl.ds(part * 512, 512)], sa_buf)
    pltpu.sync_copy(clipb.at[img], clip_buf)

    clipx = clip_buf[0, :]
    clipy = clip_buf[1, :]
    sidew = lax.broadcast(side, (16,)) == 0
    lanes = lax.broadcasted_iota(jnp.int32, (16,), 0)
    zero16 = jnp.zeros((16,), jnp.float32)

    def body(g, carry):
        ia_v = ia_buf[pl.ds(g * 16, 16)]
        sa_v = sa_buf[pl.ds(g * 16, 16)]
        a0 = plsc.load_gather(a_buf, [ia_v * 2])
        a1 = plsc.load_gather(a_buf, [ia_v * 2 + 1])
        pos7 = (ia_v // 7) * 7
        vals = [plsc.load_gather(scb_buf, [pos7 + a]) for a in range(7)]

        picked = []
        for _ in range(3):
            m = jnp.full((16,), -1.0, jnp.float32)
            mi = jnp.zeros((16,), jnp.int32)
            for a in range(7):
                va = vals[a]
                for (_, pix) in picked:
                    va = jnp.where(pix == a, -1.0, va)
                cond = va > m
                m = jnp.where(cond, va, m)
                mi = jnp.where(cond, a, mi)
            picked.append((m, mi))

        for k, (mk, ik) in enumerate(picked):
            bidx = pos7 + ik
            b0 = plsc.load_gather(b_buf, [bidx * 2])
            b1 = plsc.load_gather(b_buf, [bidx * 2 + 1])
            sc_v = sa_v * mk
            x1 = jnp.where(sidew, a0, b0)
            y1 = jnp.where(sidew, b0, a0)
            x2 = jnp.where(sidew, a1, b1)
            y2 = jnp.where(sidew, b1, a1)
            x1 = jnp.maximum(jnp.minimum(x1, clipx), zero16)
            y1 = jnp.maximum(jnp.minimum(y1, clipy), zero16)
            x2 = jnp.maximum(jnp.minimum(x2, clipx), zero16)
            y2 = jnp.maximum(jnp.minimum(y2, clipy), zero16)
            st_idx = g * 48 + lanes * 3 + k
            plsc.store_scatter(stage_sc, [st_idx], sc_v)
            plsc.store_scatter(stage_bx, [st_idx * 4], x1)
            plsc.store_scatter(stage_bx, [st_idx * 4 + 1], y1)
            plsc.store_scatter(stage_bx, [st_idx * 4 + 2], x2)
            plsc.store_scatter(stage_bx, [st_idx * 4 + 3], y2)
        return carry

    lax.fori_loop(0, 32, body, jnp.int32(0))
    pltpu.sync_copy(stage_bx, bx_out.at[img, side, pl.ds(part * 6144, 6144)])
    pltpu.sync_copy(stage_sc, sc_out.at[img, side, pl.ds(part * 1536, 1536)])


def _pairs_sc(prop_w, prop_h, sc_w, sc_h, ia_w, sa_w, ia_h, sa_h, im_info):
    B = prop_w.shape[0]
    props = jnp.stack([prop_w.reshape(B, -1), prop_h.reshape(B, -1)], axis=1)
    scs = jnp.stack([sc_w, sc_h], axis=1)
    pad = ((0, 0), (0, 2048 - _COM_TOPN))
    ias = jnp.stack([jnp.pad(ia_w, pad), jnp.pad(ia_h, pad)], axis=1)
    sas = jnp.stack([jnp.pad(sa_w, pad), jnp.pad(sa_h, pad)], axis=1)
    clipb = jnp.stack([
        jnp.broadcast_to(im_info[:, 1][:, None] - 1.0, (B, 16)),
        jnp.broadcast_to(im_info[:, 0][:, None] - 1.0, (B, 16)),
    ], axis=1)

    run = pl.kernel(
        _pairs_sc_kernel,
        out_type=(
            jax.ShapeDtypeStruct((B, 2, 24576), jnp.float32),
            jax.ShapeDtypeStruct((B, 2, 6144), jnp.float32),
        ),
        scratch_types=[
            pltpu.VMEM((14336,), jnp.float32),
            pltpu.VMEM((14336,), jnp.float32),
            pltpu.VMEM((7168,), jnp.float32),
            pltpu.VMEM((512,), jnp.int32),
            pltpu.VMEM((512,), jnp.float32),
            pltpu.VMEM((6144,), jnp.float32),
            pltpu.VMEM((1536,), jnp.float32),
            pltpu.VMEM((2, 16), jnp.float32),
        ],
        mesh=plsc.VectorSubcoreMesh(core_axis_name="c", subcore_axis_name="s"),
        compiler_params=pltpu.CompilerParams(needs_layout_passes=False),
    )
    bx, scp = run(props, scs, ias, sas, clipb)
    scores = scp[:, :, :6000].reshape(B, 12000)
    return bx.reshape(B, 49152), scores


def _layout_sc_kernel(bx, ti, col_out, row_out, bx_buf, ti_buf, colst, rowst):
    cid = lax.axis_index("c")
    sid = lax.axis_index("s")
    wid = sid * 2 + cid
    img = wid // 8
    part = wid % 8

    pltpu.sync_copy(bx.at[img], bx_buf)
    pltpu.sync_copy(ti.at[img, pl.ds(part * 768, 768)], ti_buf)

    even = (part % 2) == 0
    c_full = jnp.where(even, (3 * part) // 2, (3 * part + 1) // 2)
    c_half = jnp.where(even, (3 * part) // 2 + 1, (3 * part - 1) // 2)
    off_h = jnp.where(even, 0, 256)
    lanes = lax.broadcasted_iota(jnp.int32, (16,), 0)
    n0 = part * 768

    def body(g, carry):
        l = g * 16 + lanes
        n_v = n0 + l
        valid = n_v < _N
        p = ti_buf[pl.ds(g * 16, 16)]
        f = p * 4 + jnp.where(p >= 6000, 576, 0)
        x1 = plsc.load_gather(bx_buf, [f])
        y1 = plsc.load_gather(bx_buf, [f + 1])
        x2 = plsc.load_gather(bx_buf, [f + 2])
        y2 = plsc.load_gather(bx_buf, [f + 3])
        big = jnp.full((16,), 2e9, jnp.float32)
        x1 = jnp.where(valid, x1, big)
        y1 = jnp.where(valid, y1, big)
        x2 = jnp.where(valid, x2, big)
        y2 = jnp.where(valid, y2, big)
        area = (x2 - x1 + 1.0) * (y2 - y1 + 1.0)
        in_full = jnp.where(even, l < 512, l >= 256)
        rbase = jnp.where(in_full,
                          jnp.where(even, l, l - 256),
                          jnp.where(even, l - 512, l))
        plsc.store_scatter(colst, [l * 8], jnp.ones((16,), jnp.float32))
        for k, v in enumerate((x1, y1, x2, y2, area)):
            plsc.store_scatter(colst, [l * 8 + 1 + k], v)
            ridx = jnp.where(in_full, k * 512 + rbase, 4096 + k * 256 + rbase)
            plsc.store_scatter(rowst, [ridx], v)
        return carry

    lax.fori_loop(0, 48, body, jnp.int32(0))

    pltpu.sync_copy(colst, col_out.at[img, pl.ds(part * 6144, 6144)])
    pltpu.sync_copy(rowst.at[pl.ds(0, 4096)], row_out.at[img, pl.ds(c_full * 4096, 4096)])
    for k in range(8):
        pltpu.sync_copy(rowst.at[pl.ds(4096 + k * 256, 256)],
                        row_out.at[img, pl.ds(c_half * 4096 + k * 512 + off_h, 256)])


def _layout_sc(bx_flat, top_i):
    B = bx_flat.shape[0]
    ti = jnp.pad(top_i, ((0, 0), (0, _NP - _N)))
    run = pl.kernel(
        _layout_sc_kernel,
        out_type=(
            jax.ShapeDtypeStruct((B, 49152), jnp.float32),
            jax.ShapeDtypeStruct((B, 49152), jnp.float32),
        ),
        scratch_types=[
            pltpu.VMEM((49152,), jnp.float32),
            pltpu.VMEM((768,), jnp.int32),
            pltpu.VMEM((6144,), jnp.float32),
            pltpu.VMEM((6144,), jnp.float32),
        ],
        mesh=plsc.VectorSubcoreMesh(core_axis_name="c", subcore_axis_name="s"),
        compiler_params=pltpu.CompilerParams(needs_layout_passes=False),
    )
    col_f, row_f = run(bx_flat, ti)
    return col_f.reshape(B, _NC, _C, 8), row_f.reshape(B, _NC, 8, _C)


def _clip_boxes(boxes, im_info):
    h = im_info[:, 0][:, None]
    w = im_info[:, 1][:, None]
    x1 = jnp.clip(boxes[..., 0], 0.0, w - 1.0)
    y1 = jnp.clip(boxes[..., 1], 0.0, h - 1.0)
    x2 = jnp.clip(boxes[..., 2], 0.0, w - 1.0)
    y2 = jnp.clip(boxes[..., 3], 0.0, h - 1.0)
    return jnp.stack([x1, y1, x2, y2], axis=-1)


def _iou(colv, rowv):
    x1c, y1c, x2c, y2c, ac = colv
    x1r, y1r, x2r, y2r, ar = rowv
    xx1 = jnp.maximum(x1c, x1r)
    yy1 = jnp.maximum(y1c, y1r)
    xx2 = jnp.minimum(x2c, x2r)
    yy2 = jnp.minimum(y2c, y2r)
    iw = jnp.maximum(0.0, xx2 - xx1 + 1.0)
    ih = jnp.maximum(0.0, yy2 - yy1 + 1.0)
    inter = iw * ih
    return inter / (ac + ar - inter)


def _nms_kernel(col_ref, row_ref, out_ref, keep_col_ref):
    C, NC, R = _C, _NC, _R
    out_ref[...] = jnp.zeros((1, R, 8), jnp.float32)

    def get_col(t):
        return tuple(col_ref[0, t, :, k + 1:k + 2] for k in range(5))

    def get_row(t):
        return tuple(row_ref[0, t, k:k + 1, :] for k in range(5))

    iota_s = lax.broadcasted_iota(jnp.int32, (C, C), 0)
    iota_l = lax.broadcasted_iota(jnp.int32, (C, C), 1)
    ident = iota_s == iota_l
    tri = jnp.where(iota_s <= iota_l, 1.0, 0.0)
    iota_rc = lax.broadcasted_iota(jnp.int32, (R, C), 0)

    def chunk_step(carry):
        c, cnt = carry
        colc = get_col(c)
        rowc = get_row(c)

        def pbody(jt, sup):
            colj = get_col(jt)
            keepj = keep_col_ref[jt]
            s = (_iou(colj, rowc) > _THRESH) & (keepj > 0.5)
            return jnp.maximum(sup, jnp.max(jnp.where(s, 1.0, 0.0), axis=0, keepdims=True))

        sup_row = lax.fori_loop(0, c, pbody, jnp.zeros((1, C), jnp.float32))
        sup_col = jnp.max(jnp.where(ident, jnp.broadcast_to(sup_row, (C, C)), 0.0),
                          axis=1, keepdims=True)

        gt = _iou(colc, rowc) > _THRESH
        ma = jnp.where(gt & (iota_s > iota_l), 1.0, 0.0)
        mb = jnp.where(gt & (iota_l > iota_s), 1.0, 0.0)

        gidx_row = c * C + lax.broadcasted_iota(jnp.int32, (1, C), 1)
        gidx_col = c * C + lax.broadcasted_iota(jnp.int32, (C, 1), 0)
        pre_row = (1.0 - sup_row) * jnp.where(gidx_row < _N, 1.0, 0.0)
        pre_col = (1.0 - sup_col) * jnp.where(gidx_col < _N, 1.0, 0.0)

        def fcond(fc):
            return fc[2]

        def fbody(fc):
            k_row, _, _ = fc
            a1 = jnp.max(ma * k_row, axis=1, keepdims=True)
            k_col = pre_col * (1.0 - a1)
            a2 = jnp.max(mb * k_col, axis=0, keepdims=True)
            k_row_new = pre_row * (1.0 - a2)
            changed = jnp.max(jnp.abs(k_row_new - k_row)) > 0.0
            return (k_row_new, k_col, changed)

        k_row, k_col, _ = lax.while_loop(
            fcond, fbody,
            (pre_row, jnp.zeros((C, 1), jnp.float32), jnp.bool_(True)))

        keep_col_ref[c] = k_col

        incl = lax.dot_general(k_row, tri, (((1,), (0,)), ((), ())),
                               precision=lax.Precision.HIGHEST)
        rank = cnt + incl - 1.0
        onehot = jnp.where(
            (iota_rc == rank.astype(jnp.int32)) & (k_row > 0.5), 1.0, 0.0)
        feats = col_ref[0, c]
        out_ref[0] += lax.dot_general(onehot, feats, (((1,), (0,)), ((), ())),
                                      precision=lax.Precision.HIGHEST)
        return (c + 1, cnt + jnp.sum(k_row))

    def ccond(carry):
        c, cnt = carry
        return (c < NC) & (cnt < float(_POST_TOPN))

    lax.while_loop(ccond, chunk_step, (jnp.int32(0), jnp.float32(0.0)))
    bval = lax.convert_element_type(pl.program_id(0), jnp.float32)
    out_ref[0, :, 0:1] = jnp.full((R, 1), 1.0, jnp.float32) * bval


def _nms_pallas(col3, row3):
    B = col3.shape[0]
    out = pl.pallas_call(
        _nms_kernel,
        grid=(B,),
        in_specs=[
            pl.BlockSpec((1, _NC, _C, 8), lambda b: (b, 0, 0, 0)),
            pl.BlockSpec((1, _NC, 8, _C), lambda b: (b, 0, 0, 0)),
        ],
        out_specs=pl.BlockSpec((1, _R, 8), lambda b: (b, 0, 0)),
        out_shape=jax.ShapeDtypeStruct((B, _R, 8), jnp.float32),
        scratch_shapes=[pltpu.VMEM((_NC, _C, 1), jnp.float32)],
        interpret=_INTERPRET,
    )(col3, row3)
    return out


def kernel(scores_w, scores_h, bbox_deltas_w, bbox_deltas_h, im_info):
    B = scores_w.shape[0]
    A = _ANCH.shape[0]
    H, W = scores_w.shape[2], scores_w.shape[3]
    K = H * W
    anch = jnp.asarray(_ANCH)

    sc_w = jnp.transpose(scores_w[:, A:], (0, 2, 3, 1)).reshape(B, -1)
    sc_h = jnp.transpose(scores_h[:, A:], (0, 2, 3, 1)).reshape(B, -1)
    d_w = jnp.transpose(bbox_deltas_w, (0, 2, 3, 1)).reshape(B, -1, 2)
    d_h = jnp.transpose(bbox_deltas_h, (0, 2, 3, 1)).reshape(B, -1, 2)

    sx, sy = jnp.meshgrid(jnp.arange(W, dtype=jnp.float32) * _FEAT_STRIDE,
                          jnp.arange(H, dtype=jnp.float32) * _FEAT_STRIDE)
    shifts_x = sx.ravel()
    shifts_y = sy.ravel()
    anch_w = jnp.broadcast_to(
        (anch[None, :, :] + shifts_x[:, None, None]).reshape(1, K * A, 2), (B, K * A, 2))
    anch_h = jnp.broadcast_to(
        (anch[None, :, :] + shifts_y[:, None, None]).reshape(1, K * A, 2), (B, K * A, 2))
    prop_w = _decode(anch_w, d_w)
    prop_h = _decode(anch_h, d_h)
    sa_w, ia_w = jax.lax.top_k(sc_w, _COM_TOPN)
    sa_h, ia_h = jax.lax.top_k(sc_h, _COM_TOPN)
    bx_flat, scores = _pairs_sc(prop_w, prop_h, sc_w, sc_h,
                                ia_w, sa_w, ia_h, sa_h, im_info)

    top_s, top_i = jax.lax.top_k(scores, _N)
    col3, row3 = _layout_sc(bx_flat, top_i)

    out = _nms_pallas(col3, row3)
    return out[:, :_POST_TOPN, :5]

# --- scband reference (transcript-rebuilt; emitter-appended) ---
"""Pipeline reference for scband-de-rpn-proposal-layer-2508260901853 (READ-ONLY COPY).

The authoritative reference and input builder live on the scoring server;
editing this copy changes nothing except your own understanding.
"""

import jax, jax.numpy as jnp
import numpy as np

FEAT_STRIDE = 16
W_AN = np.array([16., 32., 64., 128., 256., 512., 1024.], dtype=np.float32)
H_AN = np.array([16., 32., 64., 128., 256., 512., 1024.], dtype=np.float32)
PRE_NMS_TOPN = 6000
POST_NMS_TOPN = 300
NMS_THRESH = 0.7
COM_TOPN = 2000
COM_TOPK = 3

def generate_anchor_strings(w_an):
    # 1-D anchor 'strings' (intervals) centered at 0: [-(w-1)/2, (w-1)/2]
    return np.stack([-(w_an - 1.0) / 2.0, (w_an - 1.0) / 2.0], axis=1).astype(np.float32)

ANCH_W = jnp.asarray(generate_anchor_strings(W_AN))  # [A, 2]
ANCH_H = jnp.asarray(generate_anchor_strings(H_AN))  # [A, 2]


def setup_inputs(seed: int = 0):
    key = jax.random.key(seed)
    k1, k2, k3, k4 = jax.random.split(key, 4)
    B, A, H, W = 4, 7, 32, 32
    scores_w = jax.random.uniform(k1, (B, 2 * A, H, W), jnp.float32)
    scores_h = jax.random.uniform(k2, (B, 2 * A, H, W), jnp.float32)
    bbox_deltas_w = jax.random.normal(k3, (B, 2 * A, H, W), jnp.float32) * 0.1
    bbox_deltas_h = jax.random.normal(k4, (B, 2 * A, H, W), jnp.float32) * 0.1
    im_info = jnp.tile(jnp.array([512.0, 512.0, 1.0], jnp.float32), (B, 1))
    return {"scores_w": scores_w, "scores_h": scores_h,
            "bbox_deltas_w": bbox_deltas_w, "bbox_deltas_h": bbox_deltas_h,
            "im_info": im_info}


def bbox_transform_inv_derpn(strings, deltas):
    widths = strings[..., 1] - strings[..., 0] + 1.0
    ctr = strings[..., 0] + 0.5 * widths
    d_ctr = deltas[..., 0]
    d_w = jnp.clip(deltas[..., 1], -10.0, 4.0)
    pred_ctr = d_ctr * widths + ctr
    pred_w = jnp.exp(d_w) * widths
    return jnp.stack([pred_ctr - 0.5 * (pred_w - 1.0),
                      pred_ctr + 0.5 * (pred_w - 1.0)], axis=-1)


def strings_to_proposals(prop_a, prop_b, sc_a, sc_b, A, K, primary_is_w):
    # prop_a/prop_b: [B, K*A, 2] decoded strings; sc_a/sc_b: [B, K*A]
    B = prop_a.shape[0]
    top_sa, top_ia = jax.lax.top_k(sc_a, COM_TOPN)        # [B, N]
    pos = top_ia // A                                      # spatial cell of each primary string
    a_sel = jnp.take_along_axis(prop_a, top_ia[..., None], axis=1)  # [B, N, 2]
    sc_b_r = sc_b.reshape(B, K, A)
    prop_b_r = prop_b.reshape(B, K, A, 2)
    top_sb, top_ib = jax.lax.top_k(sc_b_r, COM_TOPK)      # [B, K, k]
    b_strings = jnp.take_along_axis(prop_b_r, top_ib[..., None], axis=2)  # [B, K, k, 2]
    idx_s = jnp.broadcast_to(pos[:, :, None], (B, COM_TOPN, COM_TOPK))
    sb_at = jnp.take_along_axis(top_sb, idx_s, axis=1)    # [B, N, k]
    idx_b = jnp.broadcast_to(pos[:, :, None, None], (B, COM_TOPN, COM_TOPK, 2))
    b_at = jnp.take_along_axis(b_strings, idx_b, axis=1)  # [B, N, k, 2]
    a_exp = jnp.broadcast_to(a_sel[:, :, None, :], (B, COM_TOPN, COM_TOPK, 2))
    if primary_is_w:
        boxes = jnp.stack([a_exp[..., 0], b_at[..., 0], a_exp[..., 1], b_at[..., 1]], axis=-1)
    else:
        boxes = jnp.stack([b_at[..., 0], a_exp[..., 0], b_at[..., 1], a_exp[..., 1]], axis=-1)
    scores = top_sa[:, :, None] * sb_at
    return boxes.reshape(B, COM_TOPN * COM_TOPK, 4), scores.reshape(B, COM_TOPN * COM_TOPK)


def clip_boxes(boxes, im_info):
    h = im_info[:, 0][:, None]
    w = im_info[:, 1][:, None]
    x1 = jnp.clip(boxes[..., 0], 0.0, w - 1.0)
    y1 = jnp.clip(boxes[..., 1], 0.0, h - 1.0)
    x2 = jnp.clip(boxes[..., 2], 0.0, w - 1.0)
    y2 = jnp.clip(boxes[..., 3], 0.0, h - 1.0)
    return jnp.stack([x1, y1, x2, y2], axis=-1)


def nms_keep(boxes):
    # boxes sorted by descending score; returns keep mask
    n = boxes.shape[0]
    x1, y1, x2, y2 = boxes[:, 0], boxes[:, 1], boxes[:, 2], boxes[:, 3]
    areas = (x2 - x1 + 1.0) * (y2 - y1 + 1.0)
    ar = jnp.arange(n)

    def body(i, keep):
        xx1 = jnp.maximum(x1[i], x1)
        yy1 = jnp.maximum(y1[i], y1)
        xx2 = jnp.minimum(x2[i], x2)
        yy2 = jnp.minimum(y2[i], y2)
        iw = jnp.maximum(0.0, xx2 - xx1 + 1.0)
        ih = jnp.maximum(0.0, yy2 - yy1 + 1.0)
        inter = iw * ih
        iou = inter / (areas[i] + areas - inter)
        suppress = (iou > NMS_THRESH) & (ar > i)
        return jnp.where(keep[i], keep & (~suppress), keep)

    return jax.lax.fori_loop(0, n, body, jnp.ones((n,), bool))


def _forward(scores_w, scores_h, bbox_deltas_w, bbox_deltas_h, im_info):
    B = scores_w.shape[0]
    A = ANCH_W.shape[0]
    H, W = scores_w.shape[2], scores_w.shape[3]
    K = H * W
    sc_w = jnp.transpose(scores_w[:, A:], (0, 2, 3, 1)).reshape(B, -1)
    sc_h = jnp.transpose(scores_h[:, A:], (0, 2, 3, 1)).reshape(B, -1)
    d_w = jnp.transpose(bbox_deltas_w, (0, 2, 3, 1)).reshape(B, -1, 2)
    d_h = jnp.transpose(bbox_deltas_h, (0, 2, 3, 1)).reshape(B, -1, 2)
    sx, sy = jnp.meshgrid(jnp.arange(W, dtype=jnp.float32) * FEAT_STRIDE,
                          jnp.arange(H, dtype=jnp.float32) * FEAT_STRIDE)
    shifts_x = sx.ravel()
    shifts_y = sy.ravel()
    anch_w = jnp.broadcast_to((ANCH_W[None, :, :] + shifts_x[:, None, None]).reshape(1, K * A, 2), (B, K * A, 2))
    anch_h = jnp.broadcast_to((ANCH_H[None, :, :] + shifts_y[:, None, None]).reshape(1, K * A, 2), (B, K * A, 2))
    prop_w = bbox_transform_inv_derpn(anch_w, d_w)
    prop_h = bbox_transform_inv_derpn(anch_h, d_h)
    bx_w, s_w = strings_to_proposals(prop_w, prop_h, sc_w, sc_h, A, K, True)
    bx_h, s_h = strings_to_proposals(prop_h, prop_w, sc_h, sc_w, A, K, False)
    proposals = jnp.concatenate([bx_w, bx_h], axis=1)
    scores = jnp.concatenate([s_w, s_h], axis=1)
    proposals = clip_boxes(proposals, im_info)
    n_pre = min(PRE_NMS_TOPN, scores.shape[1])
    top_s, top_i = jax.lax.top_k(scores, n_pre)
    boxes_sorted = jnp.take_along_axis(proposals, top_i[..., None], axis=1)
    keep = jax.vmap(nms_keep)(jax.lax.stop_gradient(boxes_sorted))

    def select(keep_b, boxes_b):
        order = jnp.argsort(~keep_b)  # stable: kept boxes first, in score order
        sel = order[:POST_NMS_TOPN]
        valid = keep_b[sel].astype(boxes_b.dtype)
        return boxes_b[sel] * valid[:, None]

    out_boxes = jax.vmap(select)(keep, boxes_sorted)
    batch_col = jnp.broadcast_to(jnp.arange(B, dtype=out_boxes.dtype)[:, None, None], (B, POST_NMS_TOPN, 1))
    return jnp.concatenate([batch_col, out_boxes], axis=2)


_forward_jit = jax.jit(_forward)


def reference(scores_w, scores_h, bbox_deltas_w, bbox_deltas_h, im_info):
    return _forward_jit(scores_w, scores_h, bbox_deltas_w, bbox_deltas_h, im_info)

if __name__ == "__main__":
    import jax
    _d = setup_inputs()
    print(jax.jit(kernel)(*tuple(_d.values())))

</pallas_src>

<mosaic_0001>
#map = affine_map<(d0, d1) -> (0, 0, 0)>
module attributes {stable_mosaic.version = 14 : i64} {
  func.func @_pairs_sc_kernel(%arg0: i32, %arg1: i32, %arg2: memref<4x2x14336xf32, #tpu.memory_space<hbm>>, %arg3: memref<4x2x7168xf32, #tpu.memory_space<hbm>>, %arg4: memref<4x2x2048xi32, #tpu.memory_space<hbm>>, %arg5: memref<4x2x2048xf32, #tpu.memory_space<hbm>>, %arg6: memref<4x2x16xf32, #tpu.memory_space<hbm>>, %arg7: memref<4x2x24576xf32, #tpu.memory_space<hbm>>, %arg8: memref<4x2x6144xf32, #tpu.memory_space<hbm>>, %arg9: memref<14336xf32, #tpu.memory_space<vmem>>, %arg10: memref<14336xf32, #tpu.memory_space<vmem>>, %arg11: memref<7168xf32, #tpu.memory_space<vmem>>, %arg12: memref<512xi32, #tpu.memory_space<vmem>>, %arg13: memref<512xf32, #tpu.memory_space<vmem>>, %arg14: memref<6144xf32, #tpu.memory_space<vmem>>, %arg15: memref<1536xf32, #tpu.memory_space<vmem>>, %arg16: memref<2x16xf32, #tpu.memory_space<vmem>>) attributes {dimension_semantics = [#tpu.dimension_semantics<core_parallel>, #tpu.dimension_semantics<subcore_parallel>], iteration_bounds = array<i64: 2, 16>, scalar_prefetch = 0 : i64, scratch_operands = 8 : i64, tpu.core_type = #tpu.core_type<sc_vector_subcore>, window_params = [{transform_indices = #map}, {transform_indices = #map}, {transform_indices = #map}, {transform_indices = #map}, {transform_indices = #map}, {transform_indices = #map}, {transform_indices = #map}]} {
    %mul3A = arith.constant 2 : i32
    %mul3A_0 = arith.muli %arg1, %mul3A : i32
    %add3A = arith.addi %mul3A_0, %arg0 : i32
    %jit3A = arith.constant 8 : i32
    %div3A = arith.divsi %add3A, %jit3A : i32
    %sign3A = arith.constant 0 : i32
    %sign3A_1 = arith.cmpi sgt, %add3A, %sign3A : i32
    %sign3A_2 = arith.extui %sign3A_1 : i1 to i32
    %sign3A_3 = arith.constant 0 : i32
    %sign3A_4 = arith.cmpi slt, %add3A, %sign3A_3 : i32
    %sign3A_5 = arith.extui %sign3A_4 : i1 to i32
    %sign3A_6 = arith.subi %sign3A_2, %sign3A_5 : i32
    %sign3A_7 = arith.constant 0 : i32
    %sign3A_8 = arith.cmpi sgt, %jit3A, %sign3A_7 : i32
    %sign3A_9 = arith.extui %sign3A_8 : i1 to i32
    %sign3A_10 = arith.constant 0 : i32
    %sign3A_11 = arith.cmpi slt, %jit3A, %sign3A_10 : i32
    %sign3A_12 = arith.extui %sign3A_11 : i1 to i32
    %sign3A_13 = arith.subi %sign3A_9, %sign3A_12 : i32
    %ne3A = arith.cmpi ne, %sign3A_6, %sign3A_13 : i32
    %rem3A = arith.remsi %add3A, %jit3A : i32
    %ne3A_14 = arith.constant 0 : i32
    %ne3A_15 = arith.cmpi ne, %rem3A, %ne3A_14 : i32
    %and3A = arith.andi %ne3A, %ne3A_15 : i1
    %sub3A = arith.constant 1 : i32
    %sub3A_16 = arith.subi %div3A, %sub3A : i32
    %select_n3A = arith.select %and3A, %sub3A_16, %div3A : i32
    %jit3A_17 = arith.constant 4 : i32
    %div3A_18 = arith.divsi %add3A, %jit3A_17 : i32
    %sign3A_19 = arith.constant 0 : i32
    %sign3A_20 = arith.cmpi sgt, %add3A, %sign3A_19 : i32
    %sign3A_21 = arith.extui %sign3A_20 : i1 to i32
    %sign3A_22 = arith.constant 0 : i32
    %sign3A_23 = arith.cmpi slt, %add3A, %sign3A_22 : i32
    %sign3A_24 = arith.extui %sign3A_23 : i1 to i32
    %sign3A_25 = arith.subi %sign3A_21, %sign3A_24 : i32
    %sign3A_26 = arith.constant 0 : i32
    %sign3A_27 = arith.cmpi sgt, %jit3A_17, %sign3A_26 : i32
    %sign3A_28 = arith.extui %sign3A_27 : i1 to i32
    %sign3A_29 = arith.constant 0 : i32
    %sign3A_30 = arith.cmpi slt, %jit3A_17, %sign3A_29 : i32
    %sign3A_31 = arith.extui %sign3A_30 : i1 to i32
    %sign3A_32 = arith.subi %sign3A_28, %sign3A_31 : i32
    %ne3A_33 = arith.cmpi ne, %sign3A_25, %sign3A_32 : i32
    %rem3A_34 = arith.remsi %add3A, %jit3A_17 : i32
    %ne3A_35 = arith.constant 0 : i32
    %ne3A_36 = arith.cmpi ne, %rem3A_34, %ne3A_35 : i32
    %and3A_37 = arith.andi %ne3A_33, %ne3A_36 : i1
    %sub3A_38 = arith.constant 1 : i32
    %sub3A_39 = arith.subi %div3A_18, %sub3A_38 : i32
    %select_n3A_40 = arith.select %and3A_37, %sub3A_39, %div3A_18 : i32
    %jit3A_41 = arith.constant 2 : i32
    %eq3A = arith.constant 0 : i32
    %eq3A_42 = arith.cmpi eq, %jit3A_41, %eq3A : i32
    %jit3A_43 = arith.constant 1 : i32
    %select_n3A_44 = arith.select %eq3A_42, %jit3A_43, %jit3A_41 : i32
    %rem3A_45 = arith.remsi %select_n3A_40, %select_n3A_44 : i32
    %ne3A_46 = arith.constant 0 : i32
    %ne3A_47 = arith.cmpi ne, %rem3A_45, %ne3A_46 : i32
    %lt3A = arith.constant 0 : i32
    %lt3A_48 = arith.cmpi slt, %rem3A_45, %lt3A : i32
    %lt3A_49 = arith.constant 0 : i32
    %lt3A_50 = arith.cmpi slt, %select_n3A_44, %lt3A_49 : i32
    %ne3A_51 = arith.xori %lt3A_48, %lt3A_50 : i1
    %and3A_52 = arith.andi %ne3A_51, %ne3A_47 : i1
    %add3A_53 = arith.addi %rem3A_45, %select_n3A_44 : i32
    %select_n3A_54 = arith.select %and3A_52, %add3A_53, %rem3A_45 : i32
    %jit3A_55 = arith.constant 4 : i32
    %eq3A_56 = arith.constant 0 : i32
    %eq3A_57 = arith.cmpi eq, %jit3A_55, %eq3A_56 : i32
    %jit3A_58 = arith.constant 1 : i32
    %select_n3A_59 = arith.select %eq3A_57, %jit3A_58, %jit3A_55 : i32
    %rem3A_60 = arith.remsi %add3A, %select_n3A_59 : i32
    %ne3A_61 = arith.constant 0 : i32
    %ne3A_62 = arith.cmpi ne, %rem3A_60, %ne3A_61 : i32
    %lt3A_63 = arith.constant 0 : i32
    %lt3A_64 = arith.cmpi slt, %rem3A_60, %lt3A_63 : i32
    %lt3A_65 = arith.constant 0 : i32
    %lt3A_66 = arith.cmpi slt, %select_n3A_59, %lt3A_65 : i32
    %ne3A_67 = arith.xori %lt3A_64, %lt3A_66 : i1
    %and3A_68 = arith.andi %ne3A_67, %ne3A_62 : i1
    %add3A_69 = arith.addi %rem3A_60, %select_n3A_59 : i32
    %select_n3A_70 = arith.select %and3A_68, %add3A_69, %rem3A_60 : i32
    "tpu.region"() ({
      %run_scoped3A = tpu.sem_alloc : memref<!tpu.dma_semaphore, #tpu.memory_space<semaphore_mem>>
      %dma_start3A = arith.constant 0 : i32
      %dma_start3A_100 = tpu.memref_slice %arg2[%select_n3A, %select_n3A_54, %dma_start3A] : memref<4x2x14336xf32, #tpu.memory_space<hbm>> -> memref<1x1x14336xf32, #tpu.memory_space<hbm>>
      %dma_start3A_101 = tpu.memref_squeeze %dma_start3A_100 : memref<1x1x14336xf32, #tpu.memory_space<hbm>> -> memref<14336xf32, #tpu.memory_space<hbm>>
      %dma_start3A_102 = arith.constant 0 : i32
      %dma_start3A_103 = tpu.memref_slice %arg2[%select_n3A, %select_n3A_54, %dma_start3A_102] : memref<4x2x14336xf32, #tpu.memory_space<hbm>> -> memref<1x1x14336xf32, #tpu.memory_space<hbm>>
      %dma_start3A_104 = tpu.memref_squeeze %dma_start3A_103 : memref<1x1x14336xf32, #tpu.memory_space<hbm>> -> memref<14336xf32, #tpu.memory_space<hbm>>
      tpu.enqueue_dma source(%dma_start3A_104 : memref<14336xf32, #tpu.memory_space<hbm>>) target(%arg9 : memref<14336xf32, #tpu.memory_space<vmem>>) target_semaphore(%run_scoped3A : memref<!tpu.dma_semaphore, #tpu.memory_space<semaphore_mem>>)
      %dma_wait3A = arith.constant 0 : i32
      %dma_wait3A_105 = tpu.memref_slice %arg2[%select_n3A, %select_n3A_54, %dma_wait3A] : memref<4x2x14336xf32, #tpu.memory_space<hbm>> -> memref<1x1x14336xf32, #tpu.memory_space<hbm>>
      %dma_wait3A_106 = tpu.memref_squeeze %dma_wait3A_105 : memref<1x1x14336xf32, #tpu.memory_space<hbm>> -> memref<14336xf32, #tpu.memory_space<hbm>>
      %dma_wait3A_107 = arith.constant 0 : i32
      %dma_wait3A_108 = tpu.memref_slice %arg2[%select_n3A, %select_n3A_54, %dma_wait3A_107] : memref<4x2x14336xf32, #tpu.memory_space<hbm>> -> memref<1x1x14336xf32, #tpu.memory_space<hbm>>
      %dma_wait3A_109 = tpu.memref_squeeze %dma_wait3A_108 : memref<1x1x14336xf32, #tpu.memory_space<hbm>> -> memref<14336xf32, #tpu.memory_space<hbm>>
      tpu.wait_dma2 semaphore(%run_scoped3A : memref<!tpu.dma_semaphore, #tpu.memory_space<semaphore_mem>>) src(%dma_wait3A_109 : memref<14336xf32, #tpu.memory_space<hbm>>) dst(%arg9 : memref<14336xf32, #tpu.memory_space<vmem>>)
      tpu.yield
    }) : () -> ()
    %sub3A_71 = arith.constant 1 : i32
    %sub3A_72 = arith.subi %sub3A_71, %select_n3A_54 : i32
    "tpu.region"() ({
      %run_scoped3A = tpu.sem_alloc : memref<!tpu.dma_semaphore, #tpu.memory_space<semaphore_mem>>
      %dma_start3A = arith.constant 0 : i32
      %dma_start3A_100 = tpu.memref_slice %arg2[%select_n3A, %sub3A_72, %dma_start3A] : memref<4x2x14336xf32, #tpu.memory_space<hbm>> -> memref<1x1x14336xf32, #tpu.memory_space<hbm>>
      %dma_start3A_101 = tpu.memref_squeeze %dma_start3A_100 : memref<1x1x14336xf32, #tpu.memory_space<hbm>> -> memref<14336xf32, #tpu.memory_space<hbm>>
      %dma_start3A_102 = arith.constant 0 : i32
      %dma_start3A_103 = tpu.memref_slice %arg2[%select_n3A, %sub3A_72, %dma_start3A_102] : memref<4x2x14336xf32, #tpu.memory_space<hbm>> -> memref<1x1x14336xf32, #tpu.memory_space<hbm>>
      %dma_start3A_104 = tpu.memref_squeeze %dma_start3A_103 : memref<1x1x14336xf32, #tpu.memory_space<hbm>> -> memref<14336xf32, #tpu.memory_space<hbm>>
      tpu.enqueue_dma source(%dma_start3A_104 : memref<14336xf32, #tpu.memory_space<hbm>>) target(%arg10 : memref<14336xf32, #tpu.memory_space<vmem>>) target_semaphore(%run_scoped3A : memref<!tpu.dma_semaphore, #tpu.memory_space<semaphore_mem>>)
      %dma_wait3A = arith.constant 0 : i32
      %dma_wait3A_105 = tpu.memref_slice %arg2[%select_n3A, %sub3A_72, %dma_wait3A] : memref<4x2x14336xf32, #tpu.memory_space<hbm>> -> memref<1x1x14336xf32, #tpu.memory_space<hbm>>
      %dma_wait3A_106 = tpu.memref_squeeze %dma_wait3A_105 : memref<1x1x14336xf32, #tpu.memory_space<hbm>> -> memref<14336xf32, #tpu.memory_space<hbm>>
      %dma_wait3A_107 = arith.constant 0 : i32
      %dma_wait3A_108 = tpu.memref_slice %arg2[%select_n3A, %sub3A_72, %dma_wait3A_107] : memref<4x2x14336xf32, #tpu.memory_space<hbm>> -> memref<1x1x14336xf32, #tpu.memory_space<hbm>>
      %dma_wait3A_109 = tpu.memref_squeeze %dma_wait3A_108 : memref<1x1x14336xf32, #tpu.memory_space<hbm>> -> memref<14336xf32, #tpu.memory_space<hbm>>
      tpu.wait_dma2 semaphore(%run_scoped3A : memref<!tpu.dma_semaphore, #tpu.memory_space<semaphore_mem>>) src(%dma_wait3A_109 : memref<14336xf32, #tpu.memory_space<hbm>>) dst(%arg10 : memref<14336xf32, #tpu.memory_space<vmem>>)
      tpu.yield
    }) : () -> ()
    %sub3A_73 = arith.constant 1 : i32
    %sub3A_74 = arith.subi %sub3A_73, %select_n3A_54 : i32
    "tpu.region"() ({
      %run_scoped3A = tpu.sem_alloc : memref<!tpu.dma_semaphore, #tpu.memory_space<semaphore_mem>>
      %dma_start3A = arith.constant 0 : i32
      %dma_start3A_100 = tpu.memref_slice %arg3[%select_n3A, %sub3A_74, %dma_start3A] : memref<4x2x7168xf32, #tpu.memory_space<hbm>> -> memref<1x1x7168xf32, #tpu.memory_space<hbm>>
      %dma_start3A_101 = tpu.memref_squeeze %dma_start3A_100 : memref<1x1x7168xf32, #tpu.memory_space<hbm>> -> memref<7168xf32, #tpu.memory_space<hbm>>
      %dma_start3A_102 = arith.constant 0 : i32
      %dma_start3A_103 = tpu.memref_slice %arg3[%select_n3A, %sub3A_74, %dma_start3A_102] : memref<4x2x7168xf32, #tpu.memory_space<hbm>> -> memref<1x1x7168xf32, #tpu.memory_space<hbm>>
      %dma_start3A_104 = tpu.memref_squeeze %dma_start3A_103 : memref<1x1x7168xf32, #tpu.memory_space<hbm>> -> memref<7168xf32, #tpu.memory_space<hbm>>
      tpu.enqueue_dma source(%dma_start3A_104 : memref<7168xf32, #tpu.memory_space<hbm>>) target(%arg11 : memref<7168xf32, #tpu.memory_space<vmem>>) target_semaphore(%run_scoped3A : memref<!tpu.dma_semaphore, #tpu.memory_space<semaphore_mem>>)
      %dma_wait3A = arith.constant 0 : i32
      %dma_wait3A_105 = tpu.memref_slice %arg3[%select_n3A, %sub3A_74, %dma_wait3A] : memref<4x2x7168xf32, #tpu.memory_space<hbm>> -> memref<1x1x7168xf32, #tpu.memory_space<hbm>>
      %dma_wait3A_106 = tpu.memref_squeeze %dma_wait3A_105 : memref<1x1x7168xf32, #tpu.memory_space<hbm>> -> memref<7168xf32, #tpu.memory_space<hbm>>
      %dma_wait3A_107 = arith.constant 0 : i32
      %dma_wait3A_108 = tpu.memref_slice %arg3[%select_n3A, %sub3A_74, %dma_wait3A_107] : memref<4x2x7168xf32, #tpu.memory_space<hbm>> -> memref<1x1x7168xf32, #tpu.memory_space<hbm>>
      %dma_wait3A_109 = tpu.memref_squeeze %dma_wait3A_108 : memref<1x1x7168xf32, #tpu.memory_space<hbm>> -> memref<7168xf32, #tpu.memory_space<hbm>>
      tpu.wait_dma2 semaphore(%run_scoped3A : memref<!tpu.dma_semaphore, #tpu.memory_space<semaphore_mem>>) src(%dma_wait3A_109 : memref<7168xf32, #tpu.memory_space<hbm>>) dst(%arg11 : memref<7168xf32, #tpu.memory_space<vmem>>)
      tpu.yield
    }) : () -> ()
    %mul3A_75 = arith.constant 512 : i32
    %mul3A_76 = arith.muli %select_n3A_70, %mul3A_75 : i32
    "tpu.region"() ({
      %run_scoped3A = tpu.sem_alloc : memref<!tpu.dma_semaphore, #tpu.memory_space<semaphore_mem>>
      %dma_start3A = tpu.memref_slice %arg4[%select_n3A, %select_n3A_54, %mul3A_76] : memref<4x2x2048xi32, #tpu.memory_space<hbm>> -> memref<1x1x512xi32, #tpu.memory_space<hbm>>
      %dma_start3A_100 = tpu.memref_squeeze %dma_start3A : memref<1x1x512xi32, #tpu.memory_space<hbm>> -> memref<512xi32, #tpu.memory_space<hbm>>
      %dma_start3A_101 = tpu.memref_slice %arg4[%select_n3A, %select_n3A_54, %mul3A_76] : memref<4x2x2048xi32, #tpu.memory_space<hbm>> -> memref<1x1x512xi32, #tpu.memory_space<hbm>>
      %dma_start3A_102 = tpu.memref_squeeze %dma_start3A_101 : memref<1x1x512xi32, #tpu.memory_space<hbm>> -> memref<512xi32, #tpu.memory_space<hbm>>
      tpu.enqueue_dma source(%dma_start3A_102 : memref<512xi32, #tpu.memory_space<hbm>>) target(%arg12 : memref<512xi32, #tpu.memory_space<vmem>>) target_semaphore(%run_scoped3A : memref<!tpu.dma_semaphore, #tpu.memory_space<semaphore_mem>>)
      %dma_wait3A = tpu.memref_slice %arg4[%select_n3A, %select_n3A_54, %mul3A_76] : memref<4x2x2048xi32, #tpu.memory_space<hbm>> -> memref<1x1x512xi32, #tpu.memory_space<hbm>>
      %dma_wait3A_103 = tpu.memref_squeeze %dma_wait3A : memref<1x1x512xi32, #tpu.memory_space<hbm>> -> memref<512xi32, #tpu.memory_space<hbm>>
      %dma_wait3A_104 = tpu.memref_slice %arg4[%select_n3A, %select_n3A_54, %mul3A_76] : memref<4x2x2048xi32, #tpu.memory_space<hbm>> -> memref<1x1x512xi32, #tpu.memory_space<hbm>>
      %dma_wait3A_105 = tpu.memref_squeeze %dma_wait3A_104 : memref<1x1x512xi32, #tpu.memory_space<hbm>> -> memref<512xi32, #tpu.memory_space<hbm>>
      tpu.wait_dma2 semaphore(%run_scoped3A : memref<!tpu.dma_semaphore, #tpu.memory_space<semaphore_mem>>) src(%dma_wait3A_105 : memref<512xi32, #tpu.memory_space<hbm>>) dst(%arg12 : memref<512xi32, #tpu.memory_space<vmem>>)
      tpu.yield
    }) : () -> ()
    %mul3A_77 = arith.constant 512 : i32
    %mul3A_78 = arith.muli %select_n3A_70, %mul3A_77 : i32
    "tpu.region"() ({
      %run_scoped3A = tpu.sem_alloc : memref<!tpu.dma_semaphore, #tpu.memory_space<semaphore_mem>>
      %dma_start3A = tpu.memref_slice %arg5[%select_n3A, %select_n3A_54, %mul3A_78] : memref<4x2x2048xf32, #tpu.memory_space<hbm>> -> memref<1x1x512xf32, #tpu.memory_space<hbm>>
      %dma_start3A_100 = tpu.memref_squeeze %dma_start3A : memref<1x1x512xf32, #tpu.memory_space<hbm>> -> memref<512xf32, #tpu.memory_space<hbm>>
      %dma_start3A_101 = tpu.memref_slice %arg5[%select_n3A, %select_n3A_54, %mul3A_78] : memref<4x2x2048xf32, #tpu.memory_space<hbm>> -> memref<1x1x512xf32, #tpu.memory_space<hbm>>
      %dma_start3A_102 = tpu.memref_squeeze %dma_start3A_101 : memref<1x1x512xf32, #tpu.memory_space<hbm>> -> memref<512xf32, #tpu.memory_space<hbm>>
      tpu.enqueue_dma source(%dma_start3A_102 : memref<512xf32, #tpu.memory_space<hbm>>) target(%arg13 : memref<512xf32, #tpu.memory_space<vmem>>) target_semaphore(%run_scoped3A : memref<!tpu.dma_semaphore, #tpu.memory_space<semaphore_mem>>)
      %dma_wait3A = tpu.memref_slice %arg5[%select_n3A, %select_n3A_54, %mul3A_78] : memref<4x2x2048xf32, #tpu.memory_space<hbm>> -> memref<1x1x512xf32, #tpu.memory_space<hbm>>
      %dma_wait3A_103 = tpu.memref_squeeze %dma_wait3A : memref<1x1x512xf32, #tpu.memory_space<hbm>> -> memref<512xf32, #tpu.memory_space<hbm>>
      %dma_wait3A_104 = tpu.memref_slice %arg5[%select_n3A, %select_n3A_54, %mul3A_78] : memref<4x2x2048xf32, #tpu.memory_space<hbm>> -> memref<1x1x512xf32, #tpu.memory_space<hbm>>
      %dma_wait3A_105 = tpu.memref_squeeze %dma_wait3A_104 : memref<1x1x512xf32, #tpu.memory_space<hbm>> -> memref<512xf32, #tpu.memory_space<hbm>>
      tpu.wait_dma2 semaphore(%run_scoped3A : memref<!tpu.dma_semaphore, #tpu.memory_space<semaphore_mem>>) src(%dma_wait3A_105 : memref<512xf32, #tpu.memory_space<hbm>>) dst(%arg13 : memref<512xf32, #tpu.memory_space<vmem>>)
      tpu.yield
    }) : () -> ()
    "tpu.region"() ({
      %run_scoped3A = tpu.sem_alloc : memref<!tpu.dma_semaphore, #tpu.memory_space<semaphore_mem>>
      %dma_start3A = arith.constant 0 : i32
      %dma_start3A_100 = arith.constant 0 : i32
      %dma_start3A_101 = tpu.memref_slice %arg6[%select_n3A, %dma_start3A, %dma_start3A_100] : memref<4x2x16xf32, #tpu.memory_space<hbm>> -> memref<1x2x16xf32, #tpu.memory_space<hbm>>
      %dma_start3A_102 = tpu.memref_squeeze %dma_start3A_101 : memref<1x2x16xf32, #tpu.memory_space<hbm>> -> memref<2x16xf32, #tpu.memory_space<hbm>>
      %dma_start3A_103 = arith.constant 0 : i32
      %dma_start3A_104 = arith.constant 0 : i32
      %dma_start3A_105 = tpu.memref_slice %arg6[%select_n3A, %dma_start3A_103, %dma_start3A_104] : memref<4x2x16xf32, #tpu.memory_space<hbm>> -> memref<1x2x16xf32, #tpu.memory_space<hbm>>
      %dma_start3A_106 = tpu.memref_squeeze %dma_start3A_105 : memref<1x2x16xf32, #tpu.memory_space<hbm>> -> memref<2x16xf32, #tpu.memory_space<hbm>>
      tpu.enqueue_dma source(%dma_start3A_106 : memref<2x16xf32, #tpu.memory_space<hbm>>) target(%arg16 : memref<2x16xf32, #tpu.memory_space<vmem>>) target_semaphore(%run_scoped3A : memref<!tpu.dma_semaphore, #tpu.memory_space<semaphore_mem>>)
      %dma_wait3A = arith.constant 0 : i32
      %dma_wait3A_107 = arith.constant 0 : i32
      %dma_wait3A_108 = tpu.memref_slice %arg6[%select_n3A, %dma_wait3A, %dma_wait3A_107] : memref<4x2x16xf32, #tpu.memory_space<hbm>> -> memref<1x2x16xf32, #tpu.memory_space<hbm>>
      %dma_wait3A_109 = tpu.memref_squeeze %dma_wait3A_108 : memref<1x2x16xf32, #tpu.memory_space<hbm>> -> memref<2x16xf32, #tpu.memory_space<hbm>>
      %dma_wait3A_110 = arith.constant 0 : i32
      %dma_wait3A_111 = arith.constant 0 : i32
      %dma_wait3A_112 = tpu.memref_slice %arg6[%select_n3A, %dma_wait3A_110, %dma_wait3A_111] : memref<4x2x16xf32, #tpu.memory_space<hbm>> -> memref<1x2x16xf32, #tpu.memory_space<hbm>>
      %dma_wait3A_113 = tpu.memref_squeeze %dma_wait3A_112 : memref<1x2x16xf32, #tpu.memory_space<hbm>> -> memref<2x16xf32, #tpu.memory_space<hbm>>
      tpu.wait_dma2 semaphore(%run_scoped3A : memref<!tpu.dma_semaphore, #tpu.memory_space<semaphore_mem>>) src(%dma_wait3A_113 : memref<2x16xf32, #tpu.memory_space<hbm>>) dst(%arg16 : memref<2x16xf32, #tpu.memory_space<vmem>>)
      tpu.yield
    }) : () -> ()
    %get3A = arith.constant 0 : i32
    %get3A_79 = arith.index_cast %get3A : i32 to index
    %get3A_80 = arith.constant 0 : index
    %get3A_81 = tpu.vector_load %arg16[%get3A_79, %get3A_80] {strides = array<i32>} : memref<2x16xf32, #tpu.memory_space<vmem>>, vector<16xf32>,
    %get3A_82 = arith.constant 1 : i32
    %get3A_83 = arith.index_cast %get3A_82 : i32 to index
    %get3A_84 = arith.constant 0 : index
    %get3A_85 = tpu.vector_load %arg16[%get3A_83, %get3A_84] {strides = array<i32>} : memref<2x16xf32, #tpu.memory_space<vmem>>, vector<16xf32>,
    %broadcast_in_dim3A = vector.broadcast %select_n3A_54 : i32 to vector<16xi32>
    %eq3A_86 = arith.constant 0 : i32
    %eq3A_87 = vector.broadcast %eq3A_86 : i32 to vector<16xi32>
    %eq3A_88 = arith.cmpi eq, %broadcast_in_dim3A, %eq3A_87 : vector<16xi32>
    %iota3A = tpu.iota {dimensions = array<i32: 0>} : vector<16xi32>
    %broadcast_in_dim3A_89 = arith.constant 0.000000e+00 : f32
    %broadcast_in_dim3A_90 = vector.broadcast %broadcast_in_dim3A_89 : f32 to vector<16xf32>
    %scan3A = arith.constant 0 : i32
    %scan3A_91 = arith.constant 0 : i32
    %scan3A_92 = arith.constant 32 : i32
    %scan3A_93 = arith.addi %scan3A_91, %scan3A_92 : i32
    %scan3A_94 = arith.constant 1 : i32
    scf.for %scan3A_100 = %scan3A_91 to %scan3A_93 step %scan3A_94  : i32 {
      %mul3A_101 = arith.constant 16 : i32
      %mul3A_102 = arith.muli %scan3A_100, %mul3A_101 : i32
      %get3A_103 = arith.index_cast %mul3A_102 : i32 to index
      %get3A_104 = tpu.vector_load %arg12[%get3A_103] {strides = array<i32>} : memref<512xi32, #tpu.memory_space<vmem>>, vector<16xi32>,
      %mul3A_105 = arith.constant 16 : i32
      %mul3A_106 = arith.muli %scan3A_100, %mul3A_105 : i32
      %get3A_107 = arith.index_cast %mul3A_106 : i32 to index
      %get3A_108 = tpu.vector_load %arg13[%get3A_107] {strides = array<i32>} : memref<512xf32, #tpu.memory_space<vmem>>, vector<16xf32>,
      %mul3A_109 = arith.constant 2 : i32
      %mul3A_110 = vector.broadcast %mul3A_109 : i32 to vector<16xi32>
      %mul3A_111 = arith.muli %get3A_104, %mul3A_110 : vector<16xi32>
      %gather3A = tpu.vector_load_idx %arg9[%mul3A_111] : memref<14336xf32, #tpu.memory_space<vmem>>[vector<16xi32>], vector<16xf32>,
      %mul3A_112 = arith.constant 2 : i32
      %mul3A_113 = vector.broadcast %mul3A_112 : i32 to vector<16xi32>
      %mul3A_114 = arith.muli %get3A_104, %mul3A_113 : vector<16xi32>
      %add3A_115 = arith.constant 1 : i32
      %add3A_116 = vector.broadcast %add3A_115 : i32 to vector<16xi32>
      %add3A_117 = arith.addi %mul3A_114, %add3A_116 : vector<16xi32>
      %gather3A_118 = tpu.vector_load_idx %arg9[%add3A_117] : memref<14336xf32, #tpu.memory_space<vmem>>[vector<16xi32>], vector<16xf32>,
      %jit3A_119 = arith.constant 7 : i32
      %div3A_120 = vector.broadcast %jit3A_119 : i32 to vector<16xi32>
      %div3A_121 = arith.divsi %get3A_104, %div3A_120 : vector<16xi32>
      %sign3A_122 = arith.constant 0 : i32
      %sign3A_123 = vector.broadcast %sign3A_122 : i32 to vector<16xi32>
      %sign3A_124 = arith.cmpi sgt, %get3A_104, %sign3A_123 : vector<16xi32>
      %sign3A_125 = arith.extui %sign3A_124 : vector<16xi1> to vector<16xi32>
      %sign3A_126 = arith.constant 0 : i32
      %sign3A_127 = vector.broadcast %sign3A_126 : i32 to vector<16xi32>
      %sign3A_128 = arith.cmpi slt, %get3A_104, %sign3A_127 : vector<16xi32>
      %sign3A_129 = arith.extui %sign3A_128 : vector<16xi1> to vector<16xi32>
      %sign3A_130 = arith.subi %sign3A_125, %sign3A_129 : vector<16xi32>
      %sign3A_131 = arith.constant 0 : i32
      %sign3A_132 = arith.cmpi sgt, %jit3A_119, %sign3A_131 : i32
      %sign3A_133 = arith.extui %sign3A_132 : i1 to i32
      %sign3A_134 = arith.constant 0 : i32
      %sign3A_135 = arith.cmpi slt, %jit3A_119, %sign3A_134 : i32
      %sign3A_136 = arith.extui %sign3A_135 : i1 to i32
      %sign3A_137 = arith.subi %sign3A_133, %sign3A_136 : i32
      %ne3A_138 = vector.broadcast %sign3A_137 : i32 to vector<16xi32>
      %ne3A_139 = arith.cmpi ne, %sign3A_130, %ne3A_138 : vector<16xi32>
      %rem3A_140 = vector.broadcast %jit3A_119 : i32 to vector<16xi32>
      %rem3A_141 = arith.remsi %get3A_104, %rem3A_140 : vector<16xi32>
      %ne3A_142 = arith.constant 0 : i32
      %ne3A_143 = vector.broadcast %ne3A_142 : i32 to vector<16xi32>
      %ne3A_144 = arith.cmpi ne, %rem3A_141, %ne3A_143 : vector<16xi32>
      %and3A_145 = arith.andi %ne3A_139, %ne3A_144 : vector<16xi1>
      %sub3A_146 = arith.constant 1 : i32
      %sub3A_147 = vector.broadcast %sub3A_146 : i32 to vector<16xi32>
      %sub3A_148 = arith.subi %div3A_121, %sub3A_147 : vector<16xi32>
      %select_n3A_149 = arith.select %and3A_145, %sub3A_148, %div3A_121 : vector<16xi1>, vector<16xi32>
      %mul3A_150 = arith.constant 7 : i32
      %mul3A_151 = vector.broadcast %mul3A_150 : i32 to vector<16xi32>
      %mul3A_152 = arith.muli %select_n3A_149, %mul3A_151 : vector<16xi32>
      %add3A_153 = arith.constant 0 : i32
      %add3A_154 = vector.broadcast %add3A_153 : i32 to vector<16xi32>
      %add3A_155 = arith.addi %mul3A_152, %add3A_154 : vector<16xi32>
      %gather3A_156 = tpu.vector_load_idx %arg11[%add3A_155] : memref<7168xf32, #tpu.memory_space<vmem>>[vector<16xi32>], vector<16xf32>,
      %add3A_157 = arith.constant 1 : i32
      %add3A_158 = vector.broadcast %add3A_157 : i32 to vector<16xi32>
      %add3A_159 = arith.addi %mul3A_152, %add3A_158 : vector<16xi32>
      %gather3A_160 = tpu.vector_load_idx %arg11[%add3A_159] : memref<7168xf32, #tpu.memory_space<vmem>>[vector<16xi32>], vector<16xf32>,
      %add3A_161 = arith.constant 2 : i32
      %add3A_162 = vector.broadcast %add3A_161 : i32 to vector<16xi32>
      %add3A_163 = arith.addi %mul3A_152, %add3A_162 : vector<16xi32>
      %gather3A_164 = tpu.vector_load_idx %arg11[%add3A_163] : memref<7168xf32, #tpu.memory_space<vmem>>[vector<16xi32>], vector<16xf32>,
      %add3A_165 = arith.constant 3 : i32
      %add3A_166 = vector.broadcast %add3A_165 : i32 to vector<16xi32>
      %add3A_167 = arith.addi %mul3A_152, %add3A_166 : vector<16xi32>
      %gather3A_168 = tpu.vector_load_idx %arg11[%add3A_167] : memref<7168xf32, #tpu.memory_space<vmem>>[vector<16xi32>], vector<16xf32>,
      %add3A_169 = arith.constant 4 : i32
      %add3A_170 = vector.broadcast %add3A_169 : i32 to vector<16xi32>
      %add3A_171 = arith.addi %mul3A_152, %add3A_170 : vector<16xi32>
      %gather3A_172 = tpu.vector_load_idx %arg11[%add3A_171] : memref<7168xf32, #tpu.memory_space<vmem>>[vector<16xi32>], vector<16xf32>,
      %add3A_173 = arith.constant 5 : i32
      %add3A_174 = vector.broadcast %add3A_173 : i32 to vector<16xi32>
      %add3A_175 = arith.addi %mul3A_152, %add3A_174 : vector<16xi32>
      %gather3A_176 = tpu.vector_load_idx %arg11[%add3A_175] : memref<7168xf32, #tpu.memory_space<vmem>>[vector<16xi32>], vector<16xf32>,
      %add3A_177 = arith.constant 6 : i32
      %add3A_178 = vector.broadcast %add3A_177 : i32 to vector<16xi32>
      %add3A_179 = arith.addi %mul3A_152, %add3A_178 : vector<16xi32>
      %gather3A_180 = tpu.vector_load_idx %arg11[%add3A_179] : memref<7168xf32, #tpu.memory_space<vmem>>[vector<16xi32>], vector<16xf32>,
      %broadcast_in_dim3A_181 = arith.constant -1.000000e+00 : f32
      %broadcast_in_dim3A_182 = vector.broadcast %broadcast_in_dim3A_181 : f32 to vector<16xf32>
      %broadcast_in_dim3A_183 = arith.constant 0 : i32
      %broadcast_in_dim3A_184 = vector.broadcast %broadcast_in_dim3A_183 : i32 to vector<16xi32>
      %gt3A = arith.cmpf ogt, %gather3A_156, %broadcast_in_dim3A_182 : vector<16xf32>
      %select_n3A_185 = arith.select %gt3A, %gather3A_156, %broadcast_in_dim3A_182 : vector<16xi1>, vector<16xf32>
      %jit3A_186 = arith.constant 0 : i32
      %broadcast_in_dim3A_187 = vector.broadcast %jit3A_186 : i32 to vector<16xi32>
      %select_n3A_188 = arith.select %gt3A, %broadcast_in_dim3A_187, %broadcast_in_dim3A_184 : vector<16xi1>, vector<16xi32>
      %gt3A_189 = arith.cmpf ogt, %gather3A_160, %select_n3A_185 : vector<16xf32>
      %select_n3A_190 = arith.select %gt3A_189, %gather3A_160, %select_n3A_185 : vector<16xi1>, vector<16xf32>
      %jit3A_191 = arith.constant 1 : i32
      %broadcast_in_dim3A_192 = vector.broadcast %jit3A_191 : i32 to vector<16xi32>
      %select_n3A_193 = arith.select %gt3A_189, %broadcast_in_dim3A_192, %select_n3A_188 : vector<16xi1>, vector<16xi32>
      %gt3A_194 = arith.cmpf ogt, %gather3A_164, %select_n3A_190 : vector<16xf32>
      %select_n3A_195 = arith.select %gt3A_194, %gather3A_164, %select_n3A_190 : vector<16xi1>, vector<16xf32>
      %jit3A_196 = arith.constant 2 : i32
      %broadcast_in_dim3A_197 = vector.broadcast %jit3A_196 : i32 to vector<16xi32>
      %select_n3A_198 = arith.select %gt3A_194, %broadcast_in_dim3A_197, %select_n3A_193 : vector<16xi1>, vector<16xi32>
      %gt3A_199 = arith.cmpf ogt, %gather3A_168, %select_n3A_195 : vector<16xf32>
      %select_n3A_200 = arith.select %gt3A_199, %gather3A_168, %select_n3A_195 : vector<16xi1>, vector<16xf32>
      %jit3A_201 = arith.constant 3 : i32
      %broadcast_in_dim3A_202 = vector.broadcast %jit3A_201 : i32 to vector<16xi32>
      %select_n3A_203 = arith.select %gt3A_199, %broadcast_in_dim3A_202, %select_n3A_198 : vector<16xi1>, vector<16xi32>
      %gt3A_204 = arith.cmpf ogt, %gather3A_172, %select_n3A_200 : vector<16xf32>
      %select_n3A_205 = arith.select %gt3A_204, %gather3A_172, %select_n3A_200 : vector<16xi1>, vector<16xf32>
      %jit3A_206 = arith.constant 4 : i32
      %broadcast_in_dim3A_207 = vector.broadcast %jit3A_206 : i32 to vector<16xi32>
      %select_n3A_208 = arith.select %gt3A_204, %broadcast_in_dim3A_207, %select_n3A_203 : vector<16xi1>, vector<16xi32>
      %gt3A_209 = arith.cmpf ogt, %gather3A_176, %select_n3A_205 : vector<16xf32>
      %select_n3A_210 = arith.select %gt3A_209, %gather3A_176, %select_n3A_205 : vector<16xi1>, vector<16xf32>
      %jit3A_211 = arith.constant 5 : i32
      %broadcast_in_dim3A_212 = vector.broadcast %jit3A_211 : i32 to vector<16xi32>
      %select_n3A_213 = arith.select %gt3A_209, %broadcast_in_dim3A_212, %select_n3A_208 : vector<16xi1>, vector<16xi32>
      %gt3A_214 = arith.cmpf ogt, %gather3A_180, %select_n3A_210 : vector<16xf32>
      %select_n3A_215 = arith.select %gt3A_214, %gather3A_180, %select_n3A_210 : vector<16xi1>, vector<16xf32>
      %jit3A_216 = arith.constant 6 : i32
      %broadcast_in_dim3A_217 = vector.broadcast %jit3A_216 : i32 to vector<16xi32>
      %select_n3A_218 = arith.select %gt3A_214, %broadcast_in_dim3A_217, %select_n3A_213 : vector<16xi1>, vector<16xi32>
      %broadcast_in_dim3A_219 = arith.constant -1.000000e+00 : f32
      %broadcast_in_dim3A_220 = vector.broadcast %broadcast_in_dim3A_219 : f32 to vector<16xf32>
      %broadcast_in_dim3A_221 = arith.constant 0 : i32
      %broadcast_in_dim3A_222 = vector.broadcast %broadcast_in_dim3A_221 : i32 to vector<16xi32>
      %eq3A_223 = arith.constant 0 : i32
      %eq3A_224 = vector.broadcast %eq3A_223 : i32 to vector<16xi32>
      %eq3A_225 = arith.cmpi eq, %select_n3A_218, %eq3A_224 : vector<16xi32>
      %jit3A_226 = arith.constant -1.000000e+00 : f32
      %broadcast_in_dim3A_227 = vector.broadcast %jit3A_226 : f32 to vector<16xf32>
      %select_n3A_228 = arith.select %eq3A_225, %broadcast_in_dim3A_227, %gather3A_156 : vector<16xi1>, vector<16xf32>
      %gt3A_229 = arith.cmpf ogt, %select_n3A_228, %broadcast_in_dim3A_220 : vector<16xf32>
      %select_n3A_230 = arith.select %gt3A_229, %select_n3A_228, %broadcast_in_dim3A_220 : vector<16xi1>, vector<16xf32>
      %jit3A_231 = arith.constant 0 : i32
      %broadcast_in_dim3A_232 = vector.broadcast %jit3A_231 : i32 to vector<16xi32>
      %select_n3A_233 = arith.select %gt3A_229, %broadcast_in_dim3A_232, %broadcast_in_dim3A_222 : vector<16xi1>, vector<16xi32>
      %eq3A_234 = arith.constant 1 : i32
      %eq3A_235 = vector.broadcast %eq3A_234 : i32 to vector<16xi32>
      %eq3A_236 = arith.cmpi eq, %select_n3A_218, %eq3A_235 : vector<16xi32>
      %jit3A_237 = arith.constant -1.000000e+00 : f32
      %broadcast_in_dim3A_238 = vector.broadcast %jit3A_237 : f32 to vector<16xf32>
      %select_n3A_239 = arith.select %eq3A_236, %broadcast_in_dim3A_238, %gather3A_160 : vector<16xi1>, vector<16xf32>
      %gt3A_240 = arith.cmpf ogt, %select_n3A_239, %select_n3A_230 : vector<16xf32>
      %select_n3A_241 = arith.select %gt3A_240, %select_n3A_239, %select_n3A_230 : vector<16xi1>, vector<16xf32>
      %jit3A_242 = arith.constant 1 : i32
      %broadcast_in_dim3A_243 = vector.broadcast %jit3A_242 : i32 to vector<16xi32>
      %select_n3A_244 = arith.select %gt3A_240, %broadcast_in_dim3A_243, %select_n3A_233 : vector<16xi1>, vector<16xi32>
      %eq3A_245 = arith.constant 2 : i32
      %eq3A_246 = vector.broadcast %eq3A_245 : i32 to vector<16xi32>
      %eq3A_247 = arith.cmpi eq, %select_n3A_218, %eq3A_246 : vector<16xi32>
      %jit3A_248 = arith.constant -1.000000e+00 : f32
      %broadcast_in_dim3A_249 = vector.broadcast %jit3A_248 : f32 to vector<16xf32>
      %select_n3A_250 = arith.select %eq3A_247, %broadcast_in_dim3A_249, %gather3A_164 : vector<16xi1>, vector<16xf32>
      %gt3A_251 = arith.cmpf ogt, %select_n3A_250, %select_n3A_241 : vector<16xf32>
      %select_n3A_252 = arith.select %gt3A_251, %select_n3A_250, %select_n3A_241 : vector<16xi1>, vector<16xf32>
      %jit3A_253 = arith.constant 2 : i32
      %broadcast_in_dim3A_254 = vector.broadcast %jit3A_253 : i32 to vector<16xi32>
      %select_n3A_255 = arith.select %gt3A_251, %broadcast_in_dim3A_254, %select_n3A_244 : vector<16xi1>, vector<16xi32>
      %eq3A_256 = arith.constant 3 : i32
      %eq3A_257 = vector.broadcast %eq3A_256 : i32 to vector<16xi32>
      %eq3A_258 = arith.cmpi eq, %select_n3A_218, %eq3A_257 : vector<16xi32>
      %jit3A_259 = arith.constant -1.000000e+00 : f32
      %broadcast_in_dim3A_260 = vector.broadcast %jit3A_259 : f32 to vector<16xf32>
      %select_n3A_261 = arith.select %eq3A_258, %broadcast_in_dim3A_260, %gather3A_168 : vector<16xi1>, vector<16xf32>
      %gt3A_262 = arith.cmpf ogt, %select_n3A_261, %select_n3A_252 : vector<16xf32>
      %select_n3A_263 = arith.select %gt3A_262, %select_n3A_261, %select_n3A_252 : vector<16xi1>, vector<16xf32>
      %jit3A_264 = arith.constant 3 : i32
      %broadcast_in_dim3A_265 = vector.broadcast %jit3A_264 : i32 to vector<16xi32>
      %select_n3A_266 = arith.select %gt3A_262, %broadcast_in_dim3A_265, %select_n3A_255 : vector<16xi1>, vector<16xi32>
      %eq3A_267 = arith.constant 4 : i32
      %eq3A_268 = vector.broadcast %eq3A_267 : i32 to vector<16xi32>
      %eq3A_269 = arith.cmpi eq, %select_n3A_218, %eq3A_268 : vector<16xi32>
      %jit3A_270 = arith.constant -1.000000e+00 : f32
      %broadcast_in_dim3A_271 = vector.broadcast %jit3A_270 : f32 to vector<16xf32>
      %select_n3A_272 = arith.select %eq3A_269, %broadcast_in_dim3A_271, %gather3A_172 : vector<16xi1>, vector<16xf32>
      %gt3A_273 = arith.cmpf ogt, %select_n3A_272, %select_n3A_263 : vector<16xf32>
      %select_n3A_274 = arith.select %gt3A_273, %select_n3A_272, %select_n3A_263 : vector<16xi1>, vector<16xf32>
      %jit3A_275 = arith.constant 4 : i32
      %broadcast_in_dim3A_276 = vector.broadcast %jit3A_275 : i32 to vector<16xi32>
      %select_n3A_277 = arith.select %gt3A_273, %broadcast_in_dim3A_276, %select_n3A_266 : vector<16xi1>, vector<16xi32>
      %eq3A_278 = arith.constant 5 : i32
      %eq3A_279 = vector.broadcast %eq3A_278 : i32 to vector<16xi32>
      %eq3A_280 = arith.cmpi eq, %select_n3A_218, %eq3A_279 : vector<16xi32>
      %jit3A_281 = arith.constant -1.000000e+00 : f32
      %broadcast_in_dim3A_282 = vector.broadcast %jit3A_281 : f32 to vector<16xf32>
      %select_n3A_283 = arith.select %eq3A_280, %broadcast_in_dim3A_282, %gather3A_176 : vector<16xi1>, vector<16xf32>
      %gt3A_284 = arith.cmpf ogt, %select_n3A_283, %select_n3A_274 : vector<16xf32>
      %select_n3A_285 = arith.select %gt3A_284, %select_n3A_283, %select_n3A_274 : vector<16xi1>, vector<16xf32>
      %jit3A_286 = arith.constant 5 : i32
      %broadcast_in_dim3A_287 = vector.broadcast %jit3A_286 : i32 to vector<16xi32>
      %select_n3A_288 = arith.select %gt3A_284, %broadcast_in_dim3A_287, %select_n3A_277 : vector<16xi1>, vector<16xi32>
      %eq3A_289 = arith.constant 6 : i32
      %eq3A_290 = vector.broadcast %eq3A_289 : i32 to vector<16xi32>
      %eq3A_291 = arith.cmpi eq, %select_n3A_218, %eq3A_290 : vector<16xi32>
      %jit3A_292 = arith.constant -1.000000e+00 : f32
      %broadcast_in_dim3A_293 = vector.broadcast %jit3A_292 : f32 to vector<16xf32>
      %select_n3A_294 = arith.select %eq3A_291, %broadcast_in_dim3A_293, %gather3A_180 : vector<16xi1>, vector<16xf32>
      %gt3A_295 = arith.cmpf ogt, %select_n3A_294, %select_n3A_285 : vector<16xf32>
      %select_n3A_296 = arith.select %gt3A_295, %select_n3A_294, %select_n3A_285 : vector<16xi1>, vector<16xf32>
      %jit3A_297 = arith.constant 6 : i32
      %broadcast_in_dim3A_298 = vector.broadcast %jit3A_297 : i32 to vector<16xi32>
      %select_n3A_299 = arith.select %gt3A_295, %broadcast_in_dim3A_298, %select_n3A_288 : vector<16xi1>, vector<16xi32>
      %broadcast_in_dim3A_300 = arith.constant -1.000000e+00 : f32
      %broadcast_in_dim3A_301 = vector.broadcast %broadcast_in_dim3A_300 : f32 to vector<16xf32>
      %broadcast_in_dim3A_302 = arith.constant 0 : i32
      %broadcast_in_dim3A_303 = vector.broadcast %broadcast_in_dim3A_302 : i32 to vector<16xi32>
      %eq3A_304 = arith.constant 0 : i32
      %eq3A_305 = vector.broadcast %eq3A_304 : i32 to vector<16xi32>
      %eq3A_306 = arith.cmpi eq, %select_n3A_218, %eq3A_305 : vector<16xi32>
      %jit3A_307 = arith.constant -1.000000e+00 : f32
      %broadcast_in_dim3A_308 = vector.broadcast %jit3A_307 : f32 to vector<16xf32>
      %select_n3A_309 = arith.select %eq3A_306, %broadcast_in_dim3A_308, %gather3A_156 : vector<16xi1>, vector<16xf32>
      %eq3A_310 = arith.constant 0 : i32
      %eq3A_311 = vector.broadcast %eq3A_310 : i32 to vector<16xi32>
      %eq3A_312 = arith.cmpi eq, %select_n3A_299, %eq3A_311 : vector<16xi32>
      %jit3A_313 = arith.constant -1.000000e+00 : f32
      %broadcast_in_dim3A_314 = vector.broadcast %jit3A_313 : f32 to vector<16xf32>
      %select_n3A_315 = arith.select %eq3A_312, %broadcast_in_dim3A_314, %select_n3A_309 : vector<16xi1>, vector<16xf32>
      %gt3A_316 = arith.cmpf ogt, %select_n3A_315, %broadcast_in_dim3A_301 : vector<16xf32>
      %select_n3A_317 = arith.select %gt3A_316, %select_n3A_315, %broadcast_in_dim3A_301 : vector<16xi1>, vector<16xf32>
      %jit3A_318 = arith.constant 0 : i32
      %broadcast_in_dim3A_319 = vector.broadcast %jit3A_318 : i32 to vector<16xi32>
      %select_n3A_320 = arith.select %gt3A_316, %broadcast_in_dim3A_319, %broadcast_in_dim3A_303 : vector<16xi1>, vector<16xi32>
      %eq3A_321 = arith.constant 1 : i32
      %eq3A_322 = vector.broadcast %eq3A_321 : i32 to vector<16xi32>
      %eq3A_323 = arith.cmpi eq, %select_n3A_218, %eq3A_322 : vector<16xi32>
      %jit3A_324 = arith.constant -1.000000e+00 : f32
      %broadcast_in_dim3A_325 = vector.broadcast %jit3A_324 : f32 to vector<16xf32>
      %select_n3A_326 = arith.select %eq3A_323, %broadcast_in_dim3A_325, %gather3A_160 : vector<16xi1>, vector<16xf32>
      %eq3A_327 = arith.constant 1 : i32
      %eq3A_328 = vector.broadcast %eq3A_327 : i32 to vector<16xi32>
      %eq3A_329 = arith.cmpi eq, %select_n3A_299, %eq3A_328 : vector<16xi32>
      %jit3A_330 = arith.constant -1.000000e+00 : f32
      %broadcast_in_dim3A_331 = vector.broadcast %jit3A_330 : f32 to vector<16xf32>
      %select_n3A_332 = arith.select %eq3A_329, %broadcast_in_dim3A_331, %select_n3A_326 : vector<16xi1>, vector<16xf32>
      %gt3A_333 = arith.cmpf ogt, %select_n3A_332, %select_n3A_317 : vector<16xf32>
      %select_n3A_334 = arith.select %gt3A_333, %select_n3A_332, %select_n3A_317 : vector<16xi1>, vector<16xf32>
      %jit3A_335 = arith.constant 1 : i32
      %broadcast_in_dim3A_336 = vector.broadcast %jit3A_335 : i32 to vector<16xi32>
      %select_n3A_337 = arith.select %gt3A_333, %broadcast_in_dim3A_336, %select_n3A_320 : vector<16xi1>, vector<16xi32>
      %eq3A_338 = arith.constant 2 : i32
      %eq3A_339 = vector.broadcast %eq3A_338 : i32 to vector<16xi32>
      %eq3A_340 = arith.cmpi eq, %select_n3A_218, %eq3A_339 : vector<16xi32>
      %jit3A_341 = arith.constant -1.000000e+00 : f32
      %broadcast_in_dim3A_342 = vector.broadcast %jit3A_341 : f32 to vector<16xf32>
      %select_n3A_343 = arith.select %eq3A_340, %broadcast_in_dim3A_342, %gather3A_164 : vector<16xi1>, vector<16xf32>
      %eq3A_344 = arith.constant 2 : i32
      %eq3A_345 = vector.broadcast %eq3A_344 : i32 to vector<16xi32>
      %eq3A_346 = arith.cmpi eq, %select_n3A_299, %eq3A_345 : vector<16xi32>
      %jit3A_347 = arith.constant -1.000000e+00 : f32
      %broadcast_in_dim3A_348 = vector.broadcast %jit3A_347 : f32 to vector<16xf32>
      %select_n3A_349 = arith.select %eq3A_346, %broadcast_in_dim3A_348, %select_n3A_343 : vector<16xi1>, vector<16xf32>
      %gt3A_350 = arith.cmpf ogt, %select_n3A_349, %select_n3A_334 : vector<16xf32>
      %select_n3A_351 = arith.select %gt3A_350, %select_n3A_349, %select_n3A_334 : vector<16xi1>, vector<16xf32>
      %jit3A_352 = arith.constant 2 : i32
      %broadcast_in_dim3A_353 = vector.broadcast %jit3A_352 : i32 to vector<16xi32>
      %select_n3A_354 = arith.select %gt3A_350, %broadcast_in_dim3A_353, %select_n3A_337 : vector<16xi1>, vector<16xi32>
      %eq3A_355 = arith.constant 3 : i32
      %eq3A_356 = vector.broadcast %eq3A_355 : i32 to vector<16xi32>
      %eq3A_357 = arith.cmpi eq, %select_n3A_218, %eq3A_356 : vector<16xi32>
      %jit3A_358 = arith.constant -1.000000e+00 : f32
      %broadcast_in_dim3A_359 = vector.broadcast %jit3A_358 : f32 to vector<16xf32>
      %select_n3A_360 = arith.select %eq3A_357, %broadcast_in_dim3A_359, %gather3A_168 : vector<16xi1>, vector<16xf32>
      %eq3A_361 = arith.constant 3 : i32
      %eq3A_362 = vector.broadcast %eq3A_361 : i32 to vector<16xi32>
      %eq3A_363 = arith.cmpi eq, %select_n3A_299, %eq3A_362 : vector<16xi32>
      %jit3A_364 = arith.constant -1.000000e+00 : f32
      %broadcast_in_dim3A_365 = vector.broadcast %jit3A_364 : f32 to vector<16xf32>
      %select_n3A_366 = arith.select %eq3A_363, %broadcast_in_dim3A_365, %select_n3A_360 : vector<16xi1>, vector<16xf32>
      %gt3A_367 = arith.cmpf ogt, %select_n3A_366, %select_n3A_351 : vector<16xf32>
      %select_n3A_368 = arith.select %gt3A_367, %select_n3A_366, %select_n3A_351 : vector<16xi1>, vector<16xf32>
      %jit3A_369 = arith.constant 3 : i32
      %broadcast_in_dim3A_370 = vector.broadcast %jit3A_369 : i32 to vector<16xi32>
      %select_n3A_371 = arith.select %gt3A_367, %broadcast_in_dim3A_370, %select_n3A_354 : vector<16xi1>, vector<16xi32>
      %eq3A_372 = arith.constant 4 : i32
      %eq3A_373 = vector.broadcast %eq3A_372 : i32 to vector<16xi32>
      %eq3A_374 = arith.cmpi eq, %select_n3A_218, %eq3A_373 : vector<16xi32>
      %jit3A_375 = arith.constant -1.000000e+00 : f32
      %broadcast_in_dim3A_376 = vector.broadcast %jit3A_375 : f32 to vector<16xf32>
      %select_n3A_377 = arith.select %eq3A_374, %broadcast_in_dim3A_376, %gather3A_172 : vector<16xi1>, vector<16xf32>
      %eq3A_378 = arith.constant 4 : i32
      %eq3A_379 = vector.broadcast %eq3A_378 : i32 to vector<16xi32>
      %eq3A_380 = arith.cmpi eq, %select_n3A_299, %eq3A_379 : vector<16xi32>
      %jit3A_381 = arith.constant -1.000000e+00 : f32
      %broadcast_in_dim3A_382 = vector.broadcast %jit3A_381 : f32 to vector<16xf32>
      %select_n3A_383 = arith.select %eq3A_380, %broadcast_in_dim3A_382, %select_n3A_377 : vector<16xi1>, vector<16xf32>
      %gt3A_384 = arith.cmpf ogt, %select_n3A_383, %select_n3A_368 : vector<16xf32>
      %select_n3A_385 = arith.select %gt3A_384, %select_n3A_383, %select_n3A_368 : vector<16xi1>, vector<16xf32>
      %jit3A_386 = arith.constant 4 : i32
      %broadcast_in_dim3A_387 = vector.broadcast %jit3A_386 : i32 to vector<16xi32>
      %select_n3A_388 = arith.select %gt3A_384, %broadcast_in_dim3A_387, %select_n3A_371 : vector<16xi1>, vector<16xi32>
      %eq3A_389 = arith.constant 5 : i32
      %eq3A_390 = vector.broadcast %eq3A_389 : i32 to vector<16xi32>
      %eq3A_391 = arith.cmpi eq, %select_n3A_218, %eq3A_390 : vector<16xi32>
      %jit3A_392 = arith.constant -1.000000e+00 : f32
      %broadcast_in_dim3A_393 = vector.broadcast %jit3A_392 : f32 to vector<16xf32>
      %select_n3A_394 = arith.select %eq3A_391, %broadcast_in_dim3A_393, %gather3A_176 : vector<16xi1>, vector<16xf32>
      %eq3A_395 = arith.constant 5 : i32
      %eq3A_396 = vector.broadcast %eq3A_395 : i32 to vector<16xi32>
      %eq3A_397 = arith.cmpi eq, %select_n3A_299, %eq3A_396 : vector<16xi32>
      %jit3A_398 = arith.constant -1.000000e+00 : f32
      %broadcast_in_dim3A_399 = vector.broadcast %jit3A_398 : f32 to vector<16xf32>
      %select_n3A_400 = arith.select %eq3A_397, %broadcast_in_dim3A_399, %select_n3A_394 : vector<16xi1>, vector<16xf32>
      %gt3A_401 = arith.cmpf ogt, %select_n3A_400, %select_n3A_385 : vector<16xf32>
      %select_n3A_402 = arith.select %gt3A_401, %select_n3A_400, %select_n3A_385 : vector<16xi1>, vector<16xf32>
      %jit3A_403 = arith.constant 5 : i32
      %broadcast_in_dim3A_404 = vector.broadcast %jit3A_403 : i32 to vector<16xi32>
      %select_n3A_405 = arith.select %gt3A_401, %broadcast_in_dim3A_404, %select_n3A_388 : vector<16xi1>, vector<16xi32>
      %eq3A_406 = arith.constant 6 : i32
      %eq3A_407 = vector.broadcast %eq3A_406 : i32 to vector<16xi32>
      %eq3A_408 = arith.cmpi eq, %select_n3A_218, %eq3A_407 : vector<16xi32>
      %jit3A_409 = arith.constant -1.000000e+00 : f32
      %broadcast_in_dim3A_410 = vector.broadcast %jit3A_409 : f32 to vector<16xf32>
      %select_n3A_411 = arith.select %eq3A_408, %broadcast_in_dim3A_410, %gather3A_180 : vector<16xi1>, vector<16xf32>
      %eq3A_412 = arith.constant 6 : i32
      %eq3A_413 = vector.broadcast %eq3A_412 : i32 to vector<16xi32>
      %eq3A_414 = arith.cmpi eq, %select_n3A_299, %eq3A_413 : vector<16xi32>
      %jit3A_415 = arith.constant -1.000000e+00 : f32
      %broadcast_in_dim3A_416 = vector.broadcast %jit3A_415 : f32 to vector<16xf32>
      %select_n3A_417 = arith.select %eq3A_414, %broadcast_in_dim3A_416, %select_n3A_411 : vector<16xi1>, vector<16xf32>
      %gt3A_418 = arith.cmpf ogt, %select_n3A_417, %select_n3A_402 : vector<16xf32>
      %select_n3A_419 = arith.select %gt3A_418, %select_n3A_417, %select_n3A_402 : vector<16xi1>, vector<16xf32>
      %jit3A_420 = arith.constant 6 : i32
      %broadcast_in_dim3A_421 = vector.broadcast %jit3A_420 : i32 to vector<16xi32>
      %select_n3A_422 = arith.select %gt3A_418, %broadcast_in_dim3A_421, %select_n3A_405 : vector<16xi1>, vector<16xi32>
      %add3A_423 = arith.addi %mul3A_152, %select_n3A_218 : vector<16xi32>
      %mul3A_424 = arith.constant 2 : i32
      %mul3A_425 = vector.broadcast %mul3A_424 : i32 to vector<16xi32>
      %mul3A_426 = arith.muli %add3A_423, %mul3A_425 : vector<16xi32>
      %gather3A_427 = tpu.vector_load_idx %arg10[%mul3A_426] : memref<14336xf32, #tpu.memory_space<vmem>>[vector<16xi32>], vector<16xf32>,
      %mul3A_428 = arith.constant 2 : i32
      %mul3A_429 = vector.broadcast %mul3A_428 : i32 to vector<16xi32>
      %mul3A_430 = arith.muli %add3A_423, %mul3A_429 : vector<16xi32>
      %add3A_431 = arith.constant 1 : i32
      %add3A_432 = vector.broadcast %add3A_431 : i32 to vector<16xi32>
      %add3A_433 = arith.addi %mul3A_430, %add3A_432 : vector<16xi32>
      %gather3A_434 = tpu.vector_load_idx %arg10[%add3A_433] : memref<14336xf32, #tpu.memory_space<vmem>>[vector<16xi32>], vector<16xf32>,
      %mul3A_435 = arith.mulf %get3A_108, %select_n3A_215 : vector<16xf32>
      %select_n3A_436 = arith.select %eq3A_88, %gather3A, %gather3A_427 : vector<16xi1>, vector<16xf32>
      %select_n3A_437 = arith.select %eq3A_88, %gather3A_427, %gather3A : vector<16xi1>, vector<16xf32>
      %select_n3A_438 = arith.select %eq3A_88, %gather3A_118, %gather3A_434 : vector<16xi1>, vector<16xf32>
      %select_n3A_439 = arith.select %eq3A_88, %gather3A_434, %gather3A_118 : vector<16xi1>, vector<16xf32>
      %min3A = arith.minimumf %select_n3A_436, %get3A_81 : vector<16xf32>
      %max3A = arith.maximumf %min3A, %broadcast_in_dim3A_90 : vector<16xf32>
      %min3A_440 = arith.minimumf %select_n3A_437, %get3A_85 : vector<16xf32>
      %max3A_441 = arith.maximumf %min3A_440, %broadcast_in_dim3A_90 : vector<16xf32>
      %min3A_442 = arith.minimumf %select_n3A_438, %get3A_81 : vector<16xf32>
      %max3A_443 = arith.maximumf %min3A_442, %broadcast_in_dim3A_90 : vector<16xf32>
      %min3A_444 = arith.minimumf %select_n3A_439, %get3A_85 : vector<16xf32>
      %max3A_445 = arith.maximumf %min3A_444, %broadcast_in_dim3A_90 : vector<16xf32>
      %mul3A_446 = arith.constant 48 : i32
      %mul3A_447 = arith.muli %scan3A_100, %mul3A_446 : i32
      %mul3A_448 = arith.constant 3 : i32
      %mul3A_449 = vector.broadcast %mul3A_448 : i32 to vector<16xi32>
      %mul3A_450 = arith.muli %iota3A, %mul3A_449 : vector<16xi32>
      %add3A_451 = vector.broadcast %mul3A_447 : i32 to vector<16xi32>
      %add3A_452 = arith.addi %add3A_451, %mul3A_450 : vector<16xi32>
      %add3A_453 = arith.constant 0 : i32
      %add3A_454 = vector.broadcast %add3A_453 : i32 to vector<16xi32>
      %add3A_455 = arith.addi %add3A_452, %add3A_454 : vector<16xi32>
      tpu.vector_store_idx %arg15[%add3A_455], %mul3A_435 : memref<1536xf32, #tpu.memory_space<vmem>>[vector<16xi32>], vector<16xf32>,
      %mul3A_456 = arith.constant 4 : i32
      %mul3A_457 = vector.broadcast %mul3A_456 : i32 to vector<16xi32>
      %mul3A_458 = arith.muli %add3A_455, %mul3A_457 : vector<16xi32>
      tpu.vector_store_idx %arg14[%mul3A_458], %max3A : memref<6144xf32, #tpu.memory_space<vmem>>[vector<16xi32>], vector<16xf32>,
      %mul3A_459 = arith.constant 4 : i32
      %mul3A_460 = vector.broadcast %mul3A_459 : i32 to vector<16xi32>
      %mul3A_461 = arith.muli %add3A_455, %mul3A_460 : vector<16xi32>
      %add3A_462 = arith.constant 1 : i32
      %add3A_463 = vector.broadcast %add3A_462 : i32 to vector<16xi32>
      %add3A_464 = arith.addi %mul3A_461, %add3A_463 : vector<16xi32>
      tpu.vector_store_idx %arg14[%add3A_464], %max3A_441 : memref<6144xf32, #tpu.memory_space<vmem>>[vector<16xi32>], vector<16xf32>,
      %mul3A_465 = arith.constant 4 : i32
      %mul3A_466 = vector.broadcast %mul3A_465 : i32 to vector<16xi32>
      %mul3A_467 = arith.muli %add3A_455, %mul3A_466 : vector<16xi32>
      %add3A_468 = arith.constant 2 : i32
      %add3A_469 = vector.broadcast %add3A_468 : i32 to vector<16xi32>
      %add3A_470 = arith.addi %mul3A_467, %add3A_469 : vector<16xi32>
      tpu.vector_store_idx %arg14[%add3A_470], %max3A_443 : memref<6144xf32, #tpu.memory_space<vmem>>[vector<16xi32>], vector<16xf32>,
      %mul3A_471 = arith.constant 4 : i32
      %mul3A_472 = vector.broadcast %mul3A_471 : i32 to vector<16xi32>
      %mul3A_473 = arith.muli %add3A_455, %mul3A_472 : vector<16xi32>
      %add3A_474 = arith.constant 3 : i32
      %add3A_475 = vector.broadcast %add3A_474 : i32 to vector<16xi32>
      %add3A_476 = arith.addi %mul3A_473, %add3A_475 : vector<16xi32>
      tpu.vector_store_idx %arg14[%add3A_476], %max3A_445 : memref<6144xf32, #tpu.memory_space<vmem>>[vector<16xi32>], vector<16xf32>,
      %add3A_477 = arith.addi %mul3A_152, %select_n3A_299 : vector<16xi32>
      %mul3A_478 = arith.constant 2 : i32
      %mul3A_479 = vector.broadcast %mul3A_478 : i32 to vector<16xi32>
      %mul3A_480 = arith.muli %add3A_477, %mul3A_479 : vector<16xi32>
      %gather3A_481 = tpu.vector_load_idx %arg10[%mul3A_480] : memref<14336xf32, #tpu.memory_space<vmem>>[vector<16xi32>], vector<16xf32>,
      %mul3A_482 = arith.constant 2 : i32
      %mul3A_483 = vector.broadcast %mul3A_482 : i32 to vector<16xi32>
      %mul3A_484 = arith.muli %add3A_477, %mul3A_483 : vector<16xi32>
      %add3A_485 = arith.constant 1 : i32
      %add3A_486 = vector.broadcast %add3A_485 : i32 to vector<16xi32>
      %add3A_487 = arith.addi %mul3A_484, %add3A_486 : vector<16xi32>
      %gather3A_488 = tpu.vector_load_idx %arg10[%add3A_487] : memref<14336xf32, #tpu.memory_space<vmem>>[vector<16xi32>], vector<16xf32>,
      %mul3A_489 = arith.mulf %get3A_108, %select_n3A_296 : vector<16xf32>
      %select_n3A_490 = arith.select %eq3A_88, %gather3A, %gather3A_481 : vector<16xi1>, vector<16xf32>
      %select_n3A_491 = arith.select %eq3A_88, %gather3A_481, %gather3A : vector<16xi1>, vector<16xf32>
      %select_n3A_492 = arith.select %eq3A_88, %gather3A_118, %gather3A_488 : vector<16xi1>, vector<16xf32>
      %select_n3A_493 = arith.select %eq3A_88, %gather3A_488, %gather3A_118 : vector<16xi1>, vector<16xf32>
      %min3A_494 = arith.minimumf %select_n3A_490, %get3A_81 : vector<16xf32>
      %max3A_495 = arith.maximumf %min3A_494, %broadcast_in_dim3A_90 : vector<16xf32>
      %min3A_496 = arith.minimumf %select_n3A_491, %get3A_85 : vector<16xf32>
      %max3A_497 = arith.maximumf %min3A_496, %broadcast_in_dim3A_90 : vector<16xf32>
      %min3A_498 = arith.minimumf %select_n3A_492, %get3A_81 : vector<16xf32>
      %max3A_499 = arith.maximumf %min3A_498, %broadcast_in_dim3A_90 : vector<16xf32>
      %min3A_500 = arith.minimumf %select_n3A_493, %get3A_85 : vector<16xf32>
      %max3A_501 = arith.maximumf %min3A_500, %broadcast_in_dim3A_90 : vector<16xf32>
      %mul3A_502 = arith.constant 48 : i32
      %mul3A_503 = arith.muli %scan3A_100, %mul3A_502 : i32
      %mul3A_504 = arith.constant 3 : i32
      %mul3A_505 = vector.broadcast %mul3A_504 : i32 to vector<16xi32>
      %mul3A_506 = arith.muli %iota3A, %mul3A_505 : vector<16xi32>
      %add3A_507 = vector.broadcast %mul3A_503 : i32 to vector<16xi32>
      %add3A_508 = arith.addi %add3A_507, %mul3A_506 : vector<16xi32>
      %add3A_509 = arith.constant 1 : i32
      %add3A_510 = vector.broadcast %add3A_509 : i32 to vector<16xi32>
      %add3A_511 = arith.addi %add3A_508, %add3A_510 : vector<16xi32>
      tpu.vector_store_idx %arg15[%add3A_511], %mul3A_489 : memref<1536xf32, #tpu.memory_space<vmem>>[vector<16xi32>], vector<16xf32>,
      %mul3A_512 = arith.constant 4 : i32
      %mul3A_513 = vector.broadcast %mul3A_512 : i32 to vector<16xi32>
      %mul3A_514 = arith.muli %add3A_511, %mul3A_513 : vector<16xi32>
      tpu.vector_store_idx %arg14[%mul3A_514], %max3A_495 : memref<6144xf32, #tpu.memory_space<vmem>>[vector<16xi32>], vector<16xf32>,
      %mul3A_515 = arith.constant 4 : i32
      %mul3A_516 = vector.broadcast %mul3A_515 : i32 to vector<16xi32>
      %mul3A_517 = arith.muli %add3A_511, %mul3A_516 : vector<16xi32>
      %add3A_518 = arith.constant 1 : i32
      %add3A_519 = vector.broadcast %add3A_518 : i32 to vector<16xi32>
      %add3A_520 = arith.addi %mul3A_517, %add3A_519 : vector<16xi32>
      tpu.vector_store_idx %arg14[%add3A_520], %max3A_497 : memref<6144xf32, #tpu.memory_space<vmem>>[vector<16xi32>], vector<16xf32>,
      %mul3A_521 = arith.constant 4 : i32
      %mul3A_522 = vector.broadcast %mul3A_521 : i32 to vector<16xi32>
      %mul3A_523 = arith.muli %add3A_511, %mul3A_522 : vector<16xi32>
      %add3A_524 = arith.constant 2 : i32
      %add3A_525 = vector.broadcast %add3A_524 : i32 to vector<16xi32>
      %add3A_526 = arith.addi %mul3A_523, %add3A_525 : vector<16xi32>
      tpu.vector_store_idx %arg14[%add3A_526], %max3A_499 : memref<6144xf32, #tpu.memory_space<vmem>>[vector<16xi32>], vector<16xf32>,
      %mul3A_527 = arith.constant 4 : i32
      %mul3A_528 = vector.broadcast %mul3A_527 : i32 to vector<16xi32>
      %mul3A_529 = arith.muli %add3A_511, %mul3A_528 : vector<16xi32>
      %add3A_530 = arith.constant 3 : i32
      %add3A_531 = vector.broadcast %add3A_530 : i32 to vector<16xi32>
      %add3A_532 = arith.addi %mul3A_529, %add3A_531 : vector<16xi32>
      tpu.vector_store_idx %arg14[%add3A_532], %max3A_501 : memref<6144xf32, #tpu.memory_space<vmem>>[vector<16xi32>], vector<16xf32>,
      %add3A_533 = arith.addi %mul3A_152, %select_n3A_422 : vector<16xi32>
      %mul3A_534 = arith.constant 2 : i32
      %mul3A_535 = vector.broadcast %mul3A_534 : i32 to vector<16xi32>
      %mul3A_536 = arith.muli %add3A_533, %mul3A_535 : vector<16xi32>
      %gather3A_537 = tpu.vector_load_idx %arg10[%mul3A_536] : memref<14336xf32, #tpu.memory_space<vmem>>[vector<16xi32>], vector<16xf32>,
      %mul3A_538 = arith.constant 2 : i32
      %mul3A_539 = vector.broadcast %mul3A_538 : i32 to vector<16xi32>
      %mul3A_540 = arith.muli %add3A_533, %mul3A_539 : vector<16xi32>
      %add3A_541 = arith.constant 1 : i32
      %add3A_542 = vector.broadcast %add3A_541 : i32 to vector<16xi32>
      %add3A_543 = arith.addi %mul3A_540, %add3A_542 : vector<16xi32>
      %gather3A_544 = tpu.vector_load_idx %arg10[%add3A_543] : memref<14336xf32, #tpu.memory_space<vmem>>[vector<16xi32>], vector<16xf32>,
      %mul3A_545 = arith.mulf %get3A_108, %select_n3A_419 : vector<16xf32>
      %select_n3A_546 = arith.select %eq3A_88, %gather3A, %gather3A_537 : vector<16xi1>, vector<16xf32>
      %select_n3A_547 = arith.select %eq3A_88, %gather3A_537, %gather3A : vector<16xi1>, vector<16xf32>
      %select_n3A_548 = arith.select %eq3A_88, %gather3A_118, %gather3A_544 : vector<16xi1>, vector<16xf32>
      %select_n3A_549 = arith.select %eq3A_88, %gather3A_544, %gather3A_118 : vector<16xi1>, vector<16xf32>
      %min3A_550 = arith.minimumf %select_n3A_546, %get3A_81 : vector<16xf32>
      %max3A_551 = arith.maximumf %min3A_550, %broadcast_in_dim3A_90 : vector<16xf32>
      %min3A_552 = arith.minimumf %select_n3A_547, %get3A_85 : vector<16xf32>
      %max3A_553 = arith.maximumf %min3A_552, %broadcast_in_dim3A_90 : vector<16xf32>
      %min3A_554 = arith.minimumf %select_n3A_548, %get3A_81 : vector<16xf32>
      %max3A_555 = arith.maximumf %min3A_554, %broadcast_in_dim3A_90 : vector<16xf32>
      %min3A_556 = arith.minimumf %select_n3A_549, %get3A_85 : vector<16xf32>
      %max3A_557 = arith.maximumf %min3A_556, %broadcast_in_dim3A_90 : vector<16xf32>
      %mul3A_558 = arith.constant 48 : i32
      %mul3A_559 = arith.muli %scan3A_100, %mul3A_558 : i32
      %mul3A_560 = arith.constant 3 : i32
      %mul3A_561 = vector.broadcast %mul3A_560 : i32 to vector<16xi32>
      %mul3A_562 = arith.muli %iota3A, %mul3A_561 : vector<16xi32>
      %add3A_563 = vector.broadcast %mul3A_559 : i32 to vector<16xi32>
      %add3A_564 = arith.addi %add3A_563, %mul3A_562 : vector<16xi32>
      %add3A_565 = arith.constant 2 : i32
      %add3A_566 = vector.broadcast %add3A_565 : i32 to vector<16xi32>
      %add3A_567 = arith.addi %add3A_564, %add3A_566 : vector<16xi32>
      tpu.vector_store_idx %arg15[%add3A_567], %mul3A_545 : memref<1536xf32, #tpu.memory_space<vmem>>[vector<16xi32>], vector<16xf32>,
      %mul3A_568 = arith.constant 4 : i32
      %mul3A_569 = vector.broadcast %mul3A_568 : i32 to vector<16xi32>
      %mul3A_570 = arith.muli %add3A_567, %mul3A_569 : vector<16xi32>
      tpu.vector_store_idx %arg14[%mul3A_570], %max3A_551 : memref<6144xf32, #tpu.memory_space<vmem>>[vector<16xi32>], vector<16xf32>,
      %mul3A_571 = arith.constant 4 : i32
      %mul3A_572 = vector.broadcast %mul3A_571 : i32 to vector<16xi32>
      %mul3A_573 = arith.muli %add3A_567, %mul3A_572 : vector<16xi32>
      %add3A_574 = arith.constant 1 : i32
      %add3A_575 = vector.broadcast %add3A_574 : i32 to vector<16xi32>
      %add3A_576 = arith.addi %mul3A_573, %add3A_575 : vector<16xi32>
      tpu.vector_store_idx %arg14[%add3A_576], %max3A_553 : memref<6144xf32, #tpu.memory_space<vmem>>[vector<16xi32>], vector<16xf32>,
      %mul3A_577 = arith.constant 4 : i32
      %mul3A_578 = vector.broadcast %mul3A_577 : i32 to vector<16xi32>
      %mul3A_579 = arith.muli %add3A_567, %mul3A_578 : vector<16xi32>
      %add3A_580 = arith.constant 2 : i32
      %add3A_581 = vector.broadcast %add3A_580 : i32 to vector<16xi32>
      %add3A_582 = arith.addi %mul3A_579, %add3A_581 : vector<16xi32>
      tpu.vector_store_idx %arg14[%add3A_582], %max3A_555 : memref<6144xf32, #tpu.memory_space<vmem>>[vector<16xi32>], vector<16xf32>,
      %mul3A_583 = arith.constant 4 : i32
      %mul3A_584 = vector.broadcast %mul3A_583 : i32 to vector<16xi32>
      %mul3A_585 = arith.muli %add3A_567, %mul3A_584 : vector<16xi32>
      %add3A_586 = arith.constant 3 : i32
      %add3A_587 = vector.broadcast %add3A_586 : i32 to vector<16xi32>
      %add3A_588 = arith.addi %mul3A_585, %add3A_587 : vector<16xi32>
      tpu.vector_store_idx %arg14[%add3A_588], %max3A_557 : memref<6144xf32, #tpu.memory_space<vmem>>[vector<16xi32>], vector<16xf32>,
    }
    %scan3A_95 = arith.constant 32 : i32
    %mul3A_96 = arith.constant 6144 : i32
    %mul3A_97 = arith.muli %select_n3A_70, %mul3A_96 : i32
    "tpu.region"() ({
      %run_scoped3A = tpu.sem_alloc : memref<!tpu.dma_semaphore, #tpu.memory_space<semaphore_mem>>
      %dma_start3A = tpu.memref_slice %arg7[%select_n3A, %select_n3A_54, %mul3A_97] : memref<4x2x24576xf32, #tpu.memory_space<hbm>> -> memref<1x1x6144xf32, #tpu.memory_space<hbm>>
      %dma_start3A_100 = tpu.memref_squeeze %dma_start3A : memref<1x1x6144xf32, #tpu.memory_space<hbm>> -> memref<6144xf32, #tpu.memory_space<hbm>>
      %dma_start3A_101 = tpu.memref_slice %arg7[%select_n3A, %select_n3A_54, %mul3A_97] : memref<4x2x24576xf32, #tpu.memory_space<hbm>> -> memref<1x1x6144xf32, #tpu.memory_space<hbm>>
      %dma_start3A_102 = tpu.memref_squeeze %dma_start3A_101 : memref<1x1x6144xf32, #tpu.memory_space<hbm>> -> memref<6144xf32, #tpu.memory_space<hbm>>
      tpu.enqueue_dma source(%arg14 : memref<6144xf32, #tpu.memory_space<vmem>>) target(%dma_start3A_102 : memref<6144xf32, #tpu.memory_space<hbm>>) target_semaphore(%run_scoped3A : memref<!tpu.dma_semaphore, #tpu.memory_space<semaphore_mem>>)
      %dma_wait3A = tpu.memref_slice %arg7[%select_n3A, %select_n3A_54, %mul3A_97] : memref<4x2x24576xf32, #tpu.memory_space<hbm>> -> memref<1x1x6144xf32, #tpu.memory_space<hbm>>
      %dma_wait3A_103 = tpu.memref_squeeze %dma_wait3A : memref<1x1x6144xf32, #tpu.memory_space<hbm>> -> memref<6144xf32, #tpu.memory_space<hbm>>
      %dma_wait3A_104 = tpu.memref_slice %arg7[%select_n3A, %select_n3A_54, %mul3A_97] : memref<4x2x24576xf32, #tpu.memory_space<hbm>> -> memref<1x1x6144xf32, #tpu.memory_space<hbm>>
      %dma_wait3A_105 = tpu.memref_squeeze %dma_wait3A_104 : memref<1x1x6144xf32, #tpu.memory_space<hbm>> -> memref<6144xf32, #tpu.memory_space<hbm>>
      tpu.wait_dma2 semaphore(%run_scoped3A : memref<!tpu.dma_semaphore, #tpu.memory_space<semaphore_mem>>) src(%arg14 : memref<6144xf32, #tpu.memory_space<vmem>>) dst(%dma_wait3A_105 : memref<6144xf32, #tpu.memory_space<hbm>>)
      tpu.yield
    }) : () -> ()
    %mul3A_98 = arith.constant 1536 : i32
    %mul3A_99 = arith.muli %select_n3A_70, %mul3A_98 : i32
    "tpu.region"() ({
      %run_scoped3A = tpu.sem_alloc : memref<!tpu.dma_semaphore, #tpu.memory_space<semaphore_mem>>
      %dma_start3A = tpu.memref_slice %arg8[%select_n3A, %select_n3A_54, %mul3A_99] : memref<4x2x6144xf32, #tpu.memory_space<hbm>> -> memref<1x1x1536xf32, #tpu.memory_space<hbm>>
      %dma_start3A_100 = tpu.memref_squeeze %dma_start3A : memref<1x1x1536xf32, #tpu.memory_space<hbm>> -> memref<1536xf32, #tpu.memory_space<hbm>>
      %dma_start3A_101 = tpu.memref_slice %arg8[%select_n3A, %select_n3A_54, %mul3A_99] : memref<4x2x6144xf32, #tpu.memory_space<hbm>> -> memref<1x1x1536xf32, #tpu.memory_space<hbm>>
      %dma_start3A_102 = tpu.memref_squeeze %dma_start3A_101 : memref<1x1x1536xf32, #tpu.memory_space<hbm>> -> memref<1536xf32, #tpu.memory_space<hbm>>
      tpu.enqueue_dma source(%arg15 : memref<1536xf32, #tpu.memory_space<vmem>>) target(%dma_start3A_102 : memref<1536xf32, #tpu.memory_space<hbm>>) target_semaphore(%run_scoped3A : memref<!tpu.dma_semaphore, #tpu.memory_space<semaphore_mem>>)
      %dma_wait3A = tpu.memref_slice %arg8[%select_n3A, %select_n3A_54, %mul3A_99] : memref<4x2x6144xf32, #tpu.memory_space<hbm>> -> memref<1x1x1536xf32, #tpu.memory_space<hbm>>
      %dma_wait3A_103 = tpu.memref_squeeze %dma_wait3A : memref<1x1x1536xf32, #tpu.memory_space<hbm>> -> memref<1536xf32, #tpu.memory_space<hbm>>
      %dma_wait3A_104 = tpu.memref_slice %arg8[%select_n3A, %select_n3A_54, %mul3A_99] : memref<4x2x6144xf32, #tpu.memory_space<hbm>> -> memref<1x1x1536xf32, #tpu.memory_space<hbm>>
      %dma_wait3A_105 = tpu.memref_squeeze %dma_wait3A_104 : memref<1x1x1536xf32, #tpu.memory_space<hbm>> -> memref<1536xf32, #tpu.memory_space<hbm>>
      tpu.wait_dma2 semaphore(%run_scoped3A : memref<!tpu.dma_semaphore, #tpu.memory_space<semaphore_mem>>) src(%arg15 : memref<1536xf32, #tpu.memory_space<vmem>>) dst(%dma_wait3A_105 : memref<1536xf32, #tpu.memory_space<hbm>>)
      tpu.yield
    }) : () -> ()
    return
  }
}

#map = affine_map<(d0, d1) -> (0, 0)>
module attributes {stable_mosaic.version = 14 : i64} {
  func.func @_layout_sc_kernel(%arg0: i32, %arg1: i32, %arg2: memref<4x49152xf32, #tpu.memory_space<hbm>>, %arg3: memref<4x6144xi32, #tpu.memory_space<hbm>>, %arg4: memref<4x49152xf32, #tpu.memory_space<hbm>>, %arg5: memref<4x49152xf32, #tpu.memory_space<hbm>>, %arg6: memref<49152xf32, #tpu.memory_space<vmem>>, %arg7: memref<768xi32, #tpu.memory_space<vmem>>, %arg8: memref<6144xf32, #tpu.memory_space<vmem>>, %arg9: memref<6144xf32, #tpu.memory_space<vmem>>) attributes {dimension_semantics = [#tpu.dimension_semantics<core_parallel>, #tpu.dimension_semantics<subcore_parallel>], iteration_bounds = array<i64: 2, 16>, scalar_prefetch = 0 : i64, scratch_operands = 4 : i64, tpu.core_type = #tpu.core_type<sc_vector_subcore>, window_params = [{transform_indices = #map}, {transform_indices = #map}, {transform_indices = #map}, {transform_indices = #map}]} {
    %mul3A = arith.constant 2 : i32
    %mul3A_0 = arith.muli %arg1, %mul3A : i32
    %add3A = arith.addi %mul3A_0, %arg0 : i32
    %jit3A = arith.constant 8 : i32
    %div3A = arith.divsi %add3A, %jit3A : i32
    %sign3A = arith.constant 0 : i32
    %sign3A_1 = arith.cmpi sgt, %add3A, %sign3A : i32
    %sign3A_2 = arith.extui %sign3A_1 : i1 to i32
    %sign3A_3 = arith.constant 0 : i32
    %sign3A_4 = arith.cmpi slt, %add3A, %sign3A_3 : i32
    %sign3A_5 = arith.extui %sign3A_4 : i1 to i32
    %sign3A_6 = arith.subi %sign3A_2, %sign3A_5 : i32
    %sign3A_7 = arith.constant 0 : i32
    %sign3A_8 = arith.cmpi sgt, %jit3A, %sign3A_7 : i32
    %sign3A_9 = arith.extui %sign3A_8 : i1 to i32
    %sign3A_10 = arith.constant 0 : i32
    %sign3A_11 = arith.cmpi slt, %jit3A, %sign3A_10 : i32
    %sign3A_12 = arith.extui %sign3A_11 : i1 to i32
    %sign3A_13 = arith.subi %sign3A_9, %sign3A_12 : i32
    %ne3A = arith.cmpi ne, %sign3A_6, %sign3A_13 : i32
    %rem3A = arith.remsi %add3A, %jit3A : i32
    %ne3A_14 = arith.constant 0 : i32
    %ne3A_15 = arith.cmpi ne, %rem3A, %ne3A_14 : i32
    %and3A = arith.andi %ne3A, %ne3A_15 : i1
    %sub3A = arith.constant 1 : i32
    %sub3A_16 = arith.subi %div3A, %sub3A : i32
    %select_n3A = arith.select %and3A, %sub3A_16, %div3A : i32
    %jit3A_17 = arith.constant 8 : i32
    %eq3A = arith.constant 0 : i32
    %eq3A_18 = arith.cmpi eq, %jit3A_17, %eq3A : i32
    %jit3A_19 = arith.constant 1 : i32
    %select_n3A_20 = arith.select %eq3A_18, %jit3A_19, %jit3A_17 : i32
    %rem3A_21 = arith.remsi %add3A, %select_n3A_20 : i32
    %ne3A_22 = arith.constant 0 : i32
    %ne3A_23 = arith.cmpi ne, %rem3A_21, %ne3A_22 : i32
    %lt3A = arith.constant 0 : i32
    %lt3A_24 = arith.cmpi slt, %rem3A_21, %lt3A : i32
    %lt3A_25 = arith.constant 0 : i32
    %lt3A_26 = arith.cmpi slt, %select_n3A_20, %lt3A_25 : i32
    %ne3A_27 = arith.xori %lt3A_24, %lt3A_26 : i1
    %and3A_28 = arith.andi %ne3A_27, %ne3A_23 : i1
    %add3A_29 = arith.addi %rem3A_21, %select_n3A_20 : i32
    %select_n3A_30 = arith.select %and3A_28, %add3A_29, %rem3A_21 : i32
    "tpu.region"() ({
      %run_scoped3A = tpu.sem_alloc : memref<!tpu.dma_semaphore, #tpu.memory_space<semaphore_mem>>
      %dma_start3A = arith.constant 0 : i32
      %dma_start3A_217 = tpu.memref_slice %arg2[%select_n3A, %dma_start3A] : memref<4x49152xf32, #tpu.memory_space<hbm>> -> memref<1x49152xf32, #tpu.memory_space<hbm>>
      %dma_start3A_218 = tpu.memref_squeeze %dma_start3A_217 : memref<1x49152xf32, #tpu.memory_space<hbm>> -> memref<49152xf32, #tpu.memory_space<hbm>>
      %dma_start3A_219 = arith.constant 0 : i32
      %dma_start3A_220 = tpu.memref_slice %arg2[%select_n3A, %dma_start3A_219] : memref<4x49152xf32, #tpu.memory_space<hbm>> -> memref<1x49152xf32, #tpu.memory_space<hbm>>
      %dma_start3A_221 = tpu.memref_squeeze %dma_start3A_220 : memref<1x49152xf32, #tpu.memory_space<hbm>> -> memref<49152xf32, #tpu.memory_space<hbm>>
      tpu.enqueue_dma source(%dma_start3A_221 : memref<49152xf32, #tpu.memory_space<hbm>>) target(%arg6 : memref<49152xf32, #tpu.memory_space<vmem>>) target_semaphore(%run_scoped3A : memref<!tpu.dma_semaphore, #tpu.memory_space<semaphore_mem>>)
      %dma_wait3A = arith.constant 0 : i32
      %dma_wait3A_222 = tpu.memref_slice %arg2[%select_n3A, %dma_wait3A] : memref<4x49152xf32, #tpu.memory_space<hbm>> -> memref<1x49152xf32, #tpu.memory_space<hbm>>
      %dma_wait3A_223 = tpu.memref_squeeze %dma_wait3A_222 : memref<1x49152xf32, #tpu.memory_space<hbm>> -> memref<49152xf32, #tpu.memory_space<hbm>>
      %dma_wait3A_224 = arith.constant 0 : i32
      %dma_wait3A_225 = tpu.memref_slice %arg2[%select_n3A, %dma_wait3A_224] : memref<4x49152xf32, #tpu.memory_space<hbm>> -> memref<1x49152xf32, #tpu.memory_space<hbm>>
      %dma_wait3A_226 = tpu.memref_squeeze %dma_wait3A_225 : memref<1x49152xf32, #tpu.memory_space<hbm>> -> memref<49152xf32, #tpu.memory_space<hbm>>
      tpu.wait_dma2 semaphore(%run_scoped3A : memref<!tpu.dma_semaphore, #tpu.memory_space<semaphore_mem>>) src(%dma_wait3A_226 : memref<49152xf32, #tpu.memory_space<hbm>>) dst(%arg6 : memref<49152xf32, #tpu.memory_space<vmem>>)
      tpu.yield
    }) : () -> ()
    %mul3A_31 = arith.constant 768 : i32
    %mul3A_32 = arith.muli %select_n3A_30, %mul3A_31 : i32
    "tpu.region"() ({
      %run_scoped3A = tpu.sem_alloc : memref<!tpu.dma_semaphore, #tpu.memory_space<semaphore_mem>>
      %dma_start3A = tpu.memref_slice %arg3[%select_n3A, %mul3A_32] : memref<4x6144xi32, #tpu.memory_space<hbm>> -> memref<1x768xi32, #tpu.memory_space<hbm>>
      %dma_start3A_217 = tpu.memref_squeeze %dma_start3A : memref<1x768xi32, #tpu.memory_space<hbm>> -> memref<768xi32, #tpu.memory_space<hbm>>
      %dma_start3A_218 = tpu.memref_slice %arg3[%select_n3A, %mul3A_32] : memref<4x6144xi32, #tpu.memory_space<hbm>> -> memref<1x768xi32, #tpu.memory_space<hbm>>
      %dma_start3A_219 = tpu.memref_squeeze %dma_start3A_218 : memref<1x768xi32, #tpu.memory_space<hbm>> -> memref<768xi32, #tpu.memory_space<hbm>>
      tpu.enqueue_dma source(%dma_start3A_219 : memref<768xi32, #tpu.memory_space<hbm>>) target(%arg7 : memref<768xi32, #tpu.memory_space<vmem>>) target_semaphore(%run_scoped3A : memref<!tpu.dma_semaphore, #tpu.memory_space<semaphore_mem>>)
      %dma_wait3A = tpu.memref_slice %arg3[%select_n3A, %mul3A_32] : memref<4x6144xi32, #tpu.memory_space<hbm>> -> memref<1x768xi32, #tpu.memory_space<hbm>>
      %dma_wait3A_220 = tpu.memref_squeeze %dma_wait3A : memref<1x768xi32, #tpu.memory_space<hbm>> -> memref<768xi32, #tpu.memory_space<hbm>>
      %dma_wait3A_221 = tpu.memref_slice %arg3[%select_n3A, %mul3A_32] : memref<4x6144xi32, #tpu.memory_space<hbm>> -> memref<1x768xi32, #tpu.memory_space<hbm>>
      %dma_wait3A_222 = tpu.memref_squeeze %dma_wait3A_221 : memref<1x768xi32, #tpu.memory_space<hbm>> -> memref<768xi32, #tpu.memory_space<hbm>>
      tpu.wait_dma2 semaphore(%run_scoped3A : memref<!tpu.dma_semaphore, #tpu.memory_space<semaphore_mem>>) src(%dma_wait3A_222 : memref<768xi32, #tpu.memory_space<hbm>>) dst(%arg7 : memref<768xi32, #tpu.memory_space<vmem>>)
      tpu.yield
    }) : () -> ()
    %jit3A_33 = arith.constant 2 : i32
    %eq3A_34 = arith.constant 0 : i32
    %eq3A_35 = arith.cmpi eq, %jit3A_33, %eq3A_34 : i32
    %jit3A_36 = arith.constant 1 : i32
    %select_n3A_37 = arith.select %eq3A_35, %jit3A_36, %jit3A_33 : i32
    %rem3A_38 = arith.remsi %select_n3A_30, %select_n3A_37 : i32
    %ne3A_39 = arith.constant 0 : i32
    %ne3A_40 = arith.cmpi ne, %rem3A_38, %ne3A_39 : i32
    %lt3A_41 = arith.constant 0 : i32
    %lt3A_42 = arith.cmpi slt, %rem3A_38, %lt3A_41 : i32
    %lt3A_43 = arith.constant 0 : i32
    %lt3A_44 = arith.cmpi slt, %select_n3A_37, %lt3A_43 : i32
    %ne3A_45 = arith.xori %lt3A_42, %lt3A_44 : i1
    %and3A_46 = arith.andi %ne3A_45, %ne3A_40 : i1
    %add3A_47 = arith.addi %rem3A_38, %select_n3A_37 : i32
    %select_n3A_48 = arith.select %and3A_46, %add3A_47, %rem3A_38 : i32
    %eq3A_49 = arith.constant 0 : i32
    %eq3A_50 = arith.cmpi eq, %select_n3A_48, %eq3A_49 : i32
    %mul3A_51 = arith.constant 3 : i32
    %mul3A_52 = arith.muli %mul3A_51, %select_n3A_30 : i32
    %jit3A_53 = arith.constant 2 : i32
    %div3A_54 = arith.divsi %mul3A_52, %jit3A_53 : i32
    %sign3A_55 = arith.constant 0 : i32
    %sign3A_56 = arith.cmpi sgt, %mul3A_52, %sign3A_55 : i32
    %sign3A_57 = arith.extui %sign3A_56 : i1 to i32
    %sign3A_58 = arith.constant 0 : i32
    %sign3A_59 = arith.cmpi slt, %mul3A_52, %sign3A_58 : i32
    %sign3A_60 = arith.extui %sign3A_59 : i1 to i32
    %sign3A_61 = arith.subi %sign3A_57, %sign3A_60 : i32
    %sign3A_62 = arith.constant 0 : i32
    %sign3A_63 = arith.cmpi sgt, %jit3A_53, %sign3A_62 : i32
    %sign3A_64 = arith.extui %sign3A_63 : i1 to i32
    %sign3A_65 = arith.constant 0 : i32
    %sign3A_66 = arith.cmpi slt, %jit3A_53, %sign3A_65 : i32
    %sign3A_67 = arith.extui %sign3A_66 : i1 to i32
    %sign3A_68 = arith.subi %sign3A_64, %sign3A_67 : i32
    %ne3A_69 = arith.cmpi ne, %sign3A_61, %sign3A_68 : i32
    %rem3A_70 = arith.remsi %mul3A_52, %jit3A_53 : i32
    %ne3A_71 = arith.constant 0 : i32
    %ne3A_72 = arith.cmpi ne, %rem3A_70, %ne3A_71 : i32
    %and3A_73 = arith.andi %ne3A_69, %ne3A_72 : i1
    %sub3A_74 = arith.constant 1 : i32
    %sub3A_75 = arith.subi %div3A_54, %sub3A_74 : i32
    %select_n3A_76 = arith.select %and3A_73, %sub3A_75, %div3A_54 : i32
    %mul3A_77 = arith.constant 3 : i32
    %mul3A_78 = arith.muli %mul3A_77, %select_n3A_30 : i32
    %add3A_79 = arith.constant 1 : i32
    %add3A_80 = arith.addi %mul3A_78, %add3A_79 : i32
    %jit3A_81 = arith.constant 2 : i32
    %div3A_82 = arith.divsi %add3A_80, %jit3A_81 : i32
    %sign3A_83 = arith.constant 0 : i32
    %sign3A_84 = arith.cmpi sgt, %add3A_80, %sign3A_83 : i32
    %sign3A_85 = arith.extui %sign3A_84 : i1 to i32
    %sign3A_86 = arith.constant 0 : i32
    %sign3A_87 = arith.cmpi slt, %add3A_80, %sign3A_86 : i32
    %sign3A_88 = arith.extui %sign3A_87 : i1 to i32
    %sign3A_89 = arith.subi %sign3A_85, %sign3A_88 : i32
    %sign3A_90 = arith.constant 0 : i32
    %sign3A_91 = arith.cmpi sgt, %jit3A_81, %sign3A_90 : i32
    %sign3A_92 = arith.extui %sign3A_91 : i1 to i32
    %sign3A_93 = arith.constant 0 : i32
    %sign3A_94 = arith.cmpi slt, %jit3A_81, %sign3A_93 : i32
    %sign3A_95 = arith.extui %sign3A_94 : i1 to i32
    %sign3A_96 = arith.subi %sign3A_92, %sign3A_95 : i32
    %ne3A_97 = arith.cmpi ne, %sign3A_89, %sign3A_96 : i32
    %rem3A_98 = arith.remsi %add3A_80, %jit3A_81 : i32
    %ne3A_99 = arith.constant 0 : i32
    %ne3A_100 = arith.cmpi ne, %rem3A_98, %ne3A_99 : i32
    %and3A_101 = arith.andi %ne3A_97, %ne3A_100 : i1
    %sub3A_102 = arith.constant 1 : i32
    %sub3A_103 = arith.subi %div3A_82, %sub3A_102 : i32
    %select_n3A_104 = arith.select %and3A_101, %sub3A_103, %div3A_82 : i32
    %select_n3A_105 = arith.select %eq3A_50, %select_n3A_76, %select_n3A_104 : i32
    %mul3A_106 = arith.constant 3 : i32
    %mul3A_107 = arith.muli %mul3A_106, %select_n3A_30 : i32
    %jit3A_108 = arith.constant 2 : i32
    %div3A_109 = arith.divsi %mul3A_107, %jit3A_108 : i32
    %sign3A_110 = arith.constant 0 : i32
    %sign3A_111 = arith.cmpi sgt, %mul3A_107, %sign3A_110 : i32
    %sign3A_112 = arith.extui %sign3A_111 : i1 to i32
    %sign3A_113 = arith.constant 0 : i32
    %sign3A_114 = arith.cmpi slt, %mul3A_107, %sign3A_113 : i32
    %sign3A_115 = arith.extui %sign3A_114 : i1 to i32
    %sign3A_116 = arith.subi %sign3A_112, %sign3A_115 : i32
    %sign3A_117 = arith.constant 0 : i32
    %sign3A_118 = arith.cmpi sgt, %jit3A_108, %sign3A_117 : i32
    %sign3A_119 = arith.extui %sign3A_118 : i1 to i32
    %sign3A_120 = arith.constant 0 : i32
    %sign3A_121 = arith.cmpi slt, %jit3A_108, %sign3A_120 : i32
    %sign3A_122 = arith.extui %sign3A_121 : i1 to i32
    %sign3A_123 = arith.subi %sign3A_119, %sign3A_122 : i32
    %ne3A_124 = arith.cmpi ne, %sign3A_116, %sign3A_123 : i32
    %rem3A_125 = arith.remsi %mul3A_107, %jit3A_108 : i32
    %ne3A_126 = arith.constant 0 : i32
    %ne3A_127 = arith.cmpi ne, %rem3A_125, %ne3A_126 : i32
    %and3A_128 = arith.andi %ne3A_124, %ne3A_127 : i1
    %sub3A_129 = arith.constant 1 : i32
    %sub3A_130 = arith.subi %div3A_109, %sub3A_129 : i32
    %select_n3A_131 = arith.select %and3A_128, %sub3A_130, %div3A_109 : i32
    %add3A_132 = arith.constant 1 : i32
    %add3A_133 = arith.addi %select_n3A_131, %add3A_132 : i32
    %mul3A_134 = arith.constant 3 : i32
    %mul3A_135 = arith.muli %mul3A_134, %select_n3A_30 : i32
    %sub3A_136 = arith.constant 1 : i32
    %sub3A_137 = arith.subi %mul3A_135, %sub3A_136 : i32
    %jit3A_138 = arith.constant 2 : i32
    %div3A_139 = arith.divsi %sub3A_137, %jit3A_138 : i32
    %sign3A_140 = arith.constant 0 : i32
    %sign3A_141 = arith.cmpi sgt, %sub3A_137, %sign3A_140 : i32
    %sign3A_142 = arith.extui %sign3A_141 : i1 to i32
    %sign3A_143 = arith.constant 0 : i32
    %sign3A_144 = arith.cmpi slt, %sub3A_137, %sign3A_143 : i32
    %sign3A_145 = arith.extui %sign3A_144 : i1 to i32
    %sign3A_146 = arith.subi %sign3A_142, %sign3A_145 : i32
    %sign3A_147 = arith.constant 0 : i32
    %sign3A_148 = arith.cmpi sgt, %jit3A_138, %sign3A_147 : i32
    %sign3A_149 = arith.extui %sign3A_148 : i1 to i32
    %sign3A_150 = arith.constant 0 : i32
    %sign3A_151 = arith.cmpi slt, %jit3A_138, %sign3A_150 : i32
    %sign3A_152 = arith.extui %sign3A_151 : i1 to i32
    %sign3A_153 = arith.subi %sign3A_149, %sign3A_152 : i32
    %ne3A_154 = arith.cmpi ne, %sign3A_146, %sign3A_153 : i32
    %rem3A_155 = arith.remsi %sub3A_137, %jit3A_138 : i32
    %ne3A_156 = arith.constant 0 : i32
    %ne3A_157 = arith.cmpi ne, %rem3A_155, %ne3A_156 : i32
    %and3A_158 = arith.andi %ne3A_154, %ne3A_157 : i1
    %sub3A_159 = arith.constant 1 : i32
    %sub3A_160 = arith.subi %div3A_139, %sub3A_159 : i32
    %select_n3A_161 = arith.select %and3A_158, %sub3A_160, %div3A_139 : i32
    %select_n3A_162 = arith.select %eq3A_50, %add3A_133, %select_n3A_161 : i32
    %jit3A_163 = arith.constant 0 : i32
    %jit3A_164 = arith.constant 256 : i32
    %select_n3A_165 = arith.select %eq3A_50, %jit3A_163, %jit3A_164 : i32
    %iota3A = tpu.iota {dimensions = array<i32: 0>} : vector<16xi32>
    %mul3A_166 = arith.constant 768 : i32
    %mul3A_167 = arith.muli %select_n3A_30, %mul3A_166 : i32
    %scan3A = arith.constant 0 : i32
    %scan3A_168 = arith.constant 0 : i32
    %scan3A_169 = arith.constant 48 : i32
    %scan3A_170 = arith.addi %scan3A_168, %scan3A_169 : i32
    %scan3A_171 = arith.constant 1 : i32
    scf.for %scan3A_217 = %scan3A_168 to %scan3A_170 step %scan3A_171  : i32 {
      %mul3A_218 = arith.constant 16 : i32
      %mul3A_219 = arith.muli %scan3A_217, %mul3A_218 : i32
      %add3A_220 = vector.broadcast %mul3A_219 : i32 to vector<16xi32>
      %add3A_221 = arith.addi %add3A_220, %iota3A : vector<16xi32>
      %add3A_222 = vector.broadcast %mul3A_167 : i32 to vector<16xi32>
      %add3A_223 = arith.addi %add3A_222, %add3A_221 : vector<16xi32>
      %lt3A_224 = arith.constant 6000 : i32
      %lt3A_225 = vector.broadcast %lt3A_224 : i32 to vector<16xi32>
      %lt3A_226 = arith.cmpi slt, %add3A_223, %lt3A_225 : vector<16xi32>
      %mul3A_227 = arith.constant 16 : i32
      %mul3A_228 = arith.muli %scan3A_217, %mul3A_227 : i32
      %get3A = arith.index_cast %mul3A_228 : i32 to index
      %get3A_229 = tpu.vector_load %arg7[%get3A] {strides = array<i32>} : memref<768xi32, #tpu.memory_space<vmem>>, vector<16xi32>,
      %mul3A_230 = arith.constant 4 : i32
      %mul3A_231 = vector.broadcast %mul3A_230 : i32 to vector<16xi32>
      %mul3A_232 = arith.muli %get3A_229, %mul3A_231 : vector<16xi32>
      %ge3A = arith.constant 6000 : i32
      %ge3A_233 = vector.broadcast %ge3A : i32 to vector<16xi32>
      %ge3A_234 = arith.cmpi sge, %get3A_229, %ge3A_233 : vector<16xi32>
      %jit3A_235 = arith.constant 576 : i32
      %jit3A_236 = arith.constant 0 : i32
      %broadcast_in_dim3A = vector.broadcast %jit3A_235 : i32 to vector<16xi32>
      %broadcast_in_dim3A_237 = vector.broadcast %jit3A_236 : i32 to vector<16xi32>
      %select_n3A_238 = arith.select %ge3A_234, %broadcast_in_dim3A, %broadcast_in_dim3A_237 : vector<16xi1>, vector<16xi32>
      %add3A_239 = arith.addi %mul3A_232, %select_n3A_238 : vector<16xi32>
      %gather3A = tpu.vector_load_idx %arg6[%add3A_239] : memref<49152xf32, #tpu.memory_space<vmem>>[vector<16xi32>], vector<16xf32>,
      %add3A_240 = arith.constant 1 : i32
      %add3A_241 = vector.broadcast %add3A_240 : i32 to vector<16xi32>
      %add3A_242 = arith.addi %add3A_239, %add3A_241 : vector<16xi32>
      %gather3A_243 = tpu.vector_load_idx %arg6[%add3A_242] : memref<49152xf32, #tpu.memory_space<vmem>>[vector<16xi32>], vector<16xf32>,
      %add3A_244 = arith.constant 2 : i32
      %add3A_245 = vector.broadcast %add3A_244 : i32 to vector<16xi32>
      %add3A_246 = arith.addi %add3A_239, %add3A_245 : vector<16xi32>
      %gather3A_247 = tpu.vector_load_idx %arg6[%add3A_246] : memref<49152xf32, #tpu.memory_space<vmem>>[vector<16xi32>], vector<16xf32>,
      %add3A_248 = arith.constant 3 : i32
      %add3A_249 = vector.broadcast %add3A_248 : i32 to vector<16xi32>
      %add3A_250 = arith.addi %add3A_239, %add3A_249 : vector<16xi32>
      %gather3A_251 = tpu.vector_load_idx %arg6[%add3A_250] : memref<49152xf32, #tpu.memory_space<vmem>>[vector<16xi32>], vector<16xf32>,
      %broadcast_in_dim3A_252 = arith.constant 2.000000e+09 : f32
      %broadcast_in_dim3A_253 = vector.broadcast %broadcast_in_dim3A_252 : f32 to vector<16xf32>
      %select_n3A_254 = arith.select %lt3A_226, %gather3A, %broadcast_in_dim3A_253 : vector<16xi1>, vector<16xf32>
      %select_n3A_255 = arith.select %lt3A_226, %gather3A_243, %broadcast_in_dim3A_253 : vector<16xi1>, vector<16xf32>
      %select_n3A_256 = arith.select %lt3A_226, %gather3A_247, %broadcast_in_dim3A_253 : vector<16xi1>, vector<16xf32>
      %select_n3A_257 = arith.select %lt3A_226, %gather3A_251, %broadcast_in_dim3A_253 : vector<16xi1>, vector<16xf32>
      %sub3A_258 = arith.subf %select_n3A_256, %select_n3A_254 : vector<16xf32>
      %add3A_259 = arith.constant 1.000000e+00 : f32
      %add3A_260 = vector.broadcast %add3A_259 : f32 to vector<16xf32>
      %add3A_261 = arith.addf %sub3A_258, %add3A_260 : vector<16xf32>
      %sub3A_262 = arith.subf %select_n3A_257, %select_n3A_255 : vector<16xf32>
      %add3A_263 = arith.constant 1.000000e+00 : f32
      %add3A_264 = vector.broadcast %add3A_263 : f32 to vector<16xf32>
      %add3A_265 = arith.addf %sub3A_262, %add3A_264 : vector<16xf32>
      %mul3A_266 = arith.mulf %add3A_261, %add3A_265 : vector<16xf32>
      %lt3A_267 = arith.constant 512 : i32
      %lt3A_268 = vector.broadcast %lt3A_267 : i32 to vector<16xi32>
      %lt3A_269 = arith.cmpi slt, %add3A_221, %lt3A_268 : vector<16xi32>
      %ge3A_270 = arith.constant 256 : i32
      %ge3A_271 = vector.broadcast %ge3A_270 : i32 to vector<16xi32>
      %ge3A_272 = arith.cmpi sge, %add3A_221, %ge3A_271 : vector<16xi32>
      %select_n3A_273 = arith.select %eq3A_50, %lt3A_269, %ge3A_272 : vector<16xi1>
      %sub3A_274 = arith.constant 256 : i32
      %sub3A_275 = vector.broadcast %sub3A_274 : i32 to vector<16xi32>
      %sub3A_276 = arith.subi %add3A_221, %sub3A_275 : vector<16xi32>
      %select_n3A_277 = arith.select %eq3A_50, %add3A_221, %sub3A_276 : vector<16xi32>
      %sub3A_278 = arith.constant 512 : i32
      %sub3A_279 = vector.broadcast %sub3A_278 : i32 to vector<16xi32>
      %sub3A_280 = arith.subi %add3A_221, %sub3A_279 : vector<16xi32>
      %select_n3A_281 = arith.select %eq3A_50, %sub3A_280, %add3A_221 : vector<16xi32>
      %select_n3A_282 = arith.select %select_n3A_273, %select_n3A_277, %select_n3A_281 : vector<16xi1>, vector<16xi32>
      %mul3A_283 = arith.constant 8 : i32
      %mul3A_284 = vector.broadcast %mul3A_283 : i32 to vector<16xi32>
      %mul3A_285 = arith.muli %add3A_221, %mul3A_284 : vector<16xi32>
      %broadcast_in_dim3A_286 = arith.constant 1.000000e+00 : f32
      %broadcast_in_dim3A_287 = vector.broadcast %broadcast_in_dim3A_286 : f32 to vector<16xf32>
      tpu.vector_store_idx %arg8[%mul3A_285], %broadcast_in_dim3A_287 : memref<6144xf32, #tpu.memory_space<vmem>>[vector<16xi32>], vector<16xf32>,
      %mul3A_288 = arith.constant 8 : i32
      %mul3A_289 = vector.broadcast %mul3A_288 : i32 to vector<16xi32>
      %mul3A_290 = arith.muli %add3A_221, %mul3A_289 : vector<16xi32>
      %add3A_291 = arith.constant 1 : i32
      %add3A_292 = vector.broadcast %add3A_291 : i32 to vector<16xi32>
      %add3A_293 = arith.addi %mul3A_290, %add3A_292 : vector<16xi32>
      %add3A_294 = arith.constant 0 : i32
      %add3A_295 = vector.broadcast %add3A_294 : i32 to vector<16xi32>
      %add3A_296 = arith.addi %add3A_293, %add3A_295 : vector<16xi32>
      tpu.vector_store_idx %arg8[%add3A_296], %select_n3A_254 : memref<6144xf32, #tpu.memory_space<vmem>>[vector<16xi32>], vector<16xf32>,
      %add3A_297 = arith.constant 0 : i32
      %add3A_298 = vector.broadcast %add3A_297 : i32 to vector<16xi32>
      %add3A_299 = arith.addi %add3A_298, %select_n3A_282 : vector<16xi32>
      %add3A_300 = arith.constant 4096 : i32
      %add3A_301 = vector.broadcast %add3A_300 : i32 to vector<16xi32>
      %add3A_302 = arith.addi %add3A_301, %select_n3A_282 : vector<16xi32>
      %select_n3A_303 = arith.select %select_n3A_273, %add3A_299, %add3A_302 : vector<16xi1>, vector<16xi32>
      tpu.vector_store_idx %arg9[%select_n3A_303], %select_n3A_254 : memref<6144xf32, #tpu.memory_space<vmem>>[vector<16xi32>], vector<16xf32>,
      %mul3A_304 = arith.constant 8 : i32
      %mul3A_305 = vector.broadcast %mul3A_304 : i32 to vector<16xi32>
      %mul3A_306 = arith.muli %add3A_221, %mul3A_305 : vector<16xi32>
      %add3A_307 = arith.constant 1 : i32
      %add3A_308 = vector.broadcast %add3A_307 : i32 to vector<16xi32>
      %add3A_309 = arith.addi %mul3A_306, %add3A_308 : vector<16xi32>
      %add3A_310 = arith.constant 1 : i32
      %add3A_311 = vector.broadcast %add3A_310 : i32 to vector<16xi32>
      %add3A_312 = arith.addi %add3A_309, %add3A_311 : vector<16xi32>
      tpu.vector_store_idx %arg8[%add3A_312], %select_n3A_255 : memref<6144xf32, #tpu.memory_space<vmem>>[vector<16xi32>], vector<16xf32>,
      %add3A_313 = arith.constant 512 : i32
      %add3A_314 = vector.broadcast %add3A_313 : i32 to vector<16xi32>
      %add3A_315 = arith.addi %add3A_314, %select_n3A_282 : vector<16xi32>
      %add3A_316 = arith.constant 4352 : i32
      %add3A_317 = vector.broadcast %add3A_316 : i32 to vector<16xi32>
      %add3A_318 = arith.addi %add3A_317, %select_n3A_282 : vector<16xi32>
      %select_n3A_319 = arith.select %select_n3A_273, %add3A_315, %add3A_318 : vector<16xi1>, vector<16xi32>
      tpu.vector_store_idx %arg9[%select_n3A_319], %select_n3A_255 : memref<6144xf32, #tpu.memory_space<vmem>>[vector<16xi32>], vector<16xf32>,
      %mul3A_320 = arith.constant 8 : i32
      %mul3A_321 = vector.broadcast %mul3A_320 : i32 to vector<16xi32>
      %mul3A_322 = arith.muli %add3A_221, %mul3A_321 : vector<16xi32>
      %add3A_323 = arith.constant 1 : i32
      %add3A_324 = vector.broadcast %add3A_323 : i32 to vector<16xi32>
      %add3A_325 = arith.addi %mul3A_322, %add3A_324 : vector<16xi32>
      %add3A_326 = arith.constant 2 : i32
      %add3A_327 = vector.broadcast %add3A_326 : i32 to vector<16xi32>
      %add3A_328 = arith.addi %add3A_325, %add3A_327 : vector<16xi32>
      tpu.vector_store_idx %arg8[%add3A_328], %select_n3A_256 : memref<6144xf32, #tpu.memory_space<vmem>>[vector<16xi32>], vector<16xf32>,
      %add3A_329 = arith.constant 1024 : i32
      %add3A_330 = vector.broadcast %add3A_329 : i32 to vector<16xi32>
      %add3A_331 = arith.addi %add3A_330, %select_n3A_282 : vector<16xi32>
      %add3A_332 = arith.constant 4608 : i32
      %add3A_333 = vector.broadcast %add3A_332 : i32 to vector<16xi32>
      %add3A_334 = arith.addi %add3A_333, %select_n3A_282 : vector<16xi32>
      %select_n3A_335 = arith.select %select_n3A_273, %add3A_331, %add3A_334 : vector<16xi1>, vector<16xi32>
      tpu.vector_store_idx %arg9[%select_n3A_335], %select_n3A_256 : memref<6144xf32, #tpu.memory_space<vmem>>[vector<16xi32>], vector<16xf32>,
      %mul3A_336 = arith.constant 8 : i32
      %mul3A_337 = vector.broadcast %mul3A_336 : i32 to vector<16xi32>
      %mul3A_338 = arith.muli %add3A_221, %mul3A_337 : vector<16xi32>
      %add3A_339 = arith.constant 1 : i32
      %add3A_340 = vector.broadcast %add3A_339 : i32 to vector<16xi32>
      %add3A_341 = arith.addi %mul3A_338, %add3A_340 : vector<16xi32>
      %add3A_342 = arith.constant 3 : i32
      %add3A_343 = vector.broadcast %add3A_342 : i32 to vector<16xi32>
      %add3A_344 = arith.addi %add3A_341, %add3A_343 : vector<16xi32>
      tpu.vector_store_idx %arg8[%add3A_344], %select_n3A_257 : memref<6144xf32, #tpu.memory_space<vmem>>[vector<16xi32>], vector<16xf32>,
      %add3A_345 = arith.constant 1536 : i32
      %add3A_346 = vector.broadcast %add3A_345 : i32 to vector<16xi32>
      %add3A_347 = arith.addi %add3A_346, %select_n3A_282 : vector<16xi32>
      %add3A_348 = arith.constant 4864 : i32
      %add3A_349 = vector.broadcast %add3A_348 : i32 to vector<16xi32>
      %add3A_350 = arith.addi %add3A_349, %select_n3A_282 : vector<16xi32>
      %select_n3A_351 = arith.select %select_n3A_273, %add3A_347, %add3A_350 : vector<16xi1>, vector<16xi32>
      tpu.vector_store_idx %arg9[%select_n3A_351], %select_n3A_257 : memref<6144xf32, #tpu.memory_space<vmem>>[vector<16xi32>], vector<16xf32>,
      %mul3A_352 = arith.constant 8 : i32
      %mul3A_353 = vector.broadcast %mul3A_352 : i32 to vector<16xi32>
      %mul3A_354 = arith.muli %add3A_221, %mul3A_353 : vector<16xi32>
      %add3A_355 = arith.constant 1 : i32
      %add3A_356 = vector.broadcast %add3A_355 : i32 to vector<16xi32>
      %add3A_357 = arith.addi %mul3A_354, %add3A_356 : vector<16xi32>
      %add3A_358 = arith.constant 4 : i32
      %add3A_359 = vector.broadcast %add3A_358 : i32 to vector<16xi32>
      %add3A_360 = arith.addi %add3A_357, %add3A_359 : vector<16xi32>
      tpu.vector_store_idx %arg8[%add3A_360], %mul3A_266 : memref<6144xf32, #tpu.memory_space<vmem>>[vector<16xi32>], vector<16xf32>,
      %add3A_361 = arith.constant 2048 : i32
      %add3A_362 = vector.broadcast %add3A_361 : i32 to vector<16xi32>
      %add3A_363 = arith.addi %add3A_362, %select_n3A_282 : vector<16xi32>
      %add3A_364 = arith.constant 5120 : i32
      %add3A_365 = vector.broadcast %add3A_364 : i32 to vector<16xi32>
      %add3A_366 = arith.addi %add3A_365, %select_n3A_282 : vector<16xi32>
      %select_n3A_367 = arith.select %select_n3A_273, %add3A_363, %add3A_366 : vector<16xi1>, vector<16xi32>
      tpu.vector_store_idx %arg9[%select_n3A_367], %mul3A_266 : memref<6144xf32, #tpu.memory_space<vmem>>[vector<16xi32>], vector<16xf32>,
    }
    %scan3A_172 = arith.constant 48 : i32
    %mul3A_173 = arith.constant 6144 : i32
    %mul3A_174 = arith.muli %select_n3A_30, %mul3A_173 : i32
    "tpu.region"() ({
      %run_scoped3A = tpu.sem_alloc : memref<!tpu.dma_semaphore, #tpu.memory_space<semaphore_mem>>
      %dma_start3A = tpu.memref_slice %arg4[%select_n3A, %mul3A_174] : memref<4x49152xf32, #tpu.memory_space<hbm>> -> memref<1x6144xf32, #tpu.memory_space<hbm>>
      %dma_start3A_217 = tpu.memref_squeeze %dma_start3A : memref<1x6144xf32, #tpu.memory_space<hbm>> -> memref<6144xf32, #tpu.memory_space<hbm>>
      %dma_start3A_218 = tpu.memref_slice %arg4[%select_n3A, %mul3A_174] : memref<4x49152xf32, #tpu.memory_space<hbm>> -> memref<1x6144xf32, #tpu.memory_space<hbm>>
      %dma_start3A_219 = tpu.memref_squeeze %dma_start3A_218 : memref<1x6144xf32, #tpu.memory_space<hbm>> -> memref<6144xf32, #tpu.memory_space<hbm>>
      tpu.enqueue_dma source(%arg8 : memref<6144xf32, #tpu.memory_space<vmem>>) target(%dma_start3A_219 : memref<6144xf32, #tpu.memory_space<hbm>>) target_semaphore(%run_scoped3A : memref<!tpu.dma_semaphore, #tpu.memory_space<semaphore_mem>>)
      %dma_wait3A = tpu.memref_slice %arg4[%select_n3A, %mul3A_174] : memref<4x49152xf32, #tpu.memory_space<hbm>> -> memref<1x6144xf32, #tpu.memory_space<hbm>>
      %dma_wait3A_220 = tpu.memref_squeeze %dma_wait3A : memref<1x6144xf32, #tpu.memory_space<hbm>> -> memref<6144xf32, #tpu.memory_space<hbm>>
      %dma_wait3A_221 = tpu.memref_slice %arg4[%select_n3A, %mul3A_174] : memref<4x49152xf32, #tpu.memory_space<hbm>> -> memref<1x6144xf32, #tpu.memory_space<hbm>>
      %dma_wait3A_222 = tpu.memref_squeeze %dma_wait3A_221 : memref<1x6144xf32, #tpu.memory_space<hbm>> -> memref<6144xf32, #tpu.memory_space<hbm>>
      tpu.wait_dma2 semaphore(%run_scoped3A : memref<!tpu.dma_semaphore, #tpu.memory_space<semaphore_mem>>) src(%arg8 : memref<6144xf32, #tpu.memory_space<vmem>>) dst(%dma_wait3A_222 : memref<6144xf32, #tpu.memory_space<hbm>>)
      tpu.yield
    }) : () -> ()
    %mul3A_175 = arith.constant 4096 : i32
    %mul3A_176 = arith.muli %select_n3A_105, %mul3A_175 : i32
    "tpu.region"() ({
      %run_scoped3A = tpu.sem_alloc : memref<!tpu.dma_semaphore, #tpu.memory_space<semaphore_mem>>
      %dma_start3A = arith.constant 0 : i32
      %dma_start3A_217 = tpu.memref_slice %arg9[%dma_start3A] : memref<6144xf32, #tpu.memory_space<vmem>> -> memref<4096xf32, #tpu.memory_space<vmem>>
      %dma_start3A_218 = tpu.memref_slice %arg5[%select_n3A, %mul3A_176] : memref<4x49152xf32, #tpu.memory_space<hbm>> -> memref<1x4096xf32, #tpu.memory_space<hbm>>
      %dma_start3A_219 = tpu.memref_squeeze %dma_start3A_218 : memref<1x4096xf32, #tpu.memory_space<hbm>> -> memref<4096xf32, #tpu.memory_space<hbm>>
      %dma_start3A_220 = tpu.memref_slice %arg5[%select_n3A, %mul3A_176] : memref<4x49152xf32, #tpu.memory_space<hbm>> -> memref<1x4096xf32, #tpu.memory_space<hbm>>
      %dma_start3A_221 = tpu.memref_squeeze %dma_start3A_220 : memref<1x4096xf32, #tpu.memory_space<hbm>> -> memref<4096xf32, #tpu.memory_space<hbm>>
      %dma_start3A_222 = arith.constant 0 : i32
      %dma_start3A_223 = tpu.memref_slice %arg9[%dma_start3A_222] : memref<6144xf32, #tpu.memory_space<vmem>> -> memref<4096xf32, #tpu.memory_space<vmem>>
      tpu.enqueue_dma source(%dma_start3A_223 : memref<4096xf32, #tpu.memory_space<vmem>>) target(%dma_start3A_221 : memref<4096xf32, #tpu.memory_space<hbm>>) target_semaphore(%run_scoped3A : memref<!tpu.dma_semaphore, #tpu.memory_space<semaphore_mem>>)
      %dma_wait3A = arith.constant 0 : i32
      %dma_wait3A_224 = tpu.memref_slice %arg9[%dma_wait3A] : memref<6144xf32, #tpu.memory_space<vmem>> -> memref<4096xf32, #tpu.memory_space<vmem>>
      %dma_wait3A_225 = tpu.memref_slice %arg5[%select_n3A, %mul3A_176] : memref<4x49152xf32, #tpu.memory_space<hbm>> -> memref<1x4096xf32, #tpu.memory_space<hbm>>
      %dma_wait3A_226 = tpu.memref_squeeze %dma_wait3A_225 : memref<1x4096xf32, #tpu.memory_space<hbm>> -> memref<4096xf32, #tpu.memory_space<hbm>>
      %dma_wait3A_227 = tpu.memref_slice %arg5[%select_n3A, %mul3A_176] : memref<4x49152xf32, #tpu.memory_space<hbm>> -> memref<1x4096xf32, #tpu.memory_space<hbm>>
      %dma_wait3A_228 = tpu.memref_squeeze %dma_wait3A_227 : memref<1x4096xf32, #tpu.memory_space<hbm>> -> memref<4096xf32, #tpu.memory_space<hbm>>
      %dma_wait3A_229 = arith.constant 0 : i32
      %dma_wait3A_230 = tpu.memref_slice %arg9[%dma_wait3A_229] : memref<6144xf32, #tpu.memory_space<vmem>> -> memref<4096xf32, #tpu.memory_space<vmem>>
      tpu.wait_dma2 semaphore(%run_scoped3A : memref<!tpu.dma_semaphore, #tpu.memory_space<semaphore_mem>>) src(%dma_wait3A_230 : memref<4096xf32, #tpu.memory_space<vmem>>) dst(%dma_wait3A_228 : memref<4096xf32, #tpu.memory_space<hbm>>)
      tpu.yield
    }) : () -> ()
    %mul3A_177 = arith.constant 4096 : i32
    %mul3A_178 = arith.muli %select_n3A_162, %mul3A_177 : i32
    %add3A_179 = arith.constant 0 : i32
    %add3A_180 = arith.addi %mul3A_178, %add3A_179 : i32
    %add3A_181 = arith.addi %add3A_180, %select_n3A_165 : i32
    "tpu.region"() ({
      %run_scoped3A = tpu.sem_alloc : memref<!tpu.dma_semaphore, #tpu.memory_space<semaphore_mem>>
      %dma_start3A = arith.constant 4096 : i32
      %dma_start3A_217 = tpu.memref_slice %arg9[%dma_start3A] : memref<6144xf32, #tpu.memory_space<vmem>> -> memref<256xf32, #tpu.memory_space<vmem>>
      %dma_start3A_218 = tpu.memref_slice %arg5[%select_n3A, %add3A_181] : memref<4x49152xf32, #tpu.memory_space<hbm>> -> memref<1x256xf32, #tpu.memory_space<hbm>>
      %dma_start3A_219 = tpu.memref_squeeze %dma_start3A_218 : memref<1x256xf32, #tpu.memory_space<hbm>> -> memref<256xf32, #tpu.memory_space<hbm>>
      %dma_start3A_220 = tpu.memref_slice %arg5[%select_n3A, %add3A_181] : memref<4x49152xf32, #tpu.memory_space<hbm>> -> memref<1x256xf32, #tpu.memory_space<hbm>>
      %dma_start3A_221 = tpu.memref_squeeze %dma_start3A_220 : memref<1x256xf32, #tpu.memory_space<hbm>> -> memref<256xf32, #tpu.memory_space<hbm>>
      %dma_start3A_222 = arith.constant 4096 : i32
      %dma_start3A_223 = tpu.memref_slice %arg9[%dma_start3A_222] : memref<6144xf32, #tpu.memory_space<vmem>> -> memref<256xf32, #tpu.memory_space<vmem>>
      tpu.enqueue_dma source(%dma_start3A_223 : memref<256xf32, #tpu.memory_space<vmem>>) target(%dma_start3A_221 : memref<256xf32, #tpu.memory_space<hbm>>) target_semaphore(%run_scoped3A : memref<!tpu.dma_semaphore, #tpu.memory_space<semaphore_mem>>)
      %dma_wait3A = arith.constant 4096 : i32
      %dma_wait3A_224 = tpu.memref_slice %arg9[%dma_wait3A] : memref<6144xf32, #tpu.memory_space<vmem>> -> memref<256xf32, #tpu.memory_space<vmem>>
      %dma_wait3A_225 = tpu.memref_slice %arg5[%select_n3A, %add3A_181] : memref<4x49152xf32, #tpu.memory_space<hbm>> -> memref<1x256xf32, #tpu.memory_space<hbm>>
      %dma_wait3A_226 = tpu.memref_squeeze %dma_wait3A_225 : memref<1x256xf32, #tpu.memory_space<hbm>> -> memref<256xf32, #tpu.memory_space<hbm>>
      %dma_wait3A_227 = tpu.memref_slice %arg5[%select_n3A, %add3A_181] : memref<4x49152xf32, #tpu.memory_space<hbm>> -> memref<1x256xf32, #tpu.memory_space<hbm>>
      %dma_wait3A_228 = tpu.memref_squeeze %dma_wait3A_227 : memref<1x256xf32, #tpu.memory_space<hbm>> -> memref<256xf32, #tpu.memory_space<hbm>>
      %dma_wait3A_229 = arith.constant 4096 : i32
      %dma_wait3A_230 = tpu.memref_slice %arg9[%dma_wait3A_229] : memref<6144xf32, #tpu.memory_space<vmem>> -> memref<256xf32, #tpu.memory_space<vmem>>
      tpu.wait_dma2 semaphore(%run_scoped3A : memref<!tpu.dma_semaphore, #tpu.memory_space<semaphore_mem>>) src(%dma_wait3A_230 : memref<256xf32, #tpu.memory_space<vmem>>) dst(%dma_wait3A_228 : memref<256xf32, #tpu.memory_space<hbm>>)
      tpu.yield
    }) : () -> ()
    %mul3A_182 = arith.constant 4096 : i32
    %mul3A_183 = arith.muli %select_n3A_162, %mul3A_182 : i32
    %add3A_184 = arith.constant 512 : i32
    %add3A_185 = arith.addi %mul3A_183, %add3A_184 : i32
    %add3A_186 = arith.addi %add3A_185, %select_n3A_165 : i32
    "tpu.region"() ({
      %run_scoped3A = tpu.sem_alloc : memref<!tpu.dma_semaphore, #tpu.memory_space<semaphore_mem>>
      %dma_start3A = arith.constant 4352 : i32
      %dma_start3A_217 = tpu.memref_slice %arg9[%dma_start3A] : memref<6144xf32, #tpu.memory_space<vmem>> -> memref<256xf32, #tpu.memory_space<vmem>>
      %dma_start3A_218 = tpu.memref_slice %arg5[%select_n3A, %add3A_186] : memref<4x49152xf32, #tpu.memory_space<hbm>> -> memref<1x256xf32, #tpu.memory_space<hbm>>
      %dma_start3A_219 = tpu.memref_squeeze %dma_start3A_218 : memref<1x256xf32, #tpu.memory_space<hbm>> -> memref<256xf32, #tpu.memory_space<hbm>>
      %dma_start3A_220 = tpu.memref_slice %arg5[%select_n3A, %add3A_186] : memref<4x49152xf32, #tpu.memory_space<hbm>> -> memref<1x256xf32, #tpu.memory_space<hbm>>
      %dma_start3A_221 = tpu.memref_squeeze %dma_start3A_220 : memref<1x256xf32, #tpu.memory_space<hbm>> -> memref<256xf32, #tpu.memory_space<hbm>>
      %dma_start3A_222 = arith.constant 4352 : i32
      %dma_start3A_223 = tpu.memref_slice %arg9[%dma_start3A_222] : memref<6144xf32, #tpu.memory_space<vmem>> -> memref<256xf32, #tpu.memory_space<vmem>>
      tpu.enqueue_dma source(%dma_start3A_223 : memref<256xf32, #tpu.memory_space<vmem>>) target(%dma_start3A_221 : memref<256xf32, #tpu.memory_space<hbm>>) target_semaphore(%run_scoped3A : memref<!tpu.dma_semaphore, #tpu.memory_space<semaphore_mem>>)
      %dma_wait3A = arith.constant 4352 : i32
      %dma_wait3A_224 = tpu.memref_slice %arg9[%dma_wait3A] : memref<6144xf32, #tpu.memory_space<vmem>> -> memref<256xf32, #tpu.memory_space<vmem>>
      %dma_wait3A_225 = tpu.memref_slice %arg5[%select_n3A, %add3A_186] : memref<4x49152xf32, #tpu.memory_space<hbm>> -> memref<1x256xf32, #tpu.memory_space<hbm>>
      %dma_wait3A_226 = tpu.memref_squeeze %dma_wait3A_225 : memref<1x256xf32, #tpu.memory_space<hbm>> -> memref<256xf32, #tpu.memory_space<hbm>>
      %dma_wait3A_227 = tpu.memref_slice %arg5[%select_n3A, %add3A_186] : memref<4x49152xf32, #tpu.memory_space<hbm>> -> memref<1x256xf32, #tpu.memory_space<hbm>>
      %dma_wait3A_228 = tpu.memref_squeeze %dma_wait3A_227 : memref<1x256xf32, #tpu.memory_space<hbm>> -> memref<256xf32, #tpu.memory_space<hbm>>
      %dma_wait3A_229 = arith.constant 4352 : i32
      %dma_wait3A_230 = tpu.memref_slice %arg9[%dma_wait3A_229] : memref<6144xf32, #tpu.memory_space<vmem>> -> memref<256xf32, #tpu.memory_space<vmem>>
      tpu.wait_dma2 semaphore(%run_scoped3A : memref<!tpu.dma_semaphore, #tpu.memory_space<semaphore_mem>>) src(%dma_wait3A_230 : memref<256xf32, #tpu.memory_space<vmem>>) dst(%dma_wait3A_228 : memref<256xf32, #tpu.memory_space<hbm>>)
      tpu.yield
    }) : () -> ()
    %mul3A_187 = arith.constant 4096 : i32
    %mul3A_188 = arith.muli %select_n3A_162, %mul3A_187 : i32
    %add3A_189 = arith.constant 1024 : i32
    %add3A_190 = arith.addi %mul3A_188, %add3A_189 : i32
    %add3A_191 = arith.addi %add3A_190, %select_n3A_165 : i32
    "tpu.region"() ({
      %run_scoped3A = tpu.sem_alloc : memref<!tpu.dma_semaphore, #tpu.memory_space<semaphore_mem>>
      %dma_start3A = arith.constant 4608 : i32
      %dma_start3A_217 = tpu.memref_slice %arg9[%dma_start3A] : memref<6144xf32, #tpu.memory_space<vmem>> -> memref<256xf32, #tpu.memory_space<vmem>>
      %dma_start3A_218 = tpu.memref_slice %arg5[%select_n3A, %add3A_191] : memref<4x49152xf32, #tpu.memory_space<hbm>> -> memref<1x256xf32, #tpu.memory_space<hbm>>
      %dma_start3A_219 = tpu.memref_squeeze %dma_start3A_218 : memref<1x256xf32, #tpu.memory_space<hbm>> -> memref<256xf32, #tpu.memory_space<hbm>>
      %dma_start3A_220 = tpu.memref_slice %arg5[%select_n3A, %add3A_191] : memref<4x49152xf32, #tpu.memory_space<hbm>> -> memref<1x256xf32, #tpu.memory_space<hbm>>
      %dma_start3A_221 = tpu.memref_squeeze %dma_start3A_220 : memref<1x256xf32, #tpu.memory_space<hbm>> -> memref<256xf32, #tpu.memory_space<hbm>>
      %dma_start3A_222 = arith.constant 4608 : i32
      %dma_start3A_223 = tpu.memref_slice %arg9[%dma_start3A_222] : memref<6144xf32, #tpu.memory_space<vmem>> -> memref<256xf32, #tpu.memory_space<vmem>>
      tpu.enqueue_dma source(%dma_start3A_223 : memref<256xf32, #tpu.memory_space<vmem>>) target(%dma_start3A_221 : memref<256xf32, #tpu.memory_space<hbm>>) target_semaphore(%run_scoped3A : memref<!tpu.dma_semaphore, #tpu.memory_space<semaphore_mem>>)
      %dma_wait3A = arith.constant 4608 : i32
      %dma_wait3A_224 = tpu.memref_slice %arg9[%dma_wait3A] : memref<6144xf32, #tpu.memory_space<vmem>> -> memref<256xf32, #tpu.memory_space<vmem>>
      %dma_wait3A_225 = tpu.memref_slice %arg5[%select_n3A, %add3A_191] : memref<4x49152xf32, #tpu.memory_space<hbm>> -> memref<1x256xf32, #tpu.memory_space<hbm>>
      %dma_wait3A_226 = tpu.memref_squeeze %dma_wait3A_225 : memref<1x256xf32, #tpu.memory_space<hbm>> -> memref<256xf32, #tpu.memory_space<hbm>>
      %dma_wait3A_227 = tpu.memref_slice %arg5[%select_n3A, %add3A_191] : memref<4x49152xf32, #tpu.memory_space<hbm>> -> memref<1x256xf32, #tpu.memory_space<hbm>>
      %dma_wait3A_228 = tpu.memref_squeeze %dma_wait3A_227 : memref<1x256xf32, #tpu.memory_space<hbm>> -> memref<256xf32, #tpu.memory_space<hbm>>
      %dma_wait3A_229 = arith.constant 4608 : i32
      %dma_wait3A_230 = tpu.memref_slice %arg9[%dma_wait3A_229] : memref<6144xf32, #tpu.memory_space<vmem>> -> memref<256xf32, #tpu.memory_space<vmem>>
      tpu.wait_dma2 semaphore(%run_scoped3A : memref<!tpu.dma_semaphore, #tpu.memory_space<semaphore_mem>>) src(%dma_wait3A_230 : memref<256xf32, #tpu.memory_space<vmem>>) dst(%dma_wait3A_228 : memref<256xf32, #tpu.memory_space<hbm>>)
      tpu.yield
    }) : () -> ()
    %mul3A_192 = arith.constant 4096 : i32
    %mul3A_193 = arith.muli %select_n3A_162, %mul3A_192 : i32
    %add3A_194 = arith.constant 1536 : i32
    %add3A_195 = arith.addi %mul3A_193, %add3A_194 : i32
    %add3A_196 = arith.addi %add3A_195, %select_n3A_165 : i32
    "tpu.region"() ({
      %run_scoped3A = tpu.sem_alloc : memref<!tpu.dma_semaphore, #tpu.memory_space<semaphore_mem>>
      %dma_start3A = arith.constant 4864 : i32
      %dma_start3A_217 = tpu.memref_slice %arg9[%dma_start3A] : memref<6144xf32, #tpu.memory_space<vmem>> -> memref<256xf32, #tpu.memory_space<vmem>>
      %dma_start3A_218 = tpu.memref_slice %arg5[%select_n3A, %add3A_196] : memref<4x49152xf32, #tpu.memory_space<hbm>> -> memref<1x256xf32, #tpu.memory_space<hbm>>
      %dma_start3A_219 = tpu.memref_squeeze %dma_start3A_218 : memref<1x256xf32, #tpu.memory_space<hbm>> -> memref<256xf32, #tpu.memory_space<hbm>>
      %dma_start3A_220 = tpu.memref_slice %arg5[%select_n3A, %add3A_196] : memref<4x49152xf32, #tpu.memory_space<hbm>> -> memref<1x256xf32, #tpu.memory_space<hbm>>
      %dma_start3A_221 = tpu.memref_squeeze %dma_start3A_220 : memref<1x256xf32, #tpu.memory_space<hbm>> -> memref<256xf32, #tpu.memory_space<hbm>>
      %dma_start3A_222 = arith.constant 4864 : i32
      %dma_start3A_223 = tpu.memref_slice %arg9[%dma_start3A_222] : memref<6144xf32, #tpu.memory_space<vmem>> -> memref<256xf32, #tpu.memory_space<vmem>>
      tpu.enqueue_dma source(%dma_start3A_223 : memref<256xf32, #tpu.memory_space<vmem>>) target(%dma_start3A_221 : memref<256xf32, #tpu.memory_space<hbm>>) target_semaphore(%run_scoped3A : memref<!tpu.dma_semaphore, #tpu.memory_space<semaphore_mem>>)
      %dma_wait3A = arith.constant 4864 : i32
      %dma_wait3A_224 = tpu.memref_slice %arg9[%dma_wait3A] : memref<6144xf32, #tpu.memory_space<vmem>> -> memref<256xf32, #tpu.memory_space<vmem>>
      %dma_wait3A_225 = tpu.memref_slice %arg5[%select_n3A, %add3A_196] : memref<4x49152xf32, #tpu.memory_space<hbm>> -> memref<1x256xf32, #tpu.memory_space<hbm>>
      %dma_wait3A_226 = tpu.memref_squeeze %dma_wait3A_225 : memref<1x256xf32, #tpu.memory_space<hbm>> -> memref<256xf32, #tpu.memory_space<hbm>>
      %dma_wait3A_227 = tpu.memref_slice %arg5[%select_n3A, %add3A_196] : memref<4x49152xf32, #tpu.memory_space<hbm>> -> memref<1x256xf32, #tpu.memory_space<hbm>>
      %dma_wait3A_228 = tpu.memref_squeeze %dma_wait3A_227 : memref<1x256xf32, #tpu.memory_space<hbm>> -> memref<256xf32, #tpu.memory_space<hbm>>
      %dma_wait3A_229 = arith.constant 4864 : i32
      %dma_wait3A_230 = tpu.memref_slice %arg9[%dma_wait3A_229] : memref<6144xf32, #tpu.memory_space<vmem>> -> memref<256xf32, #tpu.memory_space<vmem>>
      tpu.wait_dma2 semaphore(%run_scoped3A : memref<!tpu.dma_semaphore, #tpu.memory_space<semaphore_mem>>) src(%dma_wait3A_230 : memref<256xf32, #tpu.memory_space<vmem>>) dst(%dma_wait3A_228 : memref<256xf32, #tpu.memory_space<hbm>>)
      tpu.yield
    }) : () -> ()
    %mul3A_197 = arith.constant 4096 : i32
    %mul3A_198 = arith.muli %select_n3A_162, %mul3A_197 : i32
    %add3A_199 = arith.constant 2048 : i32
    %add3A_200 = arith.addi %mul3A_198, %add3A_199 : i32
    %add3A_201 = arith.addi %add3A_200, %select_n3A_165 : i32
    "tpu.region"() ({
      %run_scoped3A = tpu.sem_alloc : memref<!tpu.dma_semaphore, #tpu.memory_space<semaphore_mem>>
      %dma_start3A = arith.constant 5120 : i32
      %dma_start3A_217 = tpu.memref_slice %arg9[%dma_start3A] : memref<6144xf32, #tpu.memory_space<vmem>> -> memref<256xf32, #tpu.memory_space<vmem>>
      %dma_start3A_218 = tpu.memref_slice %arg5[%select_n3A, %add3A_201] : memref<4x49152xf32, #tpu.memory_space<hbm>> -> memref<1x256xf32, #tpu.memory_space<hbm>>
      %dma_start3A_219 = tpu.memref_squeeze %dma_start3A_218 : memref<1x256xf32, #tpu.memory_space<hbm>> -> memref<256xf32, #tpu.memory_space<hbm>>
      %dma_start3A_220 = tpu.memref_slice %arg5[%select_n3A, %add3A_201] : memref<4x49152xf32, #tpu.memory_space<hbm>> -> memref<1x256xf32, #tpu.memory_space<hbm>>
      %dma_start3A_221 = tpu.memref_squeeze %dma_start3A_220 : memref<1x256xf32, #tpu.memory_space<hbm>> -> memref<256xf32, #tpu.memory_space<hbm>>
      %dma_start3A_222 = arith.constant 5120 : i32
      %dma_start3A_223 = tpu.memref_slice %arg9[%dma_start3A_222] : memref<6144xf32, #tpu.memory_space<vmem>> -> memref<256xf32, #tpu.memory_space<vmem>>
      tpu.enqueue_dma source(%dma_start3A_223 : memref<256xf32, #tpu.memory_space<vmem>>) target(%dma_start3A_221 : memref<256xf32, #tpu.memory_space<hbm>>) target_semaphore(%run_scoped3A : memref<!tpu.dma_semaphore, #tpu.memory_space<semaphore_mem>>)
      %dma_wait3A = arith.constant 5120 : i32
      %dma_wait3A_224 = tpu.memref_slice %arg9[%dma_wait3A] : memref<6144xf32, #tpu.memory_space<vmem>> -> memref<256xf32, #tpu.memory_space<vmem>>
      %dma_wait3A_225 = tpu.memref_slice %arg5[%select_n3A, %add3A_201] : memref<4x49152xf32, #tpu.memory_space<hbm>> -> memref<1x256xf32, #tpu.memory_space<hbm>>
      %dma_wait3A_226 = tpu.memref_squeeze %dma_wait3A_225 : memref<1x256xf32, #tpu.memory_space<hbm>> -> memref<256xf32, #tpu.memory_space<hbm>>
      %dma_wait3A_227 = tpu.memref_slice %arg5[%select_n3A, %add3A_201] : memref<4x49152xf32, #tpu.memory_space<hbm>> -> memref<1x256xf32, #tpu.memory_space<hbm>>
      %dma_wait3A_228 = tpu.memref_squeeze %dma_wait3A_227 : memref<1x256xf32, #tpu.memory_space<hbm>> -> memref<256xf32, #tpu.memory_space<hbm>>
      %dma_wait3A_229 = arith.constant 5120 : i32
      %dma_wait3A_230 = tpu.memref_slice %arg9[%dma_wait3A_229] : memref<6144xf32, #tpu.memory_space<vmem>> -> memref<256xf32, #tpu.memory_space<vmem>>
      tpu.wait_dma2 semaphore(%run_scoped3A : memref<!tpu.dma_semaphore, #tpu.memory_space<semaphore_mem>>) src(%dma_wait3A_230 : memref<256xf32, #tpu.memory_space<vmem>>) dst(%dma_wait3A_228 : memref<256xf32, #tpu.memory_space<hbm>>)
      tpu.yield
    }) : () -> ()
    %mul3A_202 = arith.constant 4096 : i32
    %mul3A_203 = arith.muli %select_n3A_162, %mul3A_202 : i32
    %add3A_204 = arith.constant 2560 : i32
    %add3A_205 = arith.addi %mul3A_203, %add3A_204 : i32
    %add3A_206 = arith.addi %add3A_205, %select_n3A_165 : i32
    "tpu.region"() ({
      %run_scoped3A = tpu.sem_alloc : memref<!tpu.dma_semaphore, #tpu.memory_space<semaphore_mem>>
      %dma_start3A = arith.constant 5376 : i32
      %dma_start3A_217 = tpu.memref_slice %arg9[%dma_start3A] : memref<6144xf32, #tpu.memory_space<vmem>> -> memref<256xf32, #tpu.memory_space<vmem>>
      %dma_start3A_218 = tpu.memref_slice %arg5[%select_n3A, %add3A_206] : memref<4x49152xf32, #tpu.memory_space<hbm>> -> memref<1x256xf32, #tpu.memory_space<hbm>>
      %dma_start3A_219 = tpu.memref_squeeze %dma_start3A_218 : memref<1x256xf32, #tpu.memory_space<hbm>> -> memref<256xf32, #tpu.memory_space<hbm>>
      %dma_start3A_220 = tpu.memref_slice %arg5[%select_n3A, %add3A_206] : memref<4x49152xf32, #tpu.memory_space<hbm>> -> memref<1x256xf32, #tpu.memory_space<hbm>>
      %dma_start3A_221 = tpu.memref_squeeze %dma_start3A_220 : memref<1x256xf32, #tpu.memory_space<hbm>> -> memref<256xf32, #tpu.memory_space<hbm>>
      %dma_start3A_222 = arith.constant 5376 : i32
      %dma_start3A_223 = tpu.memref_slice %arg9[%dma_start3A_222] : memref<6144xf32, #tpu.memory_space<vmem>> -> memref<256xf32, #tpu.memory_space<vmem>>
      tpu.enqueue_dma source(%dma_start3A_223 : memref<256xf32, #tpu.memory_space<vmem>>) target(%dma_start3A_221 : memref<256xf32, #tpu.memory_space<hbm>>) target_semaphore(%run_scoped3A : memref<!tpu.dma_semaphore, #tpu.memory_space<semaphore_mem>>)
      %dma_wait3A = arith.constant 5376 : i32
      %dma_wait3A_224 = tpu.memref_slice %arg9[%dma_wait3A] : memref<6144xf32, #tpu.memory_space<vmem>> -> memref<256xf32, #tpu.memory_space<vmem>>
      %dma_wait3A_225 = tpu.memref_slice %arg5[%select_n3A, %add3A_206] : memref<4x49152xf32, #tpu.memory_space<hbm>> -> memref<1x256xf32, #tpu.memory_space<hbm>>
      %dma_wait3A_226 = tpu.memref_squeeze %dma_wait3A_225 : memref<1x256xf32, #tpu.memory_space<hbm>> -> memref<256xf32, #tpu.memory_space<hbm>>
      %dma_wait3A_227 = tpu.memref_slice %arg5[%select_n3A, %add3A_206] : memref<4x49152xf32, #tpu.memory_space<hbm>> -> memref<1x256xf32, #tpu.memory_space<hbm>>
      %dma_wait3A_228 = tpu.memref_squeeze %dma_wait3A_227 : memref<1x256xf32, #tpu.memory_space<hbm>> -> memref<256xf32, #tpu.memory_space<hbm>>
      %dma_wait3A_229 = arith.constant 5376 : i32
      %dma_wait3A_230 = tpu.memref_slice %arg9[%dma_wait3A_229] : memref<6144xf32, #tpu.memory_space<vmem>> -> memref<256xf32, #tpu.memory_space<vmem>>
      tpu.wait_dma2 semaphore(%run_scoped3A : memref<!tpu.dma_semaphore, #tpu.memory_space<semaphore_mem>>) src(%dma_wait3A_230 : memref<256xf32, #tpu.memory_space<vmem>>) dst(%dma_wait3A_228 : memref<256xf32, #tpu.memory_space<hbm>>)
      tpu.yield
    }) : () -> ()
    %mul3A_207 = arith.constant 4096 : i32
    %mul3A_208 = arith.muli %select_n3A_162, %mul3A_207 : i32
    %add3A_209 = arith.constant 3072 : i32
    %add3A_210 = arith.addi %mul3A_208, %add3A_209 : i32
    %add3A_211 = arith.addi %add3A_210, %select_n3A_165 : i32
    "tpu.region"() ({
      %run_scoped3A = tpu.sem_alloc : memref<!tpu.dma_semaphore, #tpu.memory_space<semaphore_mem>>
      %dma_start3A = arith.constant 5632 : i32
      %dma_start3A_217 = tpu.memref_slice %arg9[%dma_start3A] : memref<6144xf32, #tpu.memory_space<vmem>> -> memref<256xf32, #tpu.memory_space<vmem>>
      %dma_start3A_218 = tpu.memref_slice %arg5[%select_n3A, %add3A_211] : memref<4x49152xf32, #tpu.memory_space<hbm>> -> memref<1x256xf32, #tpu.memory_space<hbm>>
      %dma_start3A_219 = tpu.memref_squeeze %dma_start3A_218 : memref<1x256xf32, #tpu.memory_space<hbm>> -> memref<256xf32, #tpu.memory_space<hbm>>
      %dma_start3A_220 = tpu.memref_slice %arg5[%select_n3A, %add3A_211] : memref<4x49152xf32, #tpu.memory_space<hbm>> -> memref<1x256xf32, #tpu.memory_space<hbm>>
      %dma_start3A_221 = tpu.memref_squeeze %dma_start3A_220 : memref<1x256xf32, #tpu.memory_space<hbm>> -> memref<256xf32, #tpu.memory_space<hbm>>
      %dma_start3A_222 = arith.constant 5632 : i32
      %dma_start3A_223 = tpu.memref_slice %arg9[%dma_start3A_222] : memref<6144xf32, #tpu.memory_space<vmem>> -> memref<256xf32, #tpu.memory_space<vmem>>
      tpu.enqueue_dma source(%dma_start3A_223 : memref<256xf32, #tpu.memory_space<vmem>>) target(%dma_start3A_221 : memref<256xf32, #tpu.memory_space<hbm>>) target_semaphore(%run_scoped3A : memref<!tpu.dma_semaphore, #tpu.memory_space<semaphore_mem>>)
      %dma_wait3A = arith.constant 5632 : i32
      %dma_wait3A_224 = tpu.memref_slice %arg9[%dma_wait3A] : memref<6144xf32, #tpu.memory_space<vmem>> -> memref<256xf32, #tpu.memory_space<vmem>>
      %dma_wait3A_225 = tpu.memref_slice %arg5[%select_n3A, %add3A_211] : memref<4x49152xf32, #tpu.memory_space<hbm>> -> memref<1x256xf32, #tpu.memory_space<hbm>>
      %dma_wait3A_226 = tpu.memref_squeeze %dma_wait3A_225 : memref<1x256xf32, #tpu.memory_space<hbm>> -> memref<256xf32, #tpu.memory_space<hbm>>
      %dma_wait3A_227 = tpu.memref_slice %arg5[%select_n3A, %add3A_211] : memref<4x49152xf32, #tpu.memory_space<hbm>> -> memref<1x256xf32, #tpu.memory_space<hbm>>
      %dma_wait3A_228 = tpu.memref_squeeze %dma_wait3A_227 : memref<1x256xf32, #tpu.memory_space<hbm>> -> memref<256xf32, #tpu.memory_space<hbm>>
      %dma_wait3A_229 = arith.constant 5632 : i32
      %dma_wait3A_230 = tpu.memref_slice %arg9[%dma_wait3A_229] : memref<6144xf32, #tpu.memory_space<vmem>> -> memref<256xf32, #tpu.memory_space<vmem>>
      tpu.wait_dma2 semaphore(%run_scoped3A : memref<!tpu.dma_semaphore, #tpu.memory_space<semaphore_mem>>) src(%dma_wait3A_230 : memref<256xf32, #tpu.memory_space<vmem>>) dst(%dma_wait3A_228 : memref<256xf32, #tpu.memory_space<hbm>>)
      tpu.yield
    }) : () -> ()
    %mul3A_212 = arith.constant 4096 : i32
    %mul3A_213 = arith.muli %select_n3A_162, %mul3A_212 : i32
    %add3A_214 = arith.constant 3584 : i32
    %add3A_215 = arith.addi %mul3A_213, %add3A_214 : i32
    %add3A_216 = arith.addi %add3A_215, %select_n3A_165 : i32
    "tpu.region"() ({
      %run_scoped3A = tpu.sem_alloc : memref<!tpu.dma_semaphore, #tpu.memory_space<semaphore_mem>>
      %dma_start3A = arith.constant 5888 : i32
      %dma_start3A_217 = tpu.memref_slice %arg9[%dma_start3A] : memref<6144xf32, #tpu.memory_space<vmem>> -> memref<256xf32, #tpu.memory_space<vmem>>
      %dma_start3A_218 = tpu.memref_slice %arg5[%select_n3A, %add3A_216] : memref<4x49152xf32, #tpu.memory_space<hbm>> -> memref<1x256xf32, #tpu.memory_space<hbm>>
      %dma_start3A_219 = tpu.memref_squeeze %dma_start3A_218 : memref<1x256xf32, #tpu.memory_space<hbm>> -> memref<256xf32, #tpu.memory_space<hbm>>
      %dma_start3A_220 = tpu.memref_slice %arg5[%select_n3A, %add3A_216] : memref<4x49152xf32, #tpu.memory_space<hbm>> -> memref<1x256xf32, #tpu.memory_space<hbm>>
      %dma_start3A_221 = tpu.memref_squeeze %dma_start3A_220 : memref<1x256xf32, #tpu.memory_space<hbm>> -> memref<256xf32, #tpu.memory_space<hbm>>
      %dma_start3A_222 = arith.constant 5888 : i32
      %dma_start3A_223 = tpu.memref_slice %arg9[%dma_start3A_222] : memref<6144xf32, #tpu.memory_space<vmem>> -> memref<256xf32, #tpu.memory_space<vmem>>
      tpu.enqueue_dma source(%dma_start3A_223 : memref<256xf32, #tpu.memory_space<vmem>>) target(%dma_start3A_221 : memref<256xf32, #tpu.memory_space<hbm>>) target_semaphore(%run_scoped3A : memref<!tpu.dma_semaphore, #tpu.memory_space<semaphore_mem>>)
      %dma_wait3A = arith.constant 5888 : i32
      %dma_wait3A_224 = tpu.memref_slice %arg9[%dma_wait3A] : memref<6144xf32, #tpu.memory_space<vmem>> -> memref<256xf32, #tpu.memory_space<vmem>>
      %dma_wait3A_225 = tpu.memref_slice %arg5[%select_n3A, %add3A_216] : memref<4x49152xf32, #tpu.memory_space<hbm>> -> memref<1x256xf32, #tpu.memory_space<hbm>>
      %dma_wait3A_226 = tpu.memref_squeeze %dma_wait3A_225 : memref<1x256xf32, #tpu.memory_space<hbm>> -> memref<256xf32, #tpu.memory_space<hbm>>
      %dma_wait3A_227 = tpu.memref_slice %arg5[%select_n3A, %add3A_216] : memref<4x49152xf32, #tpu.memory_space<hbm>> -> memref<1x256xf32, #tpu.memory_space<hbm>>
      %dma_wait3A_228 = tpu.memref_squeeze %dma_wait3A_227 : memref<1x256xf32, #tpu.memory_space<hbm>> -> memref<256xf32, #tpu.memory_space<hbm>>
      %dma_wait3A_229 = arith.constant 5888 : i32
      %dma_wait3A_230 = tpu.memref_slice %arg9[%dma_wait3A_229] : memref<6144xf32, #tpu.memory_space<vmem>> -> memref<256xf32, #tpu.memory_space<vmem>>
      tpu.wait_dma2 semaphore(%run_scoped3A : memref<!tpu.dma_semaphore, #tpu.memory_space<semaphore_mem>>) src(%dma_wait3A_230 : memref<256xf32, #tpu.memory_space<vmem>>) dst(%dma_wait3A_228 : memref<256xf32, #tpu.memory_space<hbm>>)
      tpu.yield
    }) : () -> ()
    return
  }
}

module attributes {stable_mosaic.version = 14 : i64} {
  func.func @_nms_kernel(%arg0: i32, %arg1: memref<1x12x512x8xf32, #tpu.memory_space<vmem>>, %arg2: memref<1x12x8x512xf32, #tpu.memory_space<vmem>>, %arg3: memref<1x384x8xf32, #tpu.memory_space<vmem>>, %arg4: memref<12x512x1xf32, #tpu.memory_space<vmem>>) attributes {dimension_semantics = [#tpu.dimension_semantics<arbitrary>], iteration_bounds = array<i64: 4>, scalar_prefetch = 0 : i64, scratch_operands = 1 : i64, tpu.core_type = #tpu.core_type<tc>, window_params = [{transform_indices = @transform_0, window_bounds = array<i64: 1, 12, 512, 8>}, {transform_indices = @transform_1, window_bounds = array<i64: 1, 12, 8, 512>}, {transform_indices = @transform_2, window_bounds = array<i64: 1, 384, 8>}]} {
    %broadcast_in_dim3A = arith.constant 0.000000e+00 : f32
    %broadcast_in_dim3A_0 = vector.broadcast %broadcast_in_dim3A : f32 to vector<1x384x8xf32>
    %swap3A = arith.constant 0 : index
    %swap3A_1 = arith.constant 0 : index
    %swap3A_2 = arith.constant 0 : index
    %swap3A_3 = vector.load %arg3[%swap3A, %swap3A_1, %swap3A_2] : memref<1x384x8xf32, #tpu.memory_space<vmem>>, vector<1x384x8xf32>
    tpu.vector_store %arg3[%swap3A, %swap3A_1, %swap3A_2], %broadcast_in_dim3A_0 {strides = array<i32>} : memref<1x384x8xf32, #tpu.memory_space<vmem>>, vector<1x384x8xf32>,
    %iota3A = tpu.iota {dimensions = array<i32: 0>} : vector<512x512xi32>
    %iota3A_4 = tpu.iota {dimensions = array<i32: 1>} : vector<512x512xi32>
    %eq3A = arith.cmpi eq, %iota3A, %iota3A_4 : vector<512x512xi32>
    %le3A = arith.cmpi sle, %iota3A, %iota3A_4 : vector<512x512xi32>
    %jit3A = arith.constant 1.000000e+00 : f32
    %jit3A_5 = arith.constant 0.000000e+00 : f32
    %broadcast_in_dim3A_6 = vector.broadcast %jit3A : f32 to vector<512x512xf32>
    %broadcast_in_dim3A_7 = vector.broadcast %jit3A_5 : f32 to vector<512x512xf32>
    %select_n3A = arith.select %le3A, %broadcast_in_dim3A_6, %broadcast_in_dim3A_7 : vector<512x512xi1>, vector<512x512xf32>
    %iota3A_8 = tpu.iota {dimensions = array<i32: 0>} : vector<384x512xi32>
    %while3A = arith.constant 0 : i32
    %while3A_9 = arith.constant 0.000000e+00 : f32
    %while3A_10:2 = scf.while (%while3A_20 = %while3A, %while3A_21 = %while3A_9) : (i32, f32) -> (i32, f32) {
      %lt3A = arith.constant 12 : i32
      %lt3A_22 = arith.cmpi slt, %while3A_20, %lt3A : i32
      %lt3A_23 = arith.constant 3.000000e+02 : f32
      %lt3A_24 = arith.cmpf olt, %while3A_21, %lt3A_23 : f32
      %and3A = arith.andi %lt3A_22, %lt3A_24 : i1
      scf.condition(%and3A) %while3A_20, %while3A_21 : i32, f32
    } do {
    ^bb0(%while3A_20: i32, %while3A_21: f32):
      %get3A = arith.constant 0 : index
      %get3A_22 = arith.index_cast %while3A_20 : i32 to index
      %get3A_23 = arith.constant 0 : index
      %get3A_24 = arith.constant 1 : index
      %get3A_25 = vector.load %arg1[%get3A, %get3A_22, %get3A_23, %get3A_24] : memref<1x12x512x8xf32, #tpu.memory_space<vmem>>, vector<1x1x512x1xf32>
      %get3A_26 = vector.shape_cast %get3A_25 : vector<1x1x512x1xf32> to vector<512x1xf32>
      %get3A_27 = arith.constant 0 : index
      %get3A_28 = arith.index_cast %while3A_20 : i32 to index
      %get3A_29 = arith.constant 0 : index
      %get3A_30 = arith.constant 2 : index
      %get3A_31 = vector.load %arg1[%get3A_27, %get3A_28, %get3A_29, %get3A_30] : memref<1x12x512x8xf32, #tpu.memory_space<vmem>>, vector<1x1x512x1xf32>
      %get3A_32 = vector.shape_cast %get3A_31 : vector<1x1x512x1xf32> to vector<512x1xf32>
      %get3A_33 = arith.constant 0 : index
      %get3A_34 = arith.index_cast %while3A_20 : i32 to index
      %get3A_35 = arith.constant 0 : index
      %get3A_36 = arith.constant 3 : index
      %get3A_37 = vector.load %arg1[%get3A_33, %get3A_34, %get3A_35, %get3A_36] : memref<1x12x512x8xf32, #tpu.memory_space<vmem>>, vector<1x1x512x1xf32>
      %get3A_38 = vector.shape_cast %get3A_37 : vector<1x1x512x1xf32> to vector<512x1xf32>
      %get3A_39 = arith.constant 0 : index
      %get3A_40 = arith.index_cast %while3A_20 : i32 to index
      %get3A_41 = arith.constant 0 : index
      %get3A_42 = arith.constant 4 : index
      %get3A_43 = vector.load %arg1[%get3A_39, %get3A_40, %get3A_41, %get3A_42] : memref<1x12x512x8xf32, #tpu.memory_space<vmem>>, vector<1x1x512x1xf32>
      %get3A_44 = vector.shape_cast %get3A_43 : vector<1x1x512x1xf32> to vector<512x1xf32>
      %get3A_45 = arith.constant 0 : index
      %get3A_46 = arith.index_cast %while3A_20 : i32 to index
      %get3A_47 = arith.constant 0 : index
      %get3A_48 = arith.constant 5 : index
      %get3A_49 = vector.load %arg1[%get3A_45, %get3A_46, %get3A_47, %get3A_48] : memref<1x12x512x8xf32, #tpu.memory_space<vmem>>, vector<1x1x512x1xf32>
      %get3A_50 = vector.shape_cast %get3A_49 : vector<1x1x512x1xf32> to vector<512x1xf32>
      %get3A_51 = arith.constant 0 : index
      %get3A_52 = arith.index_cast %while3A_20 : i32 to index
      %get3A_53 = arith.constant 0 : index
      %get3A_54 = arith.constant 0 : index
      %get3A_55 = vector.load %arg2[%get3A_51, %get3A_52, %get3A_53, %get3A_54] : memref<1x12x8x512xf32, #tpu.memory_space<vmem>>, vector<1x1x1x512xf32>
      %get3A_56 = vector.shape_cast %get3A_55 : vector<1x1x1x512xf32> to vector<1x512xf32>
      %get3A_57 = arith.constant 0 : index
      %get3A_58 = arith.index_cast %while3A_20 : i32 to index
      %get3A_59 = arith.constant 1 : index
      %get3A_60 = arith.constant 0 : index
      %get3A_61 = vector.load %arg2[%get3A_57, %get3A_58, %get3A_59, %get3A_60] : memref<1x12x8x512xf32, #tpu.memory_space<vmem>>, vector<1x1x1x512xf32>
      %get3A_62 = vector.shape_cast %get3A_61 : vector<1x1x1x512xf32> to vector<1x512xf32>
      %get3A_63 = arith.constant 0 : index
      %get3A_64 = arith.index_cast %while3A_20 : i32 to index
      %get3A_65 = arith.constant 2 : index
      %get3A_66 = arith.constant 0 : index
      %get3A_67 = vector.load %arg2[%get3A_63, %get3A_64, %get3A_65, %get3A_66] : memref<1x12x8x512xf32, #tpu.memory_space<vmem>>, vector<1x1x1x512xf32>
      %get3A_68 = vector.shape_cast %get3A_67 : vector<1x1x1x512xf32> to vector<1x512xf32>
      %get3A_69 = arith.constant 0 : index
      %get3A_70 = arith.index_cast %while3A_20 : i32 to index
      %get3A_71 = arith.constant 3 : index
      %get3A_72 = arith.constant 0 : index
      %get3A_73 = vector.load %arg2[%get3A_69, %get3A_70, %get3A_71, %get3A_72] : memref<1x12x8x512xf32, #tpu.memory_space<vmem>>, vector<1x1x1x512xf32>
      %get3A_74 = vector.shape_cast %get3A_73 : vector<1x1x1x512xf32> to vector<1x512xf32>
      %get3A_75 = arith.constant 0 : index
      %get3A_76 = arith.index_cast %while3A_20 : i32 to index
      %get3A_77 = arith.constant 4 : index
      %get3A_78 = arith.constant 0 : index
      %get3A_79 = vector.load %arg2[%get3A_75, %get3A_76, %get3A_77, %get3A_78] : memref<1x12x8x512xf32, #tpu.memory_space<vmem>>, vector<1x1x1x512xf32>
      %get3A_80 = vector.shape_cast %get3A_79 : vector<1x1x1x512xf32> to vector<1x512xf32>
      %broadcast_in_dim3A_81 = arith.constant 0.000000e+00 : f32
      %broadcast_in_dim3A_82 = vector.broadcast %broadcast_in_dim3A_81 : f32 to vector<1x512xf32>
      %while3A_83 = arith.constant 0 : i32
      %while3A_84 = arith.subi %while3A_20, %while3A_83 : i32
      %while3A_85 = arith.addi %while3A_83, %while3A_84 : i32
      %while3A_86 = arith.constant 1 : i32
      %while3A_87 = arith.divsi %while3A_84, %while3A_86 : i32
      %while3A_88 = arith.muli %while3A_87, %while3A_86 : i32
      %while3A_89 = arith.addi %while3A_83, %while3A_88 : i32
      %while3A_90 = arith.constant 1 : i32
      %while3A_91 = scf.for %while3A_232 = %while3A_83 to %while3A_89 step %while3A_90 iter_args(%while3A_233 = %broadcast_in_dim3A_82) -> (vector<1x512xf32>)  : i32 {
        %get3A_234 = arith.constant 0 : index
        %get3A_235 = arith.index_cast %while3A_232 : i32 to index
        %get3A_236 = arith.constant 0 : index
        %get3A_237 = arith.constant 1 : index
        %get3A_238 = vector.load %arg1[%get3A_234, %get3A_235, %get3A_236, %get3A_237] : memref<1x12x512x8xf32, #tpu.memory_space<vmem>>, vector<1x1x512x1xf32>
        %get3A_239 = vector.shape_cast %get3A_238 : vector<1x1x512x1xf32> to vector<512x1xf32>
        %get3A_240 = arith.constant 0 : index
        %get3A_241 = arith.index_cast %while3A_232 : i32 to index
        %get3A_242 = arith.constant 0 : index
        %get3A_243 = arith.constant 2 : index
        %get3A_244 = vector.load %arg1[%get3A_240, %get3A_241, %get3A_242, %get3A_243] : memref<1x12x512x8xf32, #tpu.memory_space<vmem>>, vector<1x1x512x1xf32>
        %get3A_245 = vector.shape_cast %get3A_244 : vector<1x1x512x1xf32> to vector<512x1xf32>
        %get3A_246 = arith.constant 0 : index
        %get3A_247 = arith.index_cast %while3A_232 : i32 to index
        %get3A_248 = arith.constant 0 : index
        %get3A_249 = arith.constant 3 : index
        %get3A_250 = vector.load %arg1[%get3A_246, %get3A_247, %get3A_248, %get3A_249] : memref<1x12x512x8xf32, #tpu.memory_space<vmem>>, vector<1x1x512x1xf32>
        %get3A_251 = vector.shape_cast %get3A_250 : vector<1x1x512x1xf32> to vector<512x1xf32>
        %get3A_252 = arith.constant 0 : index
        %get3A_253 = arith.index_cast %while3A_232 : i32 to index
        %get3A_254 = arith.constant 0 : index
        %get3A_255 = arith.constant 4 : index
        %get3A_256 = vector.load %arg1[%get3A_252, %get3A_253, %get3A_254, %get3A_255] : memref<1x12x512x8xf32, #tpu.memory_space<vmem>>, vector<1x1x512x1xf32>
        %get3A_257 = vector.shape_cast %get3A_256 : vector<1x1x512x1xf32> to vector<512x1xf32>
        %get3A_258 = arith.constant 0 : index
        %get3A_259 = arith.index_cast %while3A_232 : i32 to index
        %get3A_260 = arith.constant 0 : index
        %get3A_261 = arith.constant 5 : index
        %get3A_262 = vector.load %arg1[%get3A_258, %get3A_259, %get3A_260, %get3A_261] : memref<1x12x512x8xf32, #tpu.memory_space<vmem>>, vector<1x1x512x1xf32>
        %get3A_263 = vector.shape_cast %get3A_262 : vector<1x1x512x1xf32> to vector<512x1xf32>
        %get3A_264 = arith.index_cast %while3A_232 : i32 to index
        %get3A_265 = arith.constant 0 : index
        %get3A_266 = arith.constant 0 : index
        %get3A_267 = vector.load %arg4[%get3A_264, %get3A_265, %get3A_266] : memref<12x512x1xf32, #tpu.memory_space<vmem>>, vector<1x512x1xf32>
        %get3A_268 = vector.shape_cast %get3A_267 : vector<1x512x1xf32> to vector<512x1xf32>
        %max3A_269 = vector.broadcast %get3A_239 : vector<512x1xf32> to vector<512x512xf32>
        %max3A_270 = vector.broadcast %get3A_56 : vector<1x512xf32> to vector<512x512xf32>
        %max3A_271 = arith.maximumf %max3A_269, %max3A_270 : vector<512x512xf32>
        %max3A_272 = vector.broadcast %get3A_245 : vector<512x1xf32> to vector<512x512xf32>
        %max3A_273 = vector.broadcast %get3A_62 : vector<1x512xf32> to vector<512x512xf32>
        %max3A_274 = arith.maximumf %max3A_272, %max3A_273 : vector<512x512xf32>
        %min3A_275 = vector.broadcast %get3A_251 : vector<512x1xf32> to vector<512x512xf32>
        %min3A_276 = vector.broadcast %get3A_68 : vector<1x512xf32> to vector<512x512xf32>
        %min3A_277 = arith.minimumf %min3A_275, %min3A_276 : vector<512x512xf32>
        %min3A_278 = vector.broadcast %get3A_257 : vector<512x1xf32> to vector<512x512xf32>
        %min3A_279 = vector.broadcast %get3A_74 : vector<1x512xf32> to vector<512x512xf32>
        %min3A_280 = arith.minimumf %min3A_278, %min3A_279 : vector<512x512xf32>
        %sub3A_281 = arith.subf %min3A_277, %max3A_271 : vector<512x512xf32>
        %add3A_282 = arith.constant 1.000000e+00 : f32
        %add3A_283 = vector.broadcast %add3A_282 : f32 to vector<512x512xf32>
        %add3A_284 = arith.addf %sub3A_281, %add3A_283 : vector<512x512xf32>
        %max3A_285 = arith.constant 0.000000e+00 : f32
        %max3A_286 = vector.broadcast %max3A_285 : f32 to vector<512x512xf32>
        %max3A_287 = arith.maximumf %max3A_286, %add3A_284 : vector<512x512xf32>
        %sub3A_288 = arith.subf %min3A_280, %max3A_274 : vector<512x512xf32>
        %add3A_289 = arith.constant 1.000000e+00 : f32
        %add3A_290 = vector.broadcast %add3A_289 : f32 to vector<512x512xf32>
        %add3A_291 = arith.addf %sub3A_288, %add3A_290 : vector<512x512xf32>
        %max3A_292 = arith.constant 0.000000e+00 : f32
        %max3A_293 = vector.broadcast %max3A_292 : f32 to vector<512x512xf32>
        %max3A_294 = arith.maximumf %max3A_293, %add3A_291 : vector<512x512xf32>
        %mul3A_295 = arith.mulf %max3A_287, %max3A_294 : vector<512x512xf32>
        %add3A_296 = vector.broadcast %get3A_263 : vector<512x1xf32> to vector<512x512xf32>
        %add3A_297 = vector.broadcast %get3A_80 : vector<1x512xf32> to vector<512x512xf32>
        %add3A_298 = arith.addf %add3A_296, %add3A_297 : vector<512x512xf32>
        %sub3A_299 = arith.subf %add3A_298, %mul3A_295 : vector<512x512xf32>
        %div3A_300 = arith.divf %mul3A_295, %sub3A_299 : vector<512x512xf32>
        %gt3A_301 = arith.constant 0.699999988 : f32
        %gt3A_302 = vector.broadcast %gt3A_301 : f32 to vector<512x512xf32>
        %gt3A_303 = arith.cmpf ogt, %div3A_300, %gt3A_302 : vector<512x512xf32>
        %gt3A_304 = arith.constant 5.000000e-01 : f32
        %gt3A_305 = vector.broadcast %gt3A_304 : f32 to vector<512x1xf32>
        %gt3A_306 = arith.cmpf ogt, %get3A_268, %gt3A_305 : vector<512x1xf32>
        %and3A_307 = vector.broadcast %gt3A_306 : vector<512x1xi1> to vector<512x512xi1>
        %and3A_308 = arith.andi %gt3A_303, %and3A_307 : vector<512x512xi1>
        %jit3A_309 = arith.constant 1.000000e+00 : f32
        %jit3A_310 = arith.constant 0.000000e+00 : f32
        %broadcast_in_dim3A_311 = vector.broadcast %jit3A_309 : f32 to vector<512x512xf32>
        %broadcast_in_dim3A_312 = vector.broadcast %jit3A_310 : f32 to vector<512x512xf32>
        %select_n3A_313 = arith.select %and3A_308, %broadcast_in_dim3A_311, %broadcast_in_dim3A_312 : vector<512x512xi1>, vector<512x512xf32>
        %reduce_max3A_314 = arith.constant dense<0xFF800000> : vector<512xf32>
        %reduce_max3A_315 = vector.multi_reduction <maximumf>, %select_n3A_313, %reduce_max3A_314 [0] : vector<512x512xf32> to vector<512xf32>
        %broadcast_in_dim3A_316 = vector.shape_cast %reduce_max3A_315 : vector<512xf32> to vector<1x512xf32>
        %max3A_317 = arith.maximumf %while3A_233, %broadcast_in_dim3A_316 : vector<1x512xf32>
        scf.yield %max3A_317 : vector<1x512xf32>
      }
      %while3A_92 = arith.constant 1 : i32
      %while3A_93 = scf.for %while3A_232 = %while3A_89 to %while3A_85 step %while3A_92 iter_args(%while3A_233 = %while3A_91) -> (vector<1x512xf32>)  : i32 {
        %get3A_234 = arith.constant 0 : index
        %get3A_235 = arith.index_cast %while3A_232 : i32 to index
        %get3A_236 = arith.constant 0 : index
        %get3A_237 = arith.constant 1 : index
        %get3A_238 = vector.load %arg1[%get3A_234, %get3A_235, %get3A_236, %get3A_237] : memref<1x12x512x8xf32, #tpu.memory_space<vmem>>, vector<1x1x512x1xf32>
        %get3A_239 = vector.shape_cast %get3A_238 : vector<1x1x512x1xf32> to vector<512x1xf32>
        %get3A_240 = arith.constant 0 : index
        %get3A_241 = arith.index_cast %while3A_232 : i32 to index
        %get3A_242 = arith.constant 0 : index
        %get3A_243 = arith.constant 2 : index
        %get3A_244 = vector.load %arg1[%get3A_240, %get3A_241, %get3A_242, %get3A_243] : memref<1x12x512x8xf32, #tpu.memory_space<vmem>>, vector<1x1x512x1xf32>
        %get3A_245 = vector.shape_cast %get3A_244 : vector<1x1x512x1xf32> to vector<512x1xf32>
        %get3A_246 = arith.constant 0 : index
        %get3A_247 = arith.index_cast %while3A_232 : i32 to index
        %get3A_248 = arith.constant 0 : index
        %get3A_249 = arith.constant 3 : index
        %get3A_250 = vector.load %arg1[%get3A_246, %get3A_247, %get3A_248, %get3A_249] : memref<1x12x512x8xf32, #tpu.memory_space<vmem>>, vector<1x1x512x1xf32>
        %get3A_251 = vector.shape_cast %get3A_250 : vector<1x1x512x1xf32> to vector<512x1xf32>
        %get3A_252 = arith.constant 0 : index
        %get3A_253 = arith.index_cast %while3A_232 : i32 to index
        %get3A_254 = arith.constant 0 : index
        %get3A_255 = arith.constant 4 : index
        %get3A_256 = vector.load %arg1[%get3A_252, %get3A_253, %get3A_254, %get3A_255] : memref<1x12x512x8xf32, #tpu.memory_space<vmem>>, vector<1x1x512x1xf32>
        %get3A_257 = vector.shape_cast %get3A_256 : vector<1x1x512x1xf32> to vector<512x1xf32>
        %get3A_258 = arith.constant 0 : index
        %get3A_259 = arith.index_cast %while3A_232 : i32 to index
        %get3A_260 = arith.constant 0 : index
        %get3A_261 = arith.constant 5 : index
        %get3A_262 = vector.load %arg1[%get3A_258, %get3A_259, %get3A_260, %get3A_261] : memref<1x12x512x8xf32, #tpu.memory_space<vmem>>, vector<1x1x512x1xf32>
        %get3A_263 = vector.shape_cast %get3A_262 : vector<1x1x512x1xf32> to vector<512x1xf32>
        %get3A_264 = arith.index_cast %while3A_232 : i32 to index
        %get3A_265 = arith.constant 0 : index
        %get3A_266 = arith.constant 0 : index
        %get3A_267 = vector.load %arg4[%get3A_264, %get3A_265, %get3A_266] : memref<12x512x1xf32, #tpu.memory_space<vmem>>, vector<1x512x1xf32>
        %get3A_268 = vector.shape_cast %get3A_267 : vector<1x512x1xf32> to vector<512x1xf32>
        %max3A_269 = vector.broadcast %get3A_239 : vector<512x1xf32> to vector<512x512xf32>
        %max3A_270 = vector.broadcast %get3A_56 : vector<1x512xf32> to vector<512x512xf32>
        %max3A_271 = arith.maximumf %max3A_269, %max3A_270 : vector<512x512xf32>
        %max3A_272 = vector.broadcast %get3A_245 : vector<512x1xf32> to vector<512x512xf32>
        %max3A_273 = vector.broadcast %get3A_62 : vector<1x512xf32> to vector<512x512xf32>
        %max3A_274 = arith.maximumf %max3A_272, %max3A_273 : vector<512x512xf32>
        %min3A_275 = vector.broadcast %get3A_251 : vector<512x1xf32> to vector<512x512xf32>
        %min3A_276 = vector.broadcast %get3A_68 : vector<1x512xf32> to vector<512x512xf32>
        %min3A_277 = arith.minimumf %min3A_275, %min3A_276 : vector<512x512xf32>
        %min3A_278 = vector.broadcast %get3A_257 : vector<512x1xf32> to vector<512x512xf32>
        %min3A_279 = vector.broadcast %get3A_74 : vector<1x512xf32> to vector<512x512xf32>
        %min3A_280 = arith.minimumf %min3A_278, %min3A_279 : vector<512x512xf32>
        %sub3A_281 = arith.subf %min3A_277, %max3A_271 : vector<512x512xf32>
        %add3A_282 = arith.constant 1.000000e+00 : f32
        %add3A_283 = vector.broadcast %add3A_282 : f32 to vector<512x512xf32>
        %add3A_284 = arith.addf %sub3A_281, %add3A_283 : vector<512x512xf32>
        %max3A_285 = arith.constant 0.000000e+00 : f32
        %max3A_286 = vector.broadcast %max3A_285 : f32 to vector<512x512xf32>
        %max3A_287 = arith.maximumf %max3A_286, %add3A_284 : vector<512x512xf32>
        %sub3A_288 = arith.subf %min3A_280, %max3A_274 : vector<512x512xf32>
        %add3A_289 = arith.constant 1.000000e+00 : f32
        %add3A_290 = vector.broadcast %add3A_289 : f32 to vector<512x512xf32>
        %add3A_291 = arith.addf %sub3A_288, %add3A_290 : vector<512x512xf32>
        %max3A_292 = arith.constant 0.000000e+00 : f32
        %max3A_293 = vector.broadcast %max3A_292 : f32 to vector<512x512xf32>
        %max3A_294 = arith.maximumf %max3A_293, %add3A_291 : vector<512x512xf32>
        %mul3A_295 = arith.mulf %max3A_287, %max3A_294 : vector<512x512xf32>
        %add3A_296 = vector.broadcast %get3A_263 : vector<512x1xf32> to vector<512x512xf32>
        %add3A_297 = vector.broadcast %get3A_80 : vector<1x512xf32> to vector<512x512xf32>
        %add3A_298 = arith.addf %add3A_296, %add3A_297 : vector<512x512xf32>
        %sub3A_299 = arith.subf %add3A_298, %mul3A_295 : vector<512x512xf32>
        %div3A_300 = arith.divf %mul3A_295, %sub3A_299 : vector<512x512xf32>
        %gt3A_301 = arith.constant 0.699999988 : f32
        %gt3A_302 = vector.broadcast %gt3A_301 : f32 to vector<512x512xf32>
        %gt3A_303 = arith.cmpf ogt, %div3A_300, %gt3A_302 : vector<512x512xf32>
        %gt3A_304 = arith.constant 5.000000e-01 : f32
        %gt3A_305 = vector.broadcast %gt3A_304 : f32 to vector<512x1xf32>
        %gt3A_306 = arith.cmpf ogt, %get3A_268, %gt3A_305 : vector<512x1xf32>
        %and3A_307 = vector.broadcast %gt3A_306 : vector<512x1xi1> to vector<512x512xi1>
        %and3A_308 = arith.andi %gt3A_303, %and3A_307 : vector<512x512xi1>
        %jit3A_309 = arith.constant 1.000000e+00 : f32
        %jit3A_310 = arith.constant 0.000000e+00 : f32
        %broadcast_in_dim3A_311 = vector.broadcast %jit3A_309 : f32 to vector<512x512xf32>
        %broadcast_in_dim3A_312 = vector.broadcast %jit3A_310 : f32 to vector<512x512xf32>
        %select_n3A_313 = arith.select %and3A_308, %broadcast_in_dim3A_311, %broadcast_in_dim3A_312 : vector<512x512xi1>, vector<512x512xf32>
        %reduce_max3A_314 = arith.constant dense<0xFF800000> : vector<512xf32>
        %reduce_max3A_315 = vector.multi_reduction <maximumf>, %select_n3A_313, %reduce_max3A_314 [0] : vector<512x512xf32> to vector<512xf32>
        %broadcast_in_dim3A_316 = vector.shape_cast %reduce_max3A_315 : vector<512xf32> to vector<1x512xf32>
        %max3A_317 = arith.maximumf %while3A_233, %broadcast_in_dim3A_316 : vector<1x512xf32>
        scf.yield %max3A_317 : vector<1x512xf32>
      }
      %broadcast_in_dim3A_94 = vector.shape_cast %while3A_93 : vector<1x512xf32> to vector<1x512xf32>
      %broadcast_in_dim3A_95 = vector.broadcast %broadcast_in_dim3A_94 : vector<1x512xf32> to vector<512x512xf32>
      %jit3A_96 = arith.constant 0.000000e+00 : f32
      %broadcast_in_dim3A_97 = vector.broadcast %jit3A_96 : f32 to vector<512x512xf32>
      %select_n3A_98 = arith.select %eq3A, %broadcast_in_dim3A_95, %broadcast_in_dim3A_97 : vector<512x512xi1>, vector<512x512xf32>
      %reduce_max3A = arith.constant dense<0xFF800000> : vector<512xf32>
      %reduce_max3A_99 = vector.multi_reduction <maximumf>, %select_n3A_98, %reduce_max3A [1] : vector<512x512xf32> to vector<512xf32>
      %broadcast_in_dim3A_100 = vector.shape_cast %reduce_max3A_99 : vector<512xf32> to vector<512x1xf32>
      %max3A = vector.broadcast %get3A_26 : vector<512x1xf32> to vector<512x512xf32>
      %max3A_101 = vector.broadcast %get3A_56 : vector<1x512xf32> to vector<512x512xf32>
      %max3A_102 = arith.maximumf %max3A, %max3A_101 : vector<512x512xf32>
      %max3A_103 = vector.broadcast %get3A_32 : vector<512x1xf32> to vector<512x512xf32>
      %max3A_104 = vector.broadcast %get3A_62 : vector<1x512xf32> to vector<512x512xf32>
      %max3A_105 = arith.maximumf %max3A_103, %max3A_104 : vector<512x512xf32>
      %min3A = vector.broadcast %get3A_38 : vector<512x1xf32> to vector<512x512xf32>
      %min3A_106 = vector.broadcast %get3A_68 : vector<1x512xf32> to vector<512x512xf32>
      %min3A_107 = arith.minimumf %min3A, %min3A_106 : vector<512x512xf32>
      %min3A_108 = vector.broadcast %get3A_44 : vector<512x1xf32> to vector<512x512xf32>
      %min3A_109 = vector.broadcast %get3A_74 : vector<1x512xf32> to vector<512x512xf32>
      %min3A_110 = arith.minimumf %min3A_108, %min3A_109 : vector<512x512xf32>
      %sub3A = arith.subf %min3A_107, %max3A_102 : vector<512x512xf32>
      %add3A = arith.constant 1.000000e+00 : f32
      %add3A_111 = vector.broadcast %add3A : f32 to vector<512x512xf32>
      %add3A_112 = arith.addf %sub3A, %add3A_111 : vector<512x512xf32>
      %max3A_113 = arith.constant 0.000000e+00 : f32
      %max3A_114 = vector.broadcast %max3A_113 : f32 to vector<512x512xf32>
      %max3A_115 = arith.maximumf %max3A_114, %add3A_112 : vector<512x512xf32>
      %sub3A_116 = arith.subf %min3A_110, %max3A_105 : vector<512x512xf32>
      %add3A_117 = arith.constant 1.000000e+00 : f32
      %add3A_118 = vector.broadcast %add3A_117 : f32 to vector<512x512xf32>
      %add3A_119 = arith.addf %sub3A_116, %add3A_118 : vector<512x512xf32>
      %max3A_120 = arith.constant 0.000000e+00 : f32
      %max3A_121 = vector.broadcast %max3A_120 : f32 to vector<512x512xf32>
      %max3A_122 = arith.maximumf %max3A_121, %add3A_119 : vector<512x512xf32>
      %mul3A_123 = arith.mulf %max3A_115, %max3A_122 : vector<512x512xf32>
      %add3A_124 = vector.broadcast %get3A_50 : vector<512x1xf32> to vector<512x512xf32>
      %add3A_125 = vector.broadcast %get3A_80 : vector<1x512xf32> to vector<512x512xf32>
      %add3A_126 = arith.addf %add3A_124, %add3A_125 : vector<512x512xf32>
      %sub3A_127 = arith.subf %add3A_126, %mul3A_123 : vector<512x512xf32>
      %div3A = arith.divf %mul3A_123, %sub3A_127 : vector<512x512xf32>
      %gt3A = arith.constant 0.699999988 : f32
      %gt3A_128 = vector.broadcast %gt3A : f32 to vector<512x512xf32>
      %gt3A_129 = arith.cmpf ogt, %div3A, %gt3A_128 : vector<512x512xf32>
      %gt3A_130 = arith.cmpi sgt, %iota3A, %iota3A_4 : vector<512x512xi32>
      %and3A = arith.andi %gt3A_129, %gt3A_130 : vector<512x512xi1>
      %jit3A_131 = arith.constant 1.000000e+00 : f32
      %jit3A_132 = arith.constant 0.000000e+00 : f32
      %broadcast_in_dim3A_133 = vector.broadcast %jit3A_131 : f32 to vector<512x512xf32>
      %broadcast_in_dim3A_134 = vector.broadcast %jit3A_132 : f32 to vector<512x512xf32>
      %select_n3A_135 = arith.select %and3A, %broadcast_in_dim3A_133, %broadcast_in_dim3A_134 : vector<512x512xi1>, vector<512x512xf32>
      %gt3A_136 = arith.cmpi sgt, %iota3A_4, %iota3A : vector<512x512xi32>
      %and3A_137 = arith.andi %gt3A_129, %gt3A_136 : vector<512x512xi1>
      %jit3A_138 = arith.constant 1.000000e+00 : f32
      %jit3A_139 = arith.constant 0.000000e+00 : f32
      %broadcast_in_dim3A_140 = vector.broadcast %jit3A_138 : f32 to vector<512x512xf32>
      %broadcast_in_dim3A_141 = vector.broadcast %jit3A_139 : f32 to vector<512x512xf32>
      %select_n3A_142 = arith.select %and3A_137, %broadcast_in_dim3A_140, %broadcast_in_dim3A_141 : vector<512x512xi1>, vector<512x512xf32>
      %mul3A_143 = arith.constant 512 : i32
      %mul3A_144 = arith.muli %while3A_20, %mul3A_143 : i32
      %iota3A_145 = tpu.iota {dimensions = array<i32: 1>} : vector<1x512xi32>
      %add3A_146 = vector.broadcast %mul3A_144 : i32 to vector<1x512xi32>
      %add3A_147 = arith.addi %add3A_146, %iota3A_145 : vector<1x512xi32>
      %mul3A_148 = arith.constant 512 : i32
      %mul3A_149 = arith.muli %while3A_20, %mul3A_148 : i32
      %iota3A_150 = tpu.iota {dimensions = array<i32: 0>} : vector<512x1xi32>
      %add3A_151 = vector.broadcast %mul3A_149 : i32 to vector<512x1xi32>
      %add3A_152 = arith.addi %add3A_151, %iota3A_150 : vector<512x1xi32>
      %sub3A_153 = arith.constant 1.000000e+00 : f32
      %sub3A_154 = vector.broadcast %sub3A_153 : f32 to vector<1x512xf32>
      %sub3A_155 = arith.subf %sub3A_154, %while3A_93 : vector<1x512xf32>
      %lt3A = arith.constant 6000 : i32
      %lt3A_156 = vector.broadcast %lt3A : i32 to vector<1x512xi32>
      %lt3A_157 = arith.cmpi slt, %add3A_147, %lt3A_156 : vector<1x512xi32>
      %jit3A_158 = arith.constant 1.000000e+00 : f32
      %jit3A_159 = arith.constant 0.000000e+00 : f32
      %broadcast_in_dim3A_160 = vector.broadcast %jit3A_158 : f32 to vector<1x512xf32>
      %broadcast_in_dim3A_161 = vector.broadcast %jit3A_159 : f32 to vector<1x512xf32>
      %select_n3A_162 = arith.select %lt3A_157, %broadcast_in_dim3A_160, %broadcast_in_dim3A_161 : vector<1x512xi1>, vector<1x512xf32>
      %mul3A_163 = arith.mulf %sub3A_155, %select_n3A_162 : vector<1x512xf32>
      %sub3A_164 = arith.constant 1.000000e+00 : f32
      %sub3A_165 = vector.broadcast %sub3A_164 : f32 to vector<512x1xf32>
      %sub3A_166 = arith.subf %sub3A_165, %broadcast_in_dim3A_100 : vector<512x1xf32>
      %lt3A_167 = arith.constant 6000 : i32
      %lt3A_168 = vector.broadcast %lt3A_167 : i32 to vector<512x1xi32>
      %lt3A_169 = arith.cmpi slt, %add3A_152, %lt3A_168 : vector<512x1xi32>
      %jit3A_170 = arith.constant 1.000000e+00 : f32
      %jit3A_171 = arith.constant 0.000000e+00 : f32
      %broadcast_in_dim3A_172 = vector.broadcast %jit3A_170 : f32 to vector<512x1xf32>
      %broadcast_in_dim3A_173 = vector.broadcast %jit3A_171 : f32 to vector<512x1xf32>
      %select_n3A_174 = arith.select %lt3A_169, %broadcast_in_dim3A_172, %broadcast_in_dim3A_173 : vector<512x1xi1>, vector<512x1xf32>
      %mul3A_175 = arith.mulf %sub3A_166, %select_n3A_174 : vector<512x1xf32>
      %broadcast_in_dim3A_176 = arith.constant 0.000000e+00 : f32
      %broadcast_in_dim3A_177 = vector.broadcast %broadcast_in_dim3A_176 : f32 to vector<512x1xf32>
      %while3A_178 = arith.constant true
      %while3A_179:3 = scf.while (%while3A_232 = %mul3A_163, %while3A_233 = %broadcast_in_dim3A_177, %while3A_234 = %while3A_178) : (vector<1x512xf32>, vector<512x1xf32>, i1) -> (vector<1x512xf32>, vector<512x1xf32>, i1) {
        scf.condition(%while3A_234) %while3A_232, %while3A_233, %while3A_234 : vector<1x512xf32>, vector<512x1xf32>, i1
      } do {
      ^bb0(%while3A_232: vector<1x512xf32>, %while3A_233: vector<512x1xf32>, %while3A_234: i1):
        %mul3A_235 = vector.broadcast %while3A_232 : vector<1x512xf32> to vector<512x512xf32>
        %mul3A_236 = arith.mulf %select_n3A_135, %mul3A_235 : vector<512x512xf32>
        %reduce_max3A_237 = arith.constant dense<0xFF800000> : vector<512xf32>
        %reduce_max3A_238 = vector.multi_reduction <maximumf>, %mul3A_236, %reduce_max3A_237 [1] : vector<512x512xf32> to vector<512xf32>
        %broadcast_in_dim3A_239 = vector.shape_cast %reduce_max3A_238 : vector<512xf32> to vector<512x1xf32>
        %sub3A_240 = arith.constant 1.000000e+00 : f32
        %sub3A_241 = vector.broadcast %sub3A_240 : f32 to vector<512x1xf32>
        %sub3A_242 = arith.subf %sub3A_241, %broadcast_in_dim3A_239 : vector<512x1xf32>
        %mul3A_243 = arith.mulf %mul3A_175, %sub3A_242 : vector<512x1xf32>
        %mul3A_244 = vector.broadcast %mul3A_243 : vector<512x1xf32> to vector<512x512xf32>
        %mul3A_245 = arith.mulf %select_n3A_142, %mul3A_244 : vector<512x512xf32>
        %reduce_max3A_246 = arith.constant dense<0xFF800000> : vector<512xf32>
        %reduce_max3A_247 = vector.multi_reduction <maximumf>, %mul3A_245, %reduce_max3A_246 [0] : vector<512x512xf32> to vector<512xf32>
        %broadcast_in_dim3A_248 = vector.shape_cast %reduce_max3A_247 : vector<512xf32> to vector<1x512xf32>
        %sub3A_249 = arith.constant 1.000000e+00 : f32
        %sub3A_250 = vector.broadcast %sub3A_249 : f32 to vector<1x512xf32>
        %sub3A_251 = arith.subf %sub3A_250, %broadcast_in_dim3A_248 : vector<1x512xf32>
        %mul3A_252 = arith.mulf %mul3A_163, %sub3A_251 : vector<1x512xf32>
        %sub3A_253 = arith.subf %mul3A_252, %while3A_232 : vector<1x512xf32>
        %abs3A = math.absf %sub3A_253 : vector<1x512xf32>
        %reduce_max3A_254 = vector.shape_cast %abs3A : vector<1x512xf32> to vector<1x1x512xf32>
        %reduce_max3A_255 = arith.constant dense<0xFF800000> : vector<1xf32>
        %reduce_max3A_256 = vector.multi_reduction <maximumf>, %reduce_max3A_254, %reduce_max3A_255 [1, 2] : vector<1x1x512xf32> to vector<1xf32>
        %reduce_max3A_257 = vector.shape_cast %reduce_max3A_256 : vector<1xf32> to vector<1x1x1xf32>
        %reduce_max3A_258 = vector.extract %reduce_max3A_257[0, 0, 0] : f32 from vector<1x1x1xf32>
        %gt3A_259 = arith.constant 0.000000e+00 : f32
        %gt3A_260 = arith.cmpf ogt, %reduce_max3A_258, %gt3A_259 : f32
        scf.yield %mul3A_252, %mul3A_243, %gt3A_260 : vector<1x512xf32>, vector<512x1xf32>, i1
      }
      %swap3A_180 = arith.index_cast %while3A_20 : i32 to index
      %swap3A_181 = arith.constant 0 : index
      %swap3A_182 = arith.constant 0 : index
      %swap3A_183 = vector.load %arg4[%swap3A_180, %swap3A_181, %swap3A_182] : memref<12x512x1xf32, #tpu.memory_space<vmem>>, vector<1x512x1xf32>
      %swap3A_184 = vector.shape_cast %swap3A_183 : vector<1x512x1xf32> to vector<512x1xf32>
      %swap3A_185 = vector.shape_cast %while3A_179#1 : vector<512x1xf32> to vector<1x512x1xf32>
      tpu.vector_store %arg4[%swap3A_180, %swap3A_181, %swap3A_182], %swap3A_185 {strides = array<i32>} : memref<12x512x1xf32, #tpu.memory_space<vmem>>, vector<1x512x1xf32>,
      %dot_general3A = arith.constant dense<0.000000e+00> : vector<1x512xf32>
      %dot_general3A_186 = tpu.matmul %while3A_179#0, %select_n3A, %dot_general3A {dimension_numbers = #tpu.dot_dimension_numbers<[1], [0], [0], [1], [0, 0, 1, 1], [], []>, precision = #tpu.contract_precision<fp32>, transpose_lhs_hint = false} : vector<1x512xf32>, vector<512x512xf32>, vector<1x512xf32> -> vector<1x512xf32>
      %add3A_187 = vector.broadcast %while3A_21 : f32 to vector<1x512xf32>
      %add3A_188 = arith.addf %add3A_187, %dot_general3A_186 : vector<1x512xf32>
      %sub3A_189 = arith.constant 1.000000e+00 : f32
      %sub3A_190 = vector.broadcast %sub3A_189 : f32 to vector<1x512xf32>
      %sub3A_191 = arith.subf %add3A_188, %sub3A_190 : vector<1x512xf32>
      %convert_element_type3A_192 = arith.fptosi %sub3A_191 : vector<1x512xf32> to vector<1x512xi32>
      %eq3A_193 = vector.broadcast %convert_element_type3A_192 : vector<1x512xi32> to vector<384x512xi32>
      %eq3A_194 = arith.cmpi eq, %iota3A_8, %eq3A_193 : vector<384x512xi32>
      %gt3A_195 = arith.constant 5.000000e-01 : f32
      %gt3A_196 = vector.broadcast %gt3A_195 : f32 to vector<1x512xf32>
      %gt3A_197 = arith.cmpf ogt, %while3A_179#0, %gt3A_196 : vector<1x512xf32>
      %and3A_198 = vector.broadcast %gt3A_197 : vector<1x512xi1> to vector<384x512xi1>
      %and3A_199 = arith.andi %eq3A_194, %and3A_198 : vector<384x512xi1>
      %jit3A_200 = arith.constant 1.000000e+00 : f32
      %jit3A_201 = arith.constant 0.000000e+00 : f32
      %broadcast_in_dim3A_202 = vector.broadcast %jit3A_200 : f32 to vector<384x512xf32>
      %broadcast_in_dim3A_203 = vector.broadcast %jit3A_201 : f32 to vector<384x512xf32>
      %select_n3A_204 = arith.select %and3A_199, %broadcast_in_dim3A_202, %broadcast_in_dim3A_203 : vector<384x512xi1>, vector<384x512xf32>
      %get3A_205 = arith.constant 0 : index
      %get3A_206 = arith.index_cast %while3A_20 : i32 to index
      %get3A_207 = arith.constant 0 : index
      %get3A_208 = arith.constant 0 : index
      %get3A_209 = vector.load %arg1[%get3A_205, %get3A_206, %get3A_207, %get3A_208] : memref<1x12x512x8xf32, #tpu.memory_space<vmem>>, vector<1x1x512x8xf32>
      %get3A_210 = vector.shape_cast %get3A_209 : vector<1x1x512x8xf32> to vector<512x8xf32>
      %get3A_211 = arith.constant 0 : index
      %get3A_212 = arith.constant 0 : index
      %get3A_213 = arith.constant 0 : index
      %get3A_214 = vector.load %arg3[%get3A_211, %get3A_212, %get3A_213] : memref<1x384x8xf32, #tpu.memory_space<vmem>>, vector<1x384x8xf32>
      %get3A_215 = vector.shape_cast %get3A_214 : vector<1x384x8xf32> to vector<384x8xf32>
      %dot_general3A_216 = arith.constant dense<0.000000e+00> : vector<384x8xf32>
      %dot_general3A_217 = tpu.matmul %select_n3A_204, %get3A_210, %dot_general3A_216 {dimension_numbers = #tpu.dot_dimension_numbers<[1], [0], [0], [1], [0, 0, 1, 1], [], []>, precision = #tpu.contract_precision<fp32>, transpose_lhs_hint = false} : vector<384x512xf32>, vector<512x8xf32>, vector<384x8xf32> -> vector<384x8xf32>
      %add3A_218 = arith.addf %get3A_215, %dot_general3A_217 : vector<384x8xf32>
      %swap3A_219 = arith.constant 0 : index
      %swap3A_220 = arith.constant 0 : index
      %swap3A_221 = arith.constant 0 : index
      %swap3A_222 = vector.load %arg3[%swap3A_219, %swap3A_220, %swap3A_221] : memref<1x384x8xf32, #tpu.memory_space<vmem>>, vector<1x384x8xf32>
      %swap3A_223 = vector.shape_cast %swap3A_222 : vector<1x384x8xf32> to vector<384x8xf32>
      %swap3A_224 = vector.shape_cast %add3A_218 : vector<384x8xf32> to vector<1x384x8xf32>
      tpu.vector_store %arg3[%swap3A_219, %swap3A_220, %swap3A_221], %swap3A_224 {strides = array<i32>} : memref<1x384x8xf32, #tpu.memory_space<vmem>>, vector<1x384x8xf32>,
      %add3A_225 = arith.constant 1 : i32
      %add3A_226 = arith.addi %while3A_20, %add3A_225 : i32
      %reduce_sum3A = vector.shape_cast %while3A_179#0 : vector<1x512xf32> to vector<1x1x512xf32>
      %reduce_sum3A_227 = arith.constant dense<0.000000e+00> : vector<1xf32>
      %reduce_sum3A_228 = vector.multi_reduction <add>, %reduce_sum3A, %reduce_sum3A_227 [1, 2] : vector<1x1x512xf32> to vector<1xf32>
      %reduce_sum3A_229 = vector.shape_cast %reduce_sum3A_228 : vector<1xf32> to vector<1x1x1xf32>
      %reduce_sum3A_230 = vector.extract %reduce_sum3A_229[0, 0, 0] : f32 from vector<1x1x1xf32>
      %add3A_231 = arith.addf %while3A_21, %reduce_sum3A_230 : f32
      scf.yield %add3A_226, %add3A_231 : i32, f32
    }
    %convert_element_type3A = arith.sitofp %arg0 : i32 to f32
    %broadcast_in_dim3A_11 = arith.constant 1.000000e+00 : f32
    %broadcast_in_dim3A_12 = vector.broadcast %broadcast_in_dim3A_11 : f32 to vector<384x1xf32>
    %mul3A = vector.broadcast %convert_element_type3A : f32 to vector<384x1xf32>
    %mul3A_13 = arith.mulf %broadcast_in_dim3A_12, %mul3A : vector<384x1xf32>
    %swap3A_14 = arith.constant 0 : index
    %swap3A_15 = arith.constant 0 : index
    %swap3A_16 = arith.constant 0 : index
    %swap3A_17 = vector.load %arg3[%swap3A_14, %swap3A_15, %swap3A_16] : memref<1x384x8xf32, #tpu.memory_space<vmem>>, vector<1x384x1xf32>
    %swap3A_18 = vector.shape_cast %swap3A_17 : vector<1x384x1xf32> to vector<384x1xf32>
    %swap3A_19 = vector.shape_cast %mul3A_13 : vector<384x1xf32> to vector<1x384x1xf32>
    tpu.vector_store %arg3[%swap3A_14, %swap3A_15, %swap3A_16], %swap3A_19 {strides = array<i32>} : memref<1x384x8xf32, #tpu.memory_space<vmem>>, vector<1x384x1xf32>,
    return
  }
  func.func @transform_0(%arg0: i32) -> (i32, i32, i32, i32) {
    %c0_i32 = arith.constant 0 : i32
    %c0_i32_0 = arith.constant 0 : i32
    %c0_i32_1 = arith.constant 0 : i32
    %c0_i32_2 = arith.constant 0 : i32
    return %arg0, %c0_i32, %c0_i32_0, %c0_i32_1 : i32, i32, i32, i32
  }
  func.func @transform_1(%arg0: i32) -> (i32, i32, i32, i32) {
    %c0_i32 = arith.constant 0 : i32
    %c0_i32_0 = arith.constant 0 : i32
    %c0_i32_1 = arith.constant 0 : i32
    %c0_i32_2 = arith.constant 0 : i32
    return %arg0, %c0_i32, %c0_i32_0, %c0_i32_1 : i32, i32, i32, i32
  }
  func.func @transform_2(%arg0: i32) -> (i32, i32, i32) {
    %c0_i32 = arith.constant 0 : i32
    %c0_i32_0 = arith.constant 0 : i32
    %c0_i32_1 = arith.constant 0 : i32
    return %arg0, %c0_i32, %c0_i32_0 : i32, i32, i32
  }
}

</mosaic_0001>

<sc_bundles>
// kernel: kernel.5.cloned.1.call-start
scs
__scs_entry_jumppad:
0x0: {  	(pc) =	sbr.rel $0x88, $3  }
0x1: {  	(tag) =	ssettag $0x0;
	lr =	simm.s32 $0x1  }
0x2: {  	[smem:$0x3F9C] =	sst lr;
	_ =	strace $0xD0000000  }
0x3: {  	_ = 	snop  }
0x4: {  	_ = 	snop  }
0x5: {  	_ = 	snop  }
0x6: {  	_ = 	snop  }
0x7: {  	_ = 	snop  }
__scs_overlays_trampoline_lowered:
0x8: {  	[smem:$0x3FAB] =	sst s0  }
0x9: {  	[smem:$0x3FAC] =	sst s1  }
0xa: {  	[smem:$0x3FAD] =	sst s2  }
0xb: {  	[smem:$0x3FAE] =	sst s3  }
0xc: {  	[smem:$0x3FAF] =	sst s4  }
0xd: {  	[smem:$0x3FB0] =	sst s5  }
0xe: {  	[smem:$0x3FB1] =	sst s6  }
0xf: {  	[smem:$0x3FB2] =	sst s7  }
0x10: {  	[smem:$0x3FB3] =	sst s8  }
0x11: {  	[smem:$0x3FB4] =	sst s9;
	s0 =	simm.s32 @!p0 $0x0  }
0x12: {  	s1 =	sld [smem:$0x3F9A];
	s0 =	simm.s32 @p0 $0x1  }
0x13: {  	[smem:$0x3FB5] =	sst s0;
	s0 =	simm.s32 @!p1 $0x0  }
0x14: {  	s2 =	sld [smem:$0x3F99];
	s0 =	simm.s32 @p1 $0x1  }
0x15: {  	[smem:$0x3FB6] =	sst s0;
	s0 =	simm.s32 @!p2 $0x0  }
0x16: {  	s3 =	sld [smem:$0x3FDB];
	s0 =	simm.s32 @p2 $0x1  }
0x17: {  	s4 =	simm.s32 $0x1BF5;
	[smem:$0x3FB8] =	sst s0  }
0x18: {  	s0 =	sld [smem:$0x3F9B];
	_ =	swait.ge [sflag:s4], $0x0  }
0x19: {  	s7 =	sld [smem:$0x3F9C]  }
0x1a: {  	s8 =	sadd.s32 $0xFFFFE003, lr  }
0x1b: {  	s9 =	sadd.s32 $0xFFFFFEF7, lr;
	s5 =	simm.s32 $0xFFFFFFFF;
	p2 =	slt.u32 s8, $0xFFFFF086  }
0x1c: {  	p1 =	slt.u32 s9, $0xF7A;
	s5 =	simm.s32 @!p2 $0x0  }
0x1d: {  	s5 =	simm.s32 @p1 $0x1;
	p0 =	seq.s32 s7, s2  }
0x1e: {  	s7 =	smul.u32 @!p0 $0xF7A, s2;
	p2 =	seq.s32 @!p0 s5, $0x0  }
0x1f: {  	s9 =	smul.u32 $0xF7A, s1;
	s8 =	simm.s32 @!p0 $0x1BF5;
	p2 =	por !p2, p0  }
0x20: {  	[sflag:s8] =	ssyncset.s32 @!p0 $0xFFFFF086;
	s6 =	sadd.s32 @!p0 s3, s7;
	s7 =	simm.s32 @!p0 $0x108  }
0x21: {  	s3 =	sadd.s32 s3, s9;
	s6 =	sadd.s32 @!p0 $0x88, s6;
	s7 =	simm.s32 @p2 $0x1082  }
0x22: {  	[simem:s7], [sflag:s8] =	dma.local @!p0 [hbm:s6], $0xF7A  }
0x23: {  	s9 =	sor.u32 $0xD0000000, s2;
	s6 =	simm.s32 $0x108;
	_ =	swait.ge @!p0 [sflag:s8], $0x0  }
0x24: {  	s3 =	sadd.s32 $0x88, s3;
	s6 =	simm.s32 @!p1 $0x1082;
	[sflag:s4] =	ssyncset.s32 $0xFFFFF086  }
0x25: {  	[simem:s6], [sflag:s4] =	dma.local [hbm:s3], $0xF7A  }
0x26: {  	[smem:$0x3F9C] =	sst s1;
	(tag) =	ssettag s2;
	_ =	strace s9  }
0x27: {  	s1 =	sld [smem:$0x3FAC]  }
0x28: {  	s2 =	sld [smem:$0x3FAD]  }
0x29: {  	s4 =	sld [smem:$0x3FAF]  }
0x2a: {  	p0 =	seq.s32 s5, $0x0;
	s5 =	sld [smem:$0x3FB0]  }
0x2b: {  	s6 =	sld [smem:$0x3FB1]  }
0x2c: {  	s7 =	sld [smem:$0x3FB2]  }
0x2d: {  	s3 =	simm.s32 $0x108;
	s8 =	sld [smem:$0x3FB3]  }
0x2e: {  	s3 =	simm.s32 @!p0 $0x1082;
	s9 =	sld [smem:$0x3FB4]  }
0x2f: {  	lr =	sadd.s32 s0, s3;
	s0 =	sld [smem:$0x3FAB]  }
0x30: {  	s3 =	sld [smem:$0x3FAE]  }
0x31: {  	[smem:$0x3FB7] =	sst s10  }
0x32: {  	s10 =	sld [smem:$0x3FB5];
	_ =	sdelay $0x3  }
0x33: {  	p0 =	seq.s32 s10, $0x1;
	s10 =	sld [smem:$0x3FB7];
	_ =	sdelay $0x3  }
0x34: {  	[smem:$0x3FB7] =	sst s10  }
0x35: {  	s10 =	sld [smem:$0x3FB6];
	_ =	sdelay $0x3  }
0x36: {  	p1 =	seq.s32 s10, $0x1;
	s10 =	sld [smem:$0x3FB7];
	_ =	sdelay $0x3  }
0x37: {  	[smem:$0x3FB7] =	sst s10  }
0x38: {  	s10 =	sld [smem:$0x3FB8]  }
0x39: {  	_ = 	snop;
	(pc) =	sbr.ind lr, $3  }
0x3a: {  	_ = 	snop  }
0x3b: {  	_ = 	snop  }
0x3c: {  	p2 =	seq.s32 s10, $0x1;
	s10 =	sld [smem:$0x3FB7]  }
0x3d: {  	_ =	shalt  }
0x3e: {  	_ =	shalt  }
0x3f: {  	_ =	shalt  }
0x40: {  	_ =	shalt  }
0x41: {  	_ =	shalt  }
0x42: {  	_ =	shalt  }
0x43: {  	_ =	shalt  }
0x44: {  	_ =	shalt  }
0x45: {  	_ =	shalt  }
0x46: {  	_ =	shalt  }
0x47: {  	_ =	shalt  }
0x48: {  	_ =	shalt  }
0x49: {  	_ =	shalt  }
0x4a: {  	_ =	shalt  }
0x4b: {  	_ =	shalt  }
0x4c: {  	_ =	shalt  }
0x4d: {  	_ =	shalt  }
0x4e: {  	_ =	shalt  }
0x4f: {  	_ =	shalt  }
0x50: {  	_ =	shalt  }
0x51: {  	_ =	shalt  }
0x52: {  	_ =	shalt  }
0x53: {  	_ =	shalt  }
0x54: {  	_ =	shalt  }
0x55: {  	_ =	shalt  }
0x56: {  	_ =	shalt  }
0x57: {  	_ =	shalt  }
0x58: {  	_ =	shalt  }
0x59: {  	_ =	shalt  }
0x5a: {  	_ =	shalt  }
0x5b: {  	_ =	shalt  }
0x5c: {  	_ =	shalt  }
0x5d: {  	_ =	shalt  }
0x5e: {  	_ =	shalt  }
0x5f: {  	_ =	shalt  }
0x60: {  	_ =	shalt  }
0x61: {  	_ =	shalt  }
0x62: {  	_ =	shalt  }
0x63: {  	_ =	shalt  }
0x64: {  	_ =	shalt  }
0x65: {  	_ =	shalt  }
0x66: {  	_ =	shalt  }
0x67: {  	_ =	shalt  }
0x68: {  	_ =	shalt  }
0x69: {  	_ =	shalt  }
0x6a: {  	_ =	shalt  }
0x6b: {  	_ =	shalt  }
0x6c: {  	_ =	shalt  }
0x6d: {  	_ =	shalt  }
0x6e: {  	_ =	shalt  }
0x6f: {  	_ =	shalt  }
0x70: {  	_ =	shalt  }
0x71: {  	_ =	shalt  }
0x72: {  	_ =	shalt  }
0x73: {  	_ =	shalt  }
0x74: {  	_ =	shalt  }
0x75: {  	_ =	shalt  }
0x76: {  	_ =	shalt  }
0x77: {  	_ =	shalt  }
0x78: {  	_ =	shalt  }
0x79: {  	_ =	shalt  }
0x7a: {  	_ =	shalt  }
0x7b: {  	_ =	shalt  }
0x7c: {  	_ =	shalt  }
0x7d: {  	_ =	shalt  }
0x7e: {  	_ =	shalt  }
0x7f: {  	_ =	shalt  }
0x80: {  	_ =	shalt  }
0x81: {  	_ =	shalt  }
0x82: {  	_ =	shalt  }
0x83: {  	_ =	shalt  }
0x84: {  	_ =	shalt  }
0x85: {  	_ =	shalt  }
0x86: {  	_ =	shalt  }
0x87: {  	_ =	shalt  }
.Lfunc_end0:
.L_simem_size_0:
called_computation_lowered:
.L_overlay_start_0:
0x88: {  	s2 =	sld [smem:$0x3FD9]  }
0x89: {  	s3 =	sld [smem:$0x3FFE];
	_ =	sdelay $0x1  }
0x8a: {  	s1 =	srdreg.scid  }
0x8b: {  	s0 =	sand.u32 $0x1, s1  }
0x8c: {  	s17 =	sshll.u32 s0, $0xA;
	s2 =	sadd.s32 s3, s2  }
0x8d: {  	s2 =	sadd.s32 s2, s17  }
0x8e: {  	[smem:$0x3FC3] =	sst s2  }
0x8f: {  	_ = 	snop  }
0x90: {  	s2 =	sld [smem:$0x3FD0];
	(tm) =	ssettm $0x1  }
0x91: {  	s18 =	sld [smem:$0x3FFB];
	_ =	sdelay $0x3  }
0x92: {  	_ =	strace s18  }
0x93: {  	s3 =	sld [smem:$0x3FFC];
	_ =	sdelay $0x3  }
0x94: {  	_ =	strace s3  }
0x95: {  	s3 =	sld [smem:$0x3FFD];
	_ =	sdelay $0x3  }
0x96: {  	_ =	strace s3  }
0x97: {  	_ =	strace $0x8FFFFFFF  }
0x98: {  	s19 =	sld [smem:$0x3FDB];
	_ =	sdelay $0x1  }
0x99: {  	s4 =	simm.s32 $_scs_section_size  }
0x9a: {  	s5 =	simm.s32 $_size__tile_overlayer_lowered;
	s6 =	simm.s32 $_tile_overlayer_lowered  }
0x9b: {  	s22 =	simm.s32 $0x1BFF;
	s21 =	sshll.u32 s6, $0x1;
	s3 =	sadd.s32 s4, s19  }
0x9c: {  	s7 =	simm.s32 $0x0;
	s20 =	sshll.u32 s5, $0x1;
	s5 =	sadd.s32 s21, s3  }
0x9d: {  	[timem:s7], [sflag:s22] =	dma.local [hbm:s5], s20  }
0x9e: {  	_ =	swait.ge [sflag:s22], s20  }
0x9f: {  	s4 =	ssub.s32 $0x0, s20;
	[sflag:s22] =	ssyncset.done $0x0  }
0xa0: {  	[sflag:s22] =	ssyncadd.s32 s4;
	_ =	sdelay $0x1  }
0xa1: {  	s23 =	simm.s32 $0x1B8B  }
0xa2: {  	_ =	swait.ge [sflag:s23], $0x1  }
0xa3: {  	[sflag:s23] =	ssyncset.done $0x0  }
0xa4: {  	s25 =	simm.s32 $0x1B8E;
	s24 =	sld [smem:$0x3FFE];
	[sflag:s23] =	ssyncadd.s32 $0xFFFFFFFF  }
0xa5: {  	s26 =	simm.s32 $execute0_lowered;
	[smem:$0x3FD2] =	sst s25  }
0xa6: {  	s5 =	sshll.u32 s26, $0x1;
	_ =	strace $0x80000046;
	[dreg:$0x1] =	wrdreg $0xFFFFFFFF  }
0xa7: {  	s28 =	simm.s32 $_size_execute0_lowered;
	s3 =	sadd.s32 s3, s5;
	[dreg:$0x0] =	wrdreg $0x0  }
0xa8: {  	s5 =	sshll.u32 s28, $0x1;
	[dreg:$0x2] =	wrdreg s3  }
0xa9: {  	[dreg:$0x3] =	wrdreg s5  }
0xaa: {  	[dreg:$0x4] =	wrdreg $0xC0  }
0xab: {  	_ =	task [dreg:s7], $0x5FFFF  }
0xac: {  	[dreg:$0x1] =	wrdreg $0xFFFFFFFF  }
0xad: {  	[dreg:$0x0] =	wrdreg $0x60  }
0xae: {  	[dreg:$0x2] =	wrdreg s24  }
0xaf: {  	[dreg:$0x3] =	wrdreg s2  }
0xb0: {  	[dreg:$0x4] =	wrdreg $0x9  }
0xb1: {  	_ =	task.clear_ibuf [dreg:s7], $0x5FFFF;
	_ =	strace $0x90000046  }
0xb2: {  	s29 =	simm.s32 $0x9;
	_ =	strace $0x80000048  }
0xb3: {  	_ =	swait.ge [sflag:s29], $0x1  }
0xb4: {  	[sflag:s29] =	ssyncadd.s32 $0xFFFFFFFF  }
0xb5: {  	_ =	strace $0x90000048  }
0xb6: {  	_ =	sfence  }
0xb7: {  	s30 =	sld [smem:$0x0];
	_ =	sdelay $0x2  }
0xb8: {  	s31 =	sshll.u32 s1, $0xD;
	s1 =	sshrl.u32 s1, $0x2  }
0xb9: {  	s3 =	sand.u32 $0x4000, s31;
	s1 =	sadd.s32 s1, s30  }
0xba: {  	s0 =	sor.u32 s3, s0;
	s1 =	sshll.u32 s1, $0x11  }
0xbb: {  	s0 =	sor.u32 s1, s0  }
0xbc: {  	s0 =	sadd.s32 $0x8F2B, s0  }
0xbd: {  	[sflag:s0] =	ssyncadd.remote.s32 $0x1  }
0xbe: {  	_ =	sfence.sel $0xFFFF  }
0xbf: {  	[dreg:$0x0] =	wrdreg $0xFFFFFFFF;
	(pc) =	sbr.abs _section_cstart, $3  }
0xc0: {  	[dreg:$0x1] =	wrdreg $0xFFFFFFFF  }
0xc1: {  	_ =	task.clear_ibuf [dreg:s7], $0x2FFFF;
	_ =	strace $0x9FFFFFFF  }
0xc2: {  	(tm) =	ssettm $0x7FFFFFFF  }
0xc3: {  	_ =	shalt  }
tec
execute0_lowered:
.L_overlay_start_1:
0x0: {  	(tag) =	ssettag $0x1  }
0x1: {  	s6 =	rddreg [dreg:$0x0]  }
0x2: {  	s8 =	rddreg [dreg:$0x1]  }
0x3: {  	s0 =	stileid.u32;
	s2 =	srdreg.scid  }
0x4: {  	s7 =	sshrl.u32 s0, $0x2;
	s3 =	sshll.u32 s0, $0x1;
	s5 =	sand.u32 $0x1, s2  }
0x5: {  	s26 =	sand.u32 $0x2, s0;
	s2 =	simm.s32 $0x0;
	s4 =	smul.u32 $0x3800, s7  }
0x6: {  	s16 =	sadd.s32 $0x800, s6;
	s25 =	sand.u32 $0x2, s3;
	s10 =	smul.u32 $0xC000, s7  }
0x7: {  	s11 =	sshll.u32 s26, $0x6;
	[smem:$0x7FF] =	sst s2;
	s14 =	smul.u32 $0x3000, s7  }
0x8: {  	s0 =	smul.u32 $0x7000, s7;
	s1 =	sshrl.u32 s26, $0x1;
	s9 =	sor.u32 s5, s25  }
0x9: {  	s13 =	sxor.u32 $0x80, s11;
	_ =	strace $0x80000047;
	s5 =	ssub.s32 $0x2, s5  }
0xa: {  	s25 =	sshll.u32 s7, $0x5;
	p0 =	seq.s32 s1, $0x0;
	s12 =	smul.u32 $0x3000, s9  }
0xb: {  	s4 =	sor.u32 s4, s13;
	s15 =	smul.u32 $0xC00, s9;
	s30 =	sshrl.u32 s5, $0x1  }
0xc: {  	s18 =	sshll.u32 s9, $0xA;
	s19 =	sor.u32 s11, s0;
	s4 =	sshrl.u32 s4, $0x3  }
0xd: {  	s17 =	ssub.s32 s5, s30;
	s5 =	sshll.u32 s7, $0xC;
	s20 =	sshrl.u32 s19, $0x3  }
0xe: {  	s19 =	simm.s32 $0x9000;
	s10 =	sadd.s32 s10, s12;
	s28 =	sadd.s32 s4, s6  }
0xf: {  	s14 =	sadd.s32 s14, s15;
	s3 =	sor.u32 s5, s18;
	s22 =	sadd.s32 s16, s20  }
0x10: {  	s12 =	simm.s32 $0x80;
	s18 =	simm.s32 $0xA800;
	s10 =	sor.u32 s11, s10  }
0x11: {  	s21 =	sor.u32 s11, s3;
	[dreg:$0x3] =	wrdreg s22;
	s24 =	sadd.s32 $0x4800, s28  }
0x12: {  	s28 =	sadd.s32 s8, s25;
	s4 =	sshrl.u32 s10, $0x3;
	[dreg:$0x5] =	wrdreg s24  }
0x13: {  	s10 =	sor.u32 s11, s14;
	s9 =	sshrl.u32 s21, $0x3;
	[dreg:$0x7] =	wrdreg s28  }
0x14: {  	s15 =	sadd.s32 s4, s6;
	s29 =	sshrl.u32 s10, $0x3;
	s4 =	sor.u32 s0, s13  }
0x15: {  	v0 =	vimm.s32 $0xECA86420;
	vm0 =	vcmask $0xB08;
	vm1 =	vcmask $0x1310;
	s31 =	sadd.s32 s29, s6;
	s4 =	sshrl.u32 s4, $0x3;
	s29 =	sadd.s32 $0x7C00, s15  }
0x16: {  	vm2 =	vcmask $0x1B18;
	vm3 =	vcmask $0x300;
	vm4 =	vcmask $0x2320;
	s6 =	sadd.s32 s6, s9;
	s23 =	sadd.s32 s16, s4;
	[dreg:$0x8] =	wrdreg s29  }
0x17: {  	v2 =	vlaneseq.u32;
	vm5 =	vcmask $0x2B28;
	vm6 =	vcmask $0x3330;
	s20 =	simm.s32 $0x0;
	s26 =	sadd.s32 $0x4000, s6;
	[dreg:$0x4] =	wrdreg s23  }
0x18: {  	vm7 =	vcmask $0x3B38;
	v0 =	vunpack.c.l.s4.s8 v0;
	v1 =	vmul.u32 $0x3, v2;
	s14 =	simm.s32 $0x1;
	s30 =	sadd.s32 $0x6400, s31;
	[dreg:$0x6] =	wrdreg s26  }
0x19: {  	vm8 =	vmmov $0xff;
	v3 =	vimm.s32 $0x0;
	v2 =	vmul.u32 $0x2, v2;
	s13 =	simm.s32 $0x100;
	s31 =	smax.u32 s17, $0x1;
	[dreg:$0x9] =	wrdreg s30  }
0x1a: {  	v0 =	vunpack.c.0.s8.s32 v0;
	v4 =	vadd.s32 $0x1, v1;
	v5 =	vadd.s32 $0x2, v1;
	s15 =	simm.s32 $0x3800;
	s16 =	simm.s32 $0x7000;
	[dreg:$0xa] =	wrdreg s31  }
.LBB2_1:
0x1b: {  	s0 =	rddreg [dreg:$0x3]  }
0x1c: {  	[tilespmem:s2], [sflag:$0x1] =	stream.strided.gather [hbm4b:s0+s12], $0x3800, s13, s12, $0x38;
	[tilespmem:$0xAF00] =	vst v63  }
0x1d: {  	_ =	swait.ge [sflag:s14], $0x3800  }
0x1e: {  	[sflag:s14] =	ssyncset.done $0x0  }
0x1f: {  	s28 =	rddreg [dreg:$0x4];
	[sflag:s14] =	ssyncadd.s32 $0xFFFFC800  }
0x20: {  	[tilespmem:s15], [sflag:$0x1] =	stream.strided.gather [hbm4b:s28+s12], $0x3800, s13, s12, $0x38;
	[tilespmem:$0xAF00] =	vst v63  }
0x21: {  	_ =	swait.ge [sflag:s14], $0x3800  }
0x22: {  	[sflag:s14] =	ssyncset.done $0x0  }
0x23: {  	s29 =	rddreg [dreg:$0x5];
	[sflag:s14] =	ssyncadd.s32 $0xFFFFC800  }
0x24: {  	[tilespmem:s16], [sflag:$0x1] =	stream.strided.gather [hbm4b:s29+s12], $0x1C00, s13, s12, $0x38;
	[tilespmem:$0xAF00] =	vst v63  }
0x25: {  	_ =	swait.ge [sflag:s14], $0x1C00  }
0x26: {  	[sflag:s14] =	ssyncset.done $0x0  }
0x27: {  	s21 =	simm.s32 $0x8C00;
	[sflag:s14] =	ssyncadd.s32 $0xFFFFE400  }
0x28: {  	[tilespmem:s21], [sflag:$0x1] =	stream.strided.gather [hbm4b:s6+s12], $0x200, s13, s12, $0x38;
	[tilespmem:$0xAF00] =	vst v63  }
0x29: {  	_ =	swait.ge [sflag:s14], $0x200  }
0x2a: {  	[sflag:s14] =	ssyncset.done $0x0  }
0x2b: {  	s22 =	simm.s32 $0x8E00;
	s30 =	rddreg [dreg:$0x6];
	[sflag:s14] =	ssyncadd.s32 $0xFFFFFE00  }
0x2c: {  	[tilespmem:s22], [sflag:$0x1] =	stream.strided.gather [hbm4b:s30+s12], $0x200, s13, s12, $0x38;
	[tilespmem:$0xAF00] =	vst v63  }
0x2d: {  	_ =	swait.ge [sflag:s14], $0x200  }
0x2e: {  	[sflag:s14] =	ssyncset.done $0x0  }
0x2f: {  	s1 =	simm.s32 $0xAE00;
	s31 =	rddreg [dreg:$0x7];
	[sflag:s14] =	ssyncadd.s32 $0xFFFFFE00  }
0x30: {  	[tilespmem:s1], [sflag:$0x1] =	stream.linear.gather [hbm4b:s31+s2], $0x100, $0x38;
	[tilespmem:$0xAF00] =	vst v63  }
0x31: {  	_ =	swait.ge [sflag:s14], $0x100  }
0x32: {  	[sflag:s14] =	ssyncset.done $0x0  }
0x33: {  	[sflag:s14] =	ssyncadd.s32 $0xFFFFFF00  }
0x34: {  	v6 =	vld [tilespmem:$0xAE00]  }
0x35: {  	s23 =	simm.s32 $0x0;
	v7 =	vld [tilespmem:$0xAE80]  }
.LBB2_2:
0x36: {  	v8 =	vld [tilespmem:s21+$0x0];
	_ =	sdelay $0x4  }
0x37: {  	(v2sf) =	vpush v8, $0xD;
	_ =	sdelay $0x1  }
0x38: {  	(v2sf) =	vpush v8, $0xC;
	_ =	sdelay $0x1  }
0x39: {  	(v2sf) =	vpush v8, $0xE  }
0x3a: {  	(v2sf) =	vpush v8, $0xF  }
0x3b: {  	(v2sf) =	vpush v8, $0x9;
	_ =	sdelay $0x1  }
0x3c: {  	(v2sf) =	vpush v8, $0x8;
	_ =	sdelay $0x1  }
0x3d: {  	(v2sf) =	vpush v8, $0xA;
	_ =	sdelay $0x1  }
0x3e: {  	(v2sf) =	vpush v8, $0xB;
	_ =	sdelay $0x1  }
0x3f: {  	(v2sf) =	vpush v8, $0x1  }
0x40: {  	s24 =	spop (v2sf);
	(v2sf) =	vpush v8, $0x0  }
0x41: {  	s25 =	smulhi.u32 $0x92492493, s24;
	s26 =	sshra.s32 s24, $0x1F  }
0x42: {  	s28 =	spop (v2sf);
	s26 =	smul.u32 $0x92492493, s26  }
0x43: {  	s30 =	smulhi.u32 $0x92492493, s28;
	s31 =	sshra.s32 s28, $0x1F  }
0x44: {  	s29 =	spop (v2sf);
	s31 =	smul.u32 $0x92492493, s31  }
0x45: {  	(v2sf) =	vpush v8, $0x2;
	s0 =	spop (v2sf);
	s1 =	smulhi.u32 $0x92492493, s29;
	s17 =	sshra.s32 s29, $0x1F  }
0x46: {  	s24 =	ssub.s32 s25, s24;
	s3 =	spop (v2sf);
	s17 =	smul.u32 $0x92492493, s17  }
0x47: {  	(v2sf) =	vpush v8, $0x3;
	s5 =	smulhi.u32 $0x92492493, s0;
	s11 =	sshra.s32 s0, $0x1F;
	s24 =	sadd.s32 s26, s24  }
0x48: {  	s28 =	ssub.s32 s30, s28;
	s4 =	spop (v2sf);
	s30 =	smul.u32 $0x92492493, s11  }
0x49: {  	(v2sf) =	vpush v8, $0x4;
	s7 =	smulhi.u32 $0x92492493, s3;
	s9 =	sshra.s32 s3, $0x1F;
	s28 =	sadd.s32 s31, s28  }
0x4a: {  	s1 =	ssub.s32 s1, s29;
	s8 =	spop (v2sf);
	s29 =	smul.u32 $0x92492493, s9  }
0x4b: {  	(v2sf) =	vpush v8, $0x5;
	s31 =	smulhi.u32 $0x92492493, s4;
	s10 =	sshra.s32 s4, $0x1F;
	s25 =	sadd.s32 s17, s1  }
0x4c: {  	s0 =	ssub.s32 s5, s0;
	s9 =	spop (v2sf);
	s1 =	smul.u32 $0x92492493, s10  }
0x4d: {  	(v2sf) =	vpush v8, $0x6;
	s5 =	smulhi.u32 $0x92492493, s8;
	s11 =	sshra.s32 s8, $0x1F;
	s26 =	sadd.s32 s30, s0  }
0x4e: {  	s0 =	ssub.s32 s7, s3;
	s10 =	spop (v2sf);
	s3 =	smul.u32 $0x92492493, s11  }
0x4f: {  	s7 =	smulhi.u32 $0x92492493, s9;
	s17 =	sshra.s32 s9, $0x1F;
	s30 =	spop (v2sf);
	(v2sf) =	vpush v8, $0x7  }
0x50: {  	s0 =	sadd.s32 s29, s0;
	s4 =	ssub.s32 s31, s4;
	s17 =	smul.u32 $0x92492493, s17  }
0x51: {  	s29 =	smulhi.u32 $0x92492493, s10;
	s31 =	sshra.s32 s10, $0x1F;
	s8 =	ssub.s32 s5, s8  }
0x52: {  	s1 =	sadd.s32 s1, s4;
	s5 =	smul.u32 $0x92492493, s31;
	s3 =	sadd.s32 s3, s8  }
0x53: {  	s7 =	ssub.s32 s7, s9;
	s4 =	smulhi.u32 $0x92492493, s30;
	s8 =	sshra.s32 s30, $0x1F  }
0x54: {  	s9 =	ssub.s32 s29, s10;
	s11 =	spop (v2sf);
	s8 =	smul.u32 $0x92492493, s8  }
0x55: {  	s7 =	sadd.s32 s17, s7;
	s10 =	smulhi.u32 $0x92492493, s11;
	s29 =	sshra.s32 s11, $0x1F  }
0x56: {  	s5 =	sadd.s32 s5, s9;
	s31 =	spop (v2sf);
	s9 =	smul.u32 $0x92492493, s29  }
0x57: {  	s4 =	ssub.s32 s4, s30;
	s17 =	smulhi.u32 $0x92492493, s31;
	s29 =	sshra.s32 s31, $0x1F  }
0x58: {  	s30 =	spop (v2sf);
	s4 =	sadd.s32 s8, s4;
	s8 =	smul.u32 $0x92492493, s29  }
0x59: {  	s10 =	ssub.s32 s10, s11;
	s11 =	smulhi.u32 $0x92492493, s30;
	s29 =	sshra.s32 s30, $0x1F  }
0x5a: {  	s9 =	sadd.s32 s9, s10;
	s10 =	spop (v2sf);
	s29 =	smul.u32 $0x92492493, s29  }
0x5b: {  	v9 =	vmov s4;
	s4 =	ssub.s32 s17, s31;
	s17 =	smulhi.u32 $0x92492493, s10;
	s31 =	sshra.s32 s10, $0x1F  }
0x5c: {  	s4 =	sadd.s32 s8, s4;
	s8 =	spop (v2sf);
	v9 =	vnsel vm3, $0x0, v9;
	s31 =	smul.u32 $0x92492493, s31  }
0x5d: {  	v9 =	vsel vm0, s5, v9;
	s5 =	ssub.s32 s11, s30;
	s11 =	smulhi.u32 $0x92492493, s8;
	s30 =	sshra.s32 s8, $0x1F  }
0x5e: {  	v10 =	vmov s28;
	v11 =	vmov s1;
	v9 =	vsel vm1, s9, v9;
	s28 =	sadd.s32 s29, s5;
	s29 =	smul.u32 $0x92492493, s30;
	s30 =	spop (v2sf)  }
0x5f: {  	v10 =	vsel vm0, s24, v10;
	v11 =	vsel vm0, s0, v11;
	s10 =	ssub.s32 s17, s10;
	v9 =	vsel vm2, s4, v9;
	s17 =	smulhi.u32 $0x92492493, s30;
	s24 =	sshra.s32 s30, $0x1F  }
0x60: {  	v10 =	vsel vm1, s25, v10;
	v11 =	vsel vm1, s3, v11;
	s0 =	sadd.s32 s31, s10;
	s25 =	ssub.s32 s11, s8;
	v9 =	vsel vm4, s28, v9;
	s28 =	smul.u32 $0x92492493, s24  }
0x61: {  	v10 =	vsel vm2, s26, v10;
	v11 =	vsel vm2, s7, v11;
	s29 =	sadd.s32 s29, s25;
	v9 =	vsel vm5, s0, v9;
	s30 =	ssub.s32 s17, s30  }
0x62: {  	v10 =	vcombine.low v11, v10;
	v9 =	vsel vm6, s29, v9;
	s31 =	sadd.s32 s28, s30  }
0x63: {  	v9 =	vsel vm7, s31, v9  }
0x64: {  	v10 =	vperm.xlane v10, v0;
	v9 =	vperm.xlane v9, v2;
	_ =	sdelay $0x1  }
0x65: {  	v9 =	vsel vm8, v9, v10  }
0x66: {  	v9 =	vadd.s32 v8, v9  }
0x67: {  	v57 =	vshrl.u32 v9, $0x1F;
	v9 =	vshra.s32 v9, $0x2  }
0x68: {  	v9 =	vadd.s32 v57, v9  }
0x69: {  	v10 =	vmul.u32 $0xFFFFFFF9, v9  }
0x6a: {  	v58 =	vsub.s32 $0x0, v8  }
0x6b: {  	vm9 =	vlt.s32 v8, $0x1;
	vm10 =	vne.s32 v10, v58  }
0x6c: {  	vm9 =	vmand vm9, vm10  }
0x6d: {  	v59 =	vsel vm9, $0xFFFFFFFF, v3  }
0x6e: {  	v9 =	vadd.s32 v59, v9  }
0x6f: {  	v9 =	vmul.u32 $0x7, v9;
	_ =	sdelay $0x2  }
0x70: {  	v60 =	vadd.s32 $0x1, v9;
	_ =	sdelay $0x1  }
0x71: {  	v61 =	vadd.s32 $0x2, v9  }
0x72: {  	v12 =	vld.idx.msk [tilespmem:v9+s16+$0x0], $0xffff  }
0x73: {  	v13 =	vadd.s32 $0x3, v9  }
0x74: {  	v10 =	vld.idx.msk [tilespmem:v60+s16+$0x0], $0xffff  }
0x75: {  	v14 =	vadd.s32 $0x4, v9  }
0x76: {  	v11 =	vld.idx.msk [tilespmem:v61+s16+$0x0], $0xffff  }
0x77: {  	v15 =	vadd.s32 $0x5, v9;
	vm9 =	vgt.f32 v12, $-1.000000000e+00  }
0x78: {  	v13 =	vld.idx.msk [tilespmem:v13+s16+$0x0], $0xffff;
	v16 =	vnsel vm9, $0xBF800000, v12  }
0x79: {  	v17 =	vadd.s32 $0x6, v9;
	vm9 =	vgt.f32 v10, v16  }
0x7a: {  	v14 =	vld.idx.msk [tilespmem:v14+s16+$0x0], $0xffff;
	v16 =	vsel vm9, v10, v16  }
0x7b: {  	vm10 =	vgt.f32 v11, v16  }
0x7c: {  	v15 =	vld.idx.msk [tilespmem:v15+s16+$0x0], $0xffff;
	v16 =	vsel vm10, v11, v16  }
0x7d: {  	vm11 =	vgt.f32 v13, v16  }
0x7e: {  	v17 =	vld.idx.msk [tilespmem:v17+s16+$0x0], $0xffff;
	v16 =	vsel vm11, v13, v16  }
0x7f: {  	vm12 =	vgt.f32 v14, v16  }
0x80: {  	v18 =	vsel vm9, $0x1, v3;
	v16 =	vsel vm12, v14, v16  }
0x81: {  	v18 =	vsel vm10, $0x2, v18;
	vm9 =	vgt.f32 v15, v16  }
0x82: {  	v18 =	vsel vm11, $0x3, v18;
	v16 =	vsel vm9, v15, v16  }
0x83: {  	v18 =	vsel vm12, $0x4, v18;
	vm10 =	vgt.f32 v17, v16  }
0x84: {  	v18 =	vsel vm9, $0x5, v18;
	vm11 =	vmneg vm10  }
0x85: {  	v18 =	vnsel vm11, $0x6, v18  }
0x86: {  	vm10 =	veq.s32 v18, $0x0  }
0x87: {  	v8 =	vshll.u32 v8, $0x1;
	v12 =	vsel vm10, $0xBF800000, v12  }
0x88: {  	v22 =	vor.u32 $0x1, v8;
	vm12 =	veq.s32 v18, $0x1;
	vm10 =	vgt.f32 v12, $-1.000000000e+00  }
0x89: {  	vm13 =	veq.s32 v18, $0x3;
	v10 =	vsel vm12, $0xBF800000, v10;
	v19 =	vnsel vm10, $0xBF800000, v12  }
0x8a: {  	vm14 =	veq.s32 v18, $0x4;
	vm12 =	veq.s32 v18, $0x2;
	vm10 =	vgt.f32 v10, v19  }
0x8b: {  	v18 =	vadd.s32 v9, v18;
	v11 =	vsel vm12, $0xBF800000, v11;
	v19 =	vsel vm10, v10, v19  }
0x8c: {  	v18 =	vshll.u32 v18, $0x1;
	vm12 =	vgt.f32 v11, v19  }
0x8d: {  	v13 =	vsel vm13, $0xBF800000, v13;
	v23 =	vor.u32 $0x1, v18;
	v19 =	vsel vm12, v11, v19  }
0x8e: {  	v24 =	vld [tilespmem:s22+$0x0];
	v33 =	vadd.s32 s23, v1;
	v45 =	vadd.s32 s23, v4;
	vm13 =	vgt.f32 v13, v19  }
0x8f: {  	v35 =	vshll.u32 v33, $0x2;
	v8 =	vld.idx.msk [tilespmem:v8+s2+$0x0], $0xffff;
	v14 =	vsel vm14, $0xBF800000, v14;
	v19 =	vsel vm13, v13, v19  }
0x90: {  	v25 =	vor.u32 $0x1, v35;
	v63 =	vld.idx.msk [tilespmem:v22+s2+$0x0], $0xffff;
	vm9 =	vmand vm9, vm11;
	vm14 =	vgt.f32 v14, v19  }
0x91: {  	v15 =	vsel vm9, $0xBF800000, v15;
	v20 =	vsel vm10, $0x1, v3;
	v62 =	vld.idx.msk [tilespmem:v18+s15+$0x0], $0xffff;
	v19 =	vsel vm14, v14, v19  }
0x92: {  	v26 =	vor.u32 $0x2, v35;
	v20 =	vsel vm12, $0x2, v20;
	v34 =	vld.idx.msk [tilespmem:v23+s15+$0x0], $0xffff;
	vm10 =	vgt.f32 v15, v19  }
0x93: {  	v21 =	vnsel vm11, $0xBF800000, v17;
	v20 =	vsel vm13, $0x3, v20;
	v19 =	vsel vm10, v15, v19  }
0x94: {  	v28 =	vor.u32 $0x3, v35;
	v20 =	vsel vm14, $0x4, v20;
	vm9 =	vgt.f32 v21, v19  }
0x95: {  	v16 =	vsel vm11, v16, v17;
	v20 =	vsel vm10, $0x5, v20;
	vm9 =	vmneg vm9  }
0x96: {  	v16 =	vmul.f32 v16, v24;
	v27 =	vpsel p0, v8, v62;
	v20 =	vnsel vm9, $0x6, v20  }
0x97: {  	v36 =	vclamp.gez.f32 v27, v6;
	v38 =	vpsel p0, v63, v34;
	vm12 =	veq.s32 v20, $0x0  }
0x98: {  	v39 =	vclamp.gez.f32 v38, v6;
	vm13 =	veq.s32 v20, $0x1;
	v12 =	vsel vm12, $0xBF800000, v12  }
0x99: {  	v29 =	vadd.s32 v9, v20;
	v10 =	vsel vm13, $0xBF800000, v10;
	vm12 =	vgt.f32 v12, $-1.000000000e+00  }
0x9a: {  	vm13 =	veq.s32 v20, $0x2;
	v37 =	vshll.u32 v29, $0x1;
	v12 =	vnsel vm12, $0xBF800000, v12  }
0x9b: {  	v11 =	vsel vm13, $0xBF800000, v11;
	v40 =	vor.u32 $0x1, v37;
	vm12 =	vgt.f32 v10, v12  }
0x9c: {  	v10 =	vsel vm12, v10, v12;
	v32 =	vsel vm12, $0x1, v3;
	vm12 =	veq.s32 v20, $0x3  }
0x9d: {  	[tilespmem:v33+s18+$0x0] =	vst.idx.msk $0xffff, v16;
	v12 =	vpsel p0, v62, v8;
	vm11 =	vgt.f32 v11, v10;
	v13 =	vsel vm12, $0xBF800000, v13  }
0x9e: {  	[tilespmem:v35+s19+$0x0] =	vst.idx.msk $0xffff, v36;
	vm12 =	veq.s32 v20, $0x4;
	v12 =	vclamp.gez.f32 v12, v7;
	v10 =	vsel vm11, v11, v10  }
0x9f: {  	v18 =	vsel vm11, $0x2, v32;
	[tilespmem:v25+s19+$0x0] =	vst.idx.msk $0xffff, v12;
	v11 =	vpsel p0, v34, v63;
	vm11 =	vgt.f32 v13, v10  }
0xa0: {  	v14 =	vsel vm12, $0xBF800000, v14;
	[tilespmem:v26+s19+$0x0] =	vst.idx.msk $0xffff, v39;
	v11 =	vclamp.gez.f32 v11, v7;
	v10 =	vsel vm11, v13, v10  }
0xa1: {  	vm10 =	vmand vm10, vm9;
	v41 =	vsel vm11, $0x3, v18;
	[tilespmem:v28+s19+$0x0] =	vst.idx.msk $0xffff, v11;
	vm11 =	vgt.f32 v14, v10  }
0xa2: {  	v47 =	vshll.u32 v45, $0x2;
	v43 =	vsel vm10, $0xBF800000, v15;
	v44 =	vld.idx.msk [tilespmem:v37+s15+$0x0], $0xffff;
	v10 =	vsel vm11, v14, v10  }
0xa3: {  	v48 =	vor.u32 $0x1, v47;
	vm10 =	vgt.f32 v43, v10  }
0xa4: {  	v46 =	vnsel vm9, $0xBF800000, v21;
	v16 =	vld.idx.msk [tilespmem:v40+s15+$0x0], $0xffff;
	v12 =	vsel vm11, $0x4, v41;
	v10 =	vsel vm10, v43, v10  }
0xa5: {  	v42 =	vsel vm9, v19, v21;
	v12 =	vsel vm10, $0x5, v12;
	vm9 =	vgt.f32 v46, v10  }
0xa6: {  	v49 =	vor.u32 $0x2, v47;
	v11 =	vmul.f32 v42, v24;
	v12 =	vsel vm9, $0x6, v12  }
0xa7: {  	v51 =	vor.u32 $0x3, v47;
	v50 =	vpsel p0, v8, v44;
	v9 =	vadd.s32 v9, v12  }
0xa8: {  	[tilespmem:v45+s18+$0x0] =	vst.idx.msk $0xffff, v11;
	v14 =	vpsel p0, v44, v8;
	v21 =	vclamp.gez.f32 v50, v6;
	v9 =	vshll.u32 v9, $0x1  }
0xa9: {  	v52 =	vpsel p0, v63, v16;
	v14 =	vclamp.gez.f32 v14, v7;
	[tilespmem:v47+s19+$0x0] =	vst.idx.msk $0xffff, v21  }
0xaa: {  	v53 =	vpsel p0, v16, v63;
	v11 =	vclamp.gez.f32 v52, v6;
	[tilespmem:v48+s19+$0x0] =	vst.idx.msk $0xffff, v14;
	v54 =	vor.u32 $0x1, v9  }
0xab: {  	v15 =	vclamp.gez.f32 v53, v7;
	[tilespmem:v49+s19+$0x0] =	vst.idx.msk $0xffff, v11  }
0xac: {  	[tilespmem:v51+s19+$0x0] =	vst.idx.msk $0xffff, v15  }
0xad: {  	v9 =	vld.idx.msk [tilespmem:v9+s15+$0x0], $0xffff  }
0xae: {  	v55 =	vadd.s32 s23, v5  }
0xaf: {  	v56 =	vshll.u32 v55, $0x2;
	v12 =	vld.idx.msk [tilespmem:v54+s15+$0x0], $0xffff  }
0xb0: {  	v57 =	vor.u32 $0x1, v56;
	v10 =	vsel vm9, v46, v10  }
0xb1: {  	v58 =	vor.u32 $0x2, v56;
	v10 =	vmul.f32 v10, v24  }
0xb2: {  	p1 =	sne.s32 s23, $0x5D0;
	v60 =	vor.u32 $0x3, v56;
	v59 =	vpsel p0, v8, v9  }
.Ltmp0:
0xb3: {  	[tilespmem:v55+s18+$0x0] =	vst.idx.msk $0xffff, v10;
	v8 =	vpsel p0, v9, v8;
	v61 =	vclamp.gez.f32 v59, v6;
	(pc) =	sbr.rel @p1 .LBB2_2-.Ltmp0, $4  }
0xb4: {  	v62 =	vpsel p0, v63, v12;
	v8 =	vclamp.gez.f32 v8, v7;
	[tilespmem:v56+s19+$0x0] =	vst.idx.msk $0xffff, v61  }
0xb5: {  	v63 =	vpsel p0, v12, v63;
	v10 =	vclamp.gez.f32 v62, v6;
	[tilespmem:v57+s19+$0x0] =	vst.idx.msk $0xffff, v8  }
0xb6: {  	v8 =	vclamp.gez.f32 v63, v7;
	[tilespmem:v58+s19+$0x0] =	vst.idx.msk $0xffff, v10  }
0xb7: {  	s21 =	sadd.s32 $0x10, s21;
	s22 =	sadd.s32 $0x10, s22;
	s23 =	sadd.s32 $0x30, s23;
	[tilespmem:v60+s19+$0x0] =	vst.idx.msk $0xffff, v8  }
0xb8: {  	s0 =	rddreg [dreg:$0x8]  }
0xb9: {  	[hbm4b:s0+s12] =	stream.strided.scatter [tilespmem:s19], [sflag:$0x1], $0x1800, s13, s12, $0x38;
	[tilespmem:$0xAF00] =	vst v63  }
0xba: {  	_ =	swait.ge [sflag:s14], $0x1800  }
0xbb: {  	[sflag:s14] =	ssyncset.done $0x0  }
0xbc: {  	s30 =	rddreg [dreg:$0x9];
	[sflag:s14] =	ssyncadd.s32 $0xFFFFE800  }
0xbd: {  	[hbm4b:s30+s12] =	stream.strided.scatter [tilespmem:s18], [sflag:$0x1], $0x600, s13, s12, $0x38;
	[tilespmem:$0xAF00] =	vst v63  }
0xbe: {  	_ =	swait.ge [sflag:s14], $0x600  }
0xbf: {  	s20 =	sadd.s32 $0x1, s20;
	s31 =	rddreg [dreg:$0xa]  }
0xc0: {  	p1 =	sne.s32 s20, s31  }
.Ltmp1:
0xc1: {  	_ = 	snop;
	(pc) =	sbr.rel @p1 .LBB2_1-.Ltmp1, $3  }
0xc2: {  	_ =	sdelay $0x1  }
0xc3: {  	[sflag:s14] =	ssyncset.done $0x0  }
0xc4: {  	[sflag:s14] =	ssyncadd.s32 $0xFFFFFA00  }
0xc5: {  	_ =	sfence.sel $0x180000  }
0xc6: {  	[bflag:$0x0] =	sbarrier.arrive $0xFFFF  }
0xc7: {  	_ =	strace $0x90000047  }
0xc8: {  	s0 =	stileid.u32;
	[bflag:$0x2] =	sbarrier.arrive $0xFFFF  }
0xc9: {  	p0 =	sne.s32 s0, $0x0;
	s0 =	rddreg [dreg:$0x2]  }
0xca: {  	s0 =	sadd.s32 @!p0 $0x100000, s0  }
0xcb: {  	[sflag:s0] =	ssyncadd.tile.s32 @!p0 $0x1;
	_ =	shalt  }
.Lfunc_end2:
_tile_overlayer_lowered:
.L_overlay_start_2:
0xcc: {  	(tag) =	ssettag $0x2  }
0xcd: {  	s0 =	rddreg [dreg:$0x0];
	s2 =	stileid.u32  }
0xce: {  	s1 =	rddreg [dreg:$0x1];
	p0 =	sne.s32 s2, $0x0  }
0xcf: {  	s3 =	rddreg [dreg:$0x2];
	[bflag:$0x3] =	sbarrier.arrive $0xFFFF;
	s2 =	simm.s32 @!p0 $0x1C01  }
0xd0: {  	[timem:s3], [sflag:s2] =	dma.local @!p0 [hbm:s0], s1  }
0xd1: {  	s0 =	simm.s32 @!p0 $0x1  }
0xd2: {  	_ =	swait.ge @!p0 [sflag:s0], s1  }
0xd3: {  	s1 =	ssub.s32 @!p0 $0x0, s1;
	[sflag:s0] =	ssyncset.done @!p0 $0x0  }
0xd4: {  	[sflag:s0] =	ssyncadd.s32 @!p0 s1  }
0xd5: {  	[bflag:$0x3] =	sbarrier.arrive $0xFFFF  }
0xd6: {  	_ =	shalt  }

// kernel: kernel.8.cloned.1.call-start
scs
__scs_entry_jumppad:
0x0: {  	(pc) =	sbr.rel $0x88, $3  }
0x1: {  	(tag) =	ssettag $0x0;
	lr =	simm.s32 $0x1  }
0x2: {  	[smem:$0x3F9C] =	sst lr;
	_ =	strace $0xD0000000  }
0x3: {  	_ = 	snop  }
0x4: {  	_ = 	snop  }
0x5: {  	_ = 	snop  }
0x6: {  	_ = 	snop  }
0x7: {  	_ = 	snop  }
__scs_overlays_trampoline_lowered:
0x8: {  	[smem:$0x3FAB] =	sst s0  }
0x9: {  	[smem:$0x3FAC] =	sst s1  }
0xa: {  	[smem:$0x3FAD] =	sst s2  }
0xb: {  	[smem:$0x3FAE] =	sst s3  }
0xc: {  	[smem:$0x3FAF] =	sst s4  }
0xd: {  	[smem:$0x3FB0] =	sst s5  }
0xe: {  	[smem:$0x3FB1] =	sst s6  }
0xf: {  	[smem:$0x3FB2] =	sst s7  }
0x10: {  	[smem:$0x3FB3] =	sst s8  }
0x11: {  	[smem:$0x3FB4] =	sst s9;
	s0 =	simm.s32 @!p0 $0x0  }
0x12: {  	s1 =	sld [smem:$0x3F9A];
	s0 =	simm.s32 @p0 $0x1  }
0x13: {  	[smem:$0x3FB5] =	sst s0;
	s0 =	simm.s32 @!p1 $0x0  }
0x14: {  	s2 =	sld [smem:$0x3F99];
	s0 =	simm.s32 @p1 $0x1  }
0x15: {  	[smem:$0x3FB6] =	sst s0;
	s0 =	simm.s32 @!p2 $0x0  }
0x16: {  	s3 =	sld [smem:$0x3FDB];
	s0 =	simm.s32 @p2 $0x1  }
0x17: {  	s4 =	simm.s32 $0x1BF5;
	[smem:$0x3FB8] =	sst s0  }
0x18: {  	s0 =	sld [smem:$0x3F9B];
	_ =	swait.ge [sflag:s4], $0x0  }
0x19: {  	s7 =	sld [smem:$0x3F9C]  }
0x1a: {  	s8 =	sadd.s32 $0xFFFFE003, lr  }
0x1b: {  	s9 =	sadd.s32 $0xFFFFFEF7, lr;
	s5 =	simm.s32 $0xFFFFFFFF;
	p2 =	slt.u32 s8, $0xFFFFF086  }
0x1c: {  	p1 =	slt.u32 s9, $0xF7A;
	s5 =	simm.s32 @!p2 $0x0  }
0x1d: {  	s5 =	simm.s32 @p1 $0x1;
	p0 =	seq.s32 s7, s2  }
0x1e: {  	s7 =	smul.u32 @!p0 $0xF7A, s2;
	p2 =	seq.s32 @!p0 s5, $0x0  }
0x1f: {  	s9 =	smul.u32 $0xF7A, s1;
	s8 =	simm.s32 @!p0 $0x1BF5;
	p2 =	por !p2, p0  }
0x20: {  	[sflag:s8] =	ssyncset.s32 @!p0 $0xFFFFF086;
	s6 =	sadd.s32 @!p0 s3, s7;
	s7 =	simm.s32 @!p0 $0x108  }
0x21: {  	s3 =	sadd.s32 s3, s9;
	s6 =	sadd.s32 @!p0 $0x88, s6;
	s7 =	simm.s32 @p2 $0x1082  }
0x22: {  	[simem:s7], [sflag:s8] =	dma.local @!p0 [hbm:s6], $0xF7A  }
0x23: {  	s9 =	sor.u32 $0xD0000000, s2;
	s6 =	simm.s32 $0x108;
	_ =	swait.ge @!p0 [sflag:s8], $0x0  }
0x24: {  	s3 =	sadd.s32 $0x88, s3;
	s6 =	simm.s32 @!p1 $0x1082;
	[sflag:s4] =	ssyncset.s32 $0xFFFFF086  }
0x25: {  	[simem:s6], [sflag:s4] =	dma.local [hbm:s3], $0xF7A  }
0x26: {  	[smem:$0x3F9C] =	sst s1;
	(tag) =	ssettag s2;
	_ =	strace s9  }
0x27: {  	s1 =	sld [smem:$0x3FAC]  }
0x28: {  	s2 =	sld [smem:$0x3FAD]  }
0x29: {  	s4 =	sld [smem:$0x3FAF]  }
0x2a: {  	p0 =	seq.s32 s5, $0x0;
	s5 =	sld [smem:$0x3FB0]  }
0x2b: {  	s6 =	sld [smem:$0x3FB1]  }
0x2c: {  	s7 =	sld [smem:$0x3FB2]  }
0x2d: {  	s3 =	simm.s32 $0x108;
	s8 =	sld [smem:$0x3FB3]  }
0x2e: {  	s3 =	simm.s32 @!p0 $0x1082;
	s9 =	sld [smem:$0x3FB4]  }
0x2f: {  	lr =	sadd.s32 s0, s3;
	s0 =	sld [smem:$0x3FAB]  }
0x30: {  	s3 =	sld [smem:$0x3FAE]  }
0x31: {  	[smem:$0x3FB7] =	sst s10  }
0x32: {  	s10 =	sld [smem:$0x3FB5];
	_ =	sdelay $0x3  }
0x33: {  	p0 =	seq.s32 s10, $0x1;
	s10 =	sld [smem:$0x3FB7];
	_ =	sdelay $0x3  }
0x34: {  	[smem:$0x3FB7] =	sst s10  }
0x35: {  	s10 =	sld [smem:$0x3FB6];
	_ =	sdelay $0x3  }
0x36: {  	p1 =	seq.s32 s10, $0x1;
	s10 =	sld [smem:$0x3FB7];
	_ =	sdelay $0x3  }
0x37: {  	[smem:$0x3FB7] =	sst s10  }
0x38: {  	s10 =	sld [smem:$0x3FB8]  }
0x39: {  	_ = 	snop;
	(pc) =	sbr.ind lr, $3  }
0x3a: {  	_ = 	snop  }
0x3b: {  	_ = 	snop  }
0x3c: {  	p2 =	seq.s32 s10, $0x1;
	s10 =	sld [smem:$0x3FB7]  }
0x3d: {  	_ =	shalt  }
0x3e: {  	_ =	shalt  }
0x3f: {  	_ =	shalt  }
0x40: {  	_ =	shalt  }
0x41: {  	_ =	shalt  }
0x42: {  	_ =	shalt  }
0x43: {  	_ =	shalt  }
0x44: {  	_ =	shalt  }
0x45: {  	_ =	shalt  }
0x46: {  	_ =	shalt  }
0x47: {  	_ =	shalt  }
0x48: {  	_ =	shalt  }
0x49: {  	_ =	shalt  }
0x4a: {  	_ =	shalt  }
0x4b: {  	_ =	shalt  }
0x4c: {  	_ =	shalt  }
0x4d: {  	_ =	shalt  }
0x4e: {  	_ =	shalt  }
0x4f: {  	_ =	shalt  }
0x50: {  	_ =	shalt  }
0x51: {  	_ =	shalt  }
0x52: {  	_ =	shalt  }
0x53: {  	_ =	shalt  }
0x54: {  	_ =	shalt  }
0x55: {  	_ =	shalt  }
0x56: {  	_ =	shalt  }
0x57: {  	_ =	shalt  }
0x58: {  	_ =	shalt  }
0x59: {  	_ =	shalt  }
0x5a: {  	_ =	shalt  }
0x5b: {  	_ =	shalt  }
0x5c: {  	_ =	shalt  }
0x5d: {  	_ =	shalt  }
0x5e: {  	_ =	shalt  }
0x5f: {  	_ =	shalt  }
0x60: {  	_ =	shalt  }
0x61: {  	_ =	shalt  }
0x62: {  	_ =	shalt  }
0x63: {  	_ =	shalt  }
0x64: {  	_ =	shalt  }
0x65: {  	_ =	shalt  }
0x66: {  	_ =	shalt  }
0x67: {  	_ =	shalt  }
0x68: {  	_ =	shalt  }
0x69: {  	_ =	shalt  }
0x6a: {  	_ =	shalt  }
0x6b: {  	_ =	shalt  }
0x6c: {  	_ =	shalt  }
0x6d: {  	_ =	shalt  }
0x6e: {  	_ =	shalt  }
0x6f: {  	_ =	shalt  }
0x70: {  	_ =	shalt  }
0x71: {  	_ =	shalt  }
0x72: {  	_ =	shalt  }
0x73: {  	_ =	shalt  }
0x74: {  	_ =	shalt  }
0x75: {  	_ =	shalt  }
0x76: {  	_ =	shalt  }
0x77: {  	_ =	shalt  }
0x78: {  	_ =	shalt  }
0x79: {  	_ =	shalt  }
0x7a: {  	_ =	shalt  }
0x7b: {  	_ =	shalt  }
0x7c: {  	_ =	shalt  }
0x7d: {  	_ =	shalt  }
0x7e: {  	_ =	shalt  }
0x7f: {  	_ =	shalt  }
0x80: {  	_ =	shalt  }
0x81: {  	_ =	shalt  }
0x82: {  	_ =	shalt  }
0x83: {  	_ =	shalt  }
0x84: {  	_ =	shalt  }
0x85: {  	_ =	shalt  }
0x86: {  	_ =	shalt  }
0x87: {  	_ =	shalt  }
.Lfunc_end0:
.L_simem_size_0:
called_computation.1_lowered:
.L_overlay_start_0:
0x88: {  	s2 =	sld [smem:$0x3FD9]  }
0x89: {  	s3 =	sld [smem:$0x3FFE];
	_ =	sdelay $0x1  }
0x8a: {  	s1 =	srdreg.scid  }
0x8b: {  	s0 =	sand.u32 $0x1, s1  }
0x8c: {  	s16 =	sshll.u32 s0, $0xA;
	s2 =	sadd.s32 s3, s2  }
0x8d: {  	s2 =	sadd.s32 s2, s16  }
0x8e: {  	[smem:$0x3FC3] =	sst s2  }
0x8f: {  	_ = 	snop  }
0x90: {  	(tm) =	ssettm $0x1  }
0x91: {  	s17 =	sld [smem:$0x3FFB];
	_ =	sdelay $0x3  }
0x92: {  	_ =	strace s17  }
0x93: {  	s2 =	sld [smem:$0x3FFC];
	_ =	sdelay $0x3  }
0x94: {  	_ =	strace s2  }
0x95: {  	s2 =	sld [smem:$0x3FFD];
	_ =	sdelay $0x3  }
0x96: {  	_ =	strace s2  }
0x97: {  	_ =	strace $0x8FFFFFFF  }
0x98: {  	s18 =	sld [smem:$0x3FDB];
	_ =	sdelay $0x1  }
0x99: {  	s19 =	simm.s32 $_scs_section_size  }
0x9a: {  	s4 =	simm.s32 $_size__tile_overlayer_lowered;
	s5 =	simm.s32 $_tile_overlayer_lowered  }
0x9b: {  	s22 =	simm.s32 $0x1BFF;
	s21 =	sshll.u32 s5, $0x1;
	s2 =	sadd.s32 s19, s18  }
0x9c: {  	s6 =	simm.s32 $0x0;
	s20 =	sshll.u32 s4, $0x1;
	s4 =	sadd.s32 s21, s2  }
0x9d: {  	[timem:s6], [sflag:s22] =	dma.local [hbm:s4], s20  }
0x9e: {  	_ =	swait.ge [sflag:s22], s20  }
0x9f: {  	s3 =	ssub.s32 $0x0, s20;
	[sflag:s22] =	ssyncset.done $0x0  }
0xa0: {  	[sflag:s22] =	ssyncadd.s32 s3;
	_ =	sdelay $0x1  }
0xa1: {  	s23 =	simm.s32 $0x1B8B  }
0xa2: {  	_ =	swait.ge [sflag:s23], $0x1  }
0xa3: {  	[sflag:s23] =	ssyncset.done $0x0  }
0xa4: {  	s25 =	simm.s32 $0x1B8E;
	s24 =	sld [smem:$0x3FFE];
	[sflag:s23] =	ssyncadd.s32 $0xFFFFFFFF  }
0xa5: {  	s26 =	simm.s32 $execute0_lowered;
	[smem:$0x3FD2] =	sst s25  }
0xa6: {  	s4 =	sshll.u32 s26, $0x1;
	_ =	strace $0x80000049;
	[dreg:$0x1] =	wrdreg $0xFFFFFFFF  }
0xa7: {  	s28 =	simm.s32 $_size_execute0_lowered;
	s2 =	sadd.s32 s2, s4;
	[dreg:$0x0] =	wrdreg $0x0  }
0xa8: {  	s4 =	sshll.u32 s28, $0x1;
	[dreg:$0x2] =	wrdreg s2  }
0xa9: {  	[dreg:$0x3] =	wrdreg s4  }
0xaa: {  	[dreg:$0x4] =	wrdreg $0xC0  }
0xab: {  	_ =	task [dreg:s6], $0x5FFFF  }
0xac: {  	[dreg:$0x1] =	wrdreg $0xFFFFFFFF  }
0xad: {  	[dreg:$0x0] =	wrdreg $0x60  }
0xae: {  	[dreg:$0x2] =	wrdreg s24  }
0xaf: {  	[dreg:$0x3] =	wrdreg $0x9  }
0xb0: {  	_ =	task.clear_ibuf [dreg:s6], $0x4FFFF;
	_ =	strace $0x90000049  }
0xb1: {  	s29 =	simm.s32 $0x9;
	_ =	strace $0x8000004B  }
0xb2: {  	_ =	swait.ge [sflag:s29], $0x1  }
0xb3: {  	[sflag:s29] =	ssyncadd.s32 $0xFFFFFFFF  }
0xb4: {  	_ =	strace $0x9000004B  }
0xb5: {  	_ =	sfence  }
0xb6: {  	s30 =	sld [smem:$0x0];
	_ =	sdelay $0x2  }
0xb7: {  	s31 =	sshll.u32 s1, $0xD;
	s1 =	sshrl.u32 s1, $0x2  }
0xb8: {  	s3 =	sand.u32 $0x4000, s31;
	s1 =	sadd.s32 s1, s30  }
0xb9: {  	s0 =	sor.u32 s3, s0;
	s1 =	sshll.u32 s1, $0x11  }
0xba: {  	s0 =	sor.u32 s1, s0  }
0xbb: {  	s0 =	sadd.s32 $0x8F2B, s0  }
0xbc: {  	[sflag:s0] =	ssyncadd.remote.s32 $0x1  }
0xbd: {  	_ =	sfence.sel $0xFFFF  }
0xbe: {  	[dreg:$0x0] =	wrdreg $0xFFFFFFFF;
	(pc) =	sbr.abs _section_cstart, $3  }
0xbf: {  	[dreg:$0x1] =	wrdreg $0xFFFFFFFF  }
0xc0: {  	_ =	task.clear_ibuf [dreg:s6], $0x2FFFF;
	_ =	strace $0x9FFFFFFF  }
0xc1: {  	(tm) =	ssettm $0x7FFFFFFF  }
tec
execute0_lowered:
.L_overlay_start_1:
0x0: {  	(tag) =	ssettag $0x1  }
0x1: {  	s4 =	stileid.u32;
	s0 =	srdreg.scid  }
0x2: {  	s3 =	rddreg [dreg:$0x0];
	s2 =	simm.s32 $0x0;
	s18 =	simm.s32 $0x80  }
0x3: {  	s19 =	simm.s32 $0x200;
	s20 =	simm.s32 $0xC300;
	s28 =	simm.s32 $0xF000  }
0x4: {  	s29 =	simm.s32 $0xF100;
	s30 =	simm.s32 $0xF200;
	s31 =	simm.s32 $0x0  }
0x5: {  	s1 =	sshll.u32 s4, $0x1;
	s0 =	sand.u32 $0x1, s0;
	s4 =	sshll.u32 s4, $0x5  }
0x6: {  	[smem:$0x7FF] =	sst s2;
	s11 =	sadd.s32 $0xCC00, s3;
	s1 =	sand.u32 $0x6, s1  }
0x7: {  	s6 =	sand.u32 $0x180, s4;
	_ =	strace $0x8000004A;
	s1 =	sor.u32 s0, s1  }
0x8: {  	s8 =	ssub.s32 $0x2, s0;
	p0 =	seq.s32 s0, $0x0;
	s5 =	smul.u32 $0xC00, s1  }
0x9: {  	s22 =	sshrl.u32 s8, $0x1;
	s24 =	sshrl.u32 s6, $0x3;
	s21 =	smul.u32 $0x6000, s1  }
0xa: {  	s0 =	sshll.u32 s0, $0xA;
	s7 =	smul.u32 $0x3, s1;
	s17 =	ssub.s32 s8, s22  }
0xb: {  	p1 =	seq.s32 s1, $0x0;
	s17 =	smax.u32 s17, $0x1;
	s5 =	sor.u32 s6, s5  }
0xc: {  	s4 =	sor.u32 s6, s21;
	s10 =	sadd.s32 $0xFFFFFFFF, s7;
	s12 =	sshrl.u32 s7, $0x1  }
0xd: {  	s7 =	sadd.s32 $0x1, s7;
	s4 =	sshrl.u32 s4, $0x3;
	s23 =	sand.u32 $0x80, s10  }
0xe: {  	s21 =	simm.s32 $0xDB00;
	s9 =	sadd.s32 s4, s3;
	s4 =	sshrl.u32 s23, $0x7  }
0xf: {  	s5 =	sshrl.u32 s5, $0x3;
	s4 =	sadd.s32 s4, s10;
	s10 =	simm.s32 $0x1  }
0x10: {  	s13 =	sadd.s32 $0x1, s12;
	s4 =	sshrl.u32 s4, $0x1;
	s10 =	simm.s32 @!p1 $0x0  }
0x11: {  	s7 =	sshrl.u32 s7, $0x1;
	s5 =	sadd.s32 s5, s3;
	s4 =	ssub.s32 s4, s10  }
0x12: {  	s3 =	sadd.s32 s3, s24;
	s7 =	smov.u32 @p0 s12;
	s4 =	smov.u32 @p0 s13  }
0x13: {  	s23 =	simm.s32 $0xEC00;
	s24 =	simm.s32 $0xED00;
	s25 =	sshll.u32 s4, $0xE  }
0x14: {  	s26 =	sshll.u32 s7, $0xE;
	s5 =	sadd.s32 $0x6000, s5;
	s0 =	sor.u32 s0, s25  }
0x15: {  	s7 =	sadd.s32 $0x6C00, s9;
	s4 =	smul.u32 $0x300, s1;
	s0 =	sor.u32 s6, s0  }
0x16: {  	s1 =	sor.u32 s6, s26;
	s26 =	simm.s32 $0xEF00;
	s0 =	sshrl.u32 s0, $0x3  }
0x17: {  	s1 =	sshrl.u32 s1, $0x3;
	s25 =	simm.s32 $0xEE00;
	s9 =	sadd.s32 s11, s0  }
0x18: {  	s6 =	simm.s32 $0x1;
	s8 =	sadd.s32 s11, s1;
	s10 =	sadd.s32 $0x100, s9  }
0x19: {  	v0 =	vlaneseq.u32;
	v1 =	vimm.s32 $0x0;
	s11 =	sadd.s32 $0x200, s9;
	s12 =	sadd.s32 $0x300, s9;
	s13 =	sadd.s32 $0x400, s9  }
0x1a: {  	v2 =	vimm.f32 $1.000000000e+00;
	v3 =	vor.u32 $0xFFFFFF00, v0;
	v4 =	vor.u32 $0xFFFFFE00, v0;
	s14 =	sadd.s32 $0x500, s9;
	s15 =	sadd.s32 $0x600, s9;
	s16 =	sadd.s32 $0x700, s9  }
.LBB2_1:
0x1b: {  	[tilespmem:s2], [sflag:$0x1] =	stream.strided.gather [hbm4b:s3+s18], $0xC000, s19, s18, $0x38;
	[tilespmem:$0xF300] =	vst v63  }
0x1c: {  	_ =	swait.ge [sflag:s6], $0xC000  }
0x1d: {  	[sflag:s6] =	ssyncset.done $0x0  }
0x1e: {  	s1 =	simm.s32 $0xC000;
	[sflag:s6] =	ssyncadd.s32 $0xFFFF4000  }
0x1f: {  	[tilespmem:s1], [sflag:$0x1] =	stream.strided.gather [hbm4b:s5+s18], $0x300, s19, s18, $0x38;
	[tilespmem:$0xF300] =	vst v63  }
0x20: {  	_ =	swait.ge [sflag:s6], $0x300  }
0x21: {  	[sflag:s6] =	ssyncset.done $0x0  }
0x22: {  	[sflag:s6] =	ssyncadd.s32 $0xFFFFFD00  }
0x23: {  	v5 =	vld [tilespmem:s1+$0x0];
	_ =	sdelay $0x4  }
0x24: {  	vm0 =	vgt.s32 v5, $0x176F  }
0x25: {  	v5 =	vshll.u32 v5, $0x2;
	v6 =	vsel vm0, $0x240, v1  }
0x26: {  	v5 =	vadd.s32 v5, v6  }
0x27: {  	v6 =	vor.u32 $0x1, v5  }
0x28: {  	v7 =	vor.u32 $0x2, v5  }
0x29: {  	v8 =	vor.u32 $0x3, v5;
	_ =	sdelay $0x1  }
0x2a: {  	v9 =	vadd.s32 s2, v3;
	v10 =	vmov s2;
	v11 =	vor.u32 s2, v0;
	v5 =	vld.idx.msk [tilespmem:v5+s2+$0x0], $0xffff  }
0x2b: {  	v12 =	vadd.s32 s2, v4;
	vm1 =	vlt.u32 v10, $0x200;
	v9 =	vpsel p0, v11, v9;
	v6 =	vld.idx.msk [tilespmem:v6+s2+$0x0], $0xffff  }
0x2c: {  	vm0 =	vgt.u32 v10, $0xFF;
	v10 =	vshll.u32 v11, $0x3;
	v11 =	vpsel p0, v12, v11;
	v7 =	vld.idx.msk [tilespmem:v7+s2+$0x0], $0xffff  }
0x2d: {  	vm0 =	vmmov @p0 vm1;
	v56 =	vor.u32 $0x1, v10;
	v13 =	vadd.s32 $0x1000, v11;
	v8 =	vld.idx.msk [tilespmem:v8+s2+$0x0], $0xffff  }
0x2e: {  	v13 =	vsel vm0, v9, v13  }
0x2f: {  	s0 =	sadd.s32 $0x0, s4;
	v14 =	vadd.s32 $0x200, v9;
	v15 =	vadd.s32 $0x1100, v11;
	v16 =	vor.u32 $0x2, v10  }
0x30: {  	p1 =	slt.u32 s0, $0x1770;
	v17 =	vadd.s32 $0x400, v9;
	v57 =	vadd.s32 $0x1200, v11;
	v14 =	vsel vm0, v14, v15  }
0x31: {  	v18 =	vor.u32 $0x3, v10;
	v15 =	vsel vm0, v17, v57;
	[tilespmem:v10+s20+$0x0] =	vst.idx.msk $0xffff, v2;
	v5 =	vpsel !p1, $0x4EEE6B28, v5  }
0x32: {  	[tilespmem:v56+s20+$0x0] =	vst.idx.msk $0xffff, v5;
	v59 =	vpsel !p1, $0x4EEE6B28, v6;
	v7 =	vpsel !p1, $0x4EEE6B28, v7;
	v6 =	vpsel !p1, $0x4EEE6B28, v8  }
0x33: {  	[tilespmem:v13+s21+$0x0] =	vst.idx.msk $0xffff, v5;
	v5 =	vsub.f32 v7, v5;
	v8 =	vsub.f32 v6, v59  }
0x34: {  	v60 =	vadd.s32 $0x600, v9;
	v58 =	vor.u32 $0x4, v10;
	[tilespmem:v16+s20+$0x0] =	vst.idx.msk $0xffff, v59  }
0x35: {  	v61 =	vadd.s32 $0x1300, v11;
	[tilespmem:v14+s21+$0x0] =	vst.idx.msk $0xffff, v59;
	v62 =	vadd.f32 $1.000000000e+00, v5;
	v63 =	vadd.f32 $1.000000000e+00, v8  }
0x36: {  	v5 =	vsel vm0, v60, v61;
	v8 =	vadd.s32 $0x800, v9;
	v9 =	vadd.s32 $0x1400, v11;
	[tilespmem:v18+s20+$0x0] =	vst.idx.msk $0xffff, v7  }
0x37: {  	[tilespmem:v15+s21+$0x0] =	vst.idx.msk $0xffff, v7;
	v7 =	vsel vm0, v8, v9;
	v8 =	vor.u32 $0x5, v10;
	_ =	sdelay $0x1  }
0x38: {  	s0 =	simm.s32 $0x10;
	v9 =	vmul.f32 v63, v62;
	[tilespmem:v58+s20+$0x0] =	vst.idx.msk $0xffff, v6  }
.LBB2_2:
0x39: {  	p1 =	sne.s32 s0, $0x2F0  }
0x3a: {  	[tilespmem:v5+s21+$0x0] =	vst.idx.msk $0xffff, v6;
	s1 =	sadd.s32 $0x10, s1;
	s22 =	smov.u32 s0;
	s0 =	sadd.s32 $0x10, s0  }
0x3b: {  	[tilespmem:v8+s20+$0x0] =	vst.idx.msk $0xffff, v9  }
0x3c: {  	[tilespmem:v7+s21+$0x0] =	vst.idx.msk $0xffff, v9  }
0x3d: {  	v5 =	vld [tilespmem:s1+$0x0];
	_ =	sdelay $0x4  }
0x3e: {  	v6 =	vshll.u32 v5, $0x2;
	vm0 =	vgt.s32 v5, $0x176F  }
0x3f: {  	v5 =	vsel vm0, $0x240, v1  }
0x40: {  	v5 =	vadd.s32 v6, v5  }
0x41: {  	v6 =	vor.u32 $0x1, v5;
	v7 =	vor.u32 $0x2, v5  }
0x42: {  	v8 =	vor.u32 $0x3, v5  }
0x43: {  	v9 =	vadd.s32 s22, v3  }
0x44: {  	v10 =	vmov s22;
	v11 =	vor.u32 s22, v0;
	v12 =	vadd.s32 s22, v4  }
0x45: {  	vm1 =	vlt.u32 v10, $0x200;
	v9 =	vpsel p0, v11, v9;
	vm0 =	vgt.u32 v10, $0xFF;
	v13 =	vld.idx.msk [tilespmem:v5+s2+$0x0], $0xffff  }
0x46: {  	v10 =	vshll.u32 v11, $0x3;
	vm0 =	vmmov @p0 vm1;
	v5 =	vadd.s32 $0x200, v9;
	v6 =	vld.idx.msk [tilespmem:v6+s2+$0x0], $0xffff  }
0x47: {  	v14 =	vld.idx.msk [tilespmem:v7+s2+$0x0], $0xffff;
	v7 =	vpsel p0, v12, v11;
	v11 =	vor.u32 $0x1, v10;
	v12 =	vadd.s32 $0x400, v9  }
0x48: {  	v8 =	vld.idx.msk [tilespmem:v8+s2+$0x0], $0xffff;
	v15 =	vadd.s32 $0x1000, v7;
	v16 =	vadd.s32 $0x1100, v7;
	v17 =	vadd.s32 $0x1200, v7  }
0x49: {  	v18 =	vor.u32 $0x2, v10;
	v15 =	vsel vm0, v9, v15;
	v16 =	vsel vm0, v5, v16  }
0x4a: {  	s22 =	sadd.s32 s4, s22;
	v12 =	vsel vm0, v12, v17;
	v5 =	vadd.s32 $0x600, v9;
	v17 =	vadd.s32 $0x1300, v7  }
0x4b: {  	p2 =	slt.u32 s22, $0x1770;
	v9 =	vadd.s32 $0x800, v9;
	v7 =	vadd.s32 $0x1400, v7;
	v5 =	vsel vm0, v5, v17  }
0x4c: {  	v13 =	vpsel !p2, $0x4EEE6B28, v13;
	v17 =	vor.u32 $0x3, v10;
	v7 =	vsel vm0, v9, v7;
	[tilespmem:v10+s20+$0x0] =	vst.idx.msk $0xffff, v2  }
0x4d: {  	[tilespmem:v11+s20+$0x0] =	vst.idx.msk $0xffff, v13;
	v11 =	vor.u32 $0x4, v10  }
0x4e: {  	v9 =	vpsel !p2, $0x4EEE6B28, v6;
	v14 =	vpsel !p2, $0x4EEE6B28, v14;
	v6 =	vpsel !p2, $0x4EEE6B28, v8;
	[tilespmem:v15+s21+$0x0] =	vst.idx.msk $0xffff, v13  }
.Ltmp0:
0x4f: {  	v13 =	vsub.f32 v14, v13;
	v15 =	vsub.f32 v6, v9;
	[tilespmem:v18+s20+$0x0] =	vst.idx.msk $0xffff, v9;
	(pc) =	sbr.rel @p1 .LBB2_2-.Ltmp0, $4  }
0x50: {  	v8 =	vor.u32 $0x5, v10;
	[tilespmem:v16+s21+$0x0] =	vst.idx.msk $0xffff, v9  }
0x51: {  	v9 =	vadd.f32 $1.000000000e+00, v13;
	v10 =	vadd.f32 $1.000000000e+00, v15;
	[tilespmem:v17+s20+$0x0] =	vst.idx.msk $0xffff, v14  }
0x52: {  	[tilespmem:v12+s21+$0x0] =	vst.idx.msk $0xffff, v14  }
0x53: {  	v9 =	vmul.f32 v10, v9;
	[tilespmem:v11+s20+$0x0] =	vst.idx.msk $0xffff, v6  }
0x54: {  	_ =	sdelay $0x3  }
0x55: {  	[tilespmem:v5+s21+$0x0] =	vst.idx.msk $0xffff, v6  }
0x56: {  	[tilespmem:v8+s20+$0x0] =	vst.idx.msk $0xffff, v9  }
0x57: {  	[tilespmem:v7+s21+$0x0] =	vst.idx.msk $0xffff, v9  }
0x58: {  	[hbm4b:s7+s18] =	stream.strided.scatter [tilespmem:s20], [sflag:$0x1], $0x1800, s19, s18, $0x38;
	[tilespmem:$0xF300] =	vst v63  }
0x59: {  	_ =	swait.ge [sflag:s6], $0x1800  }
0x5a: {  	[sflag:s6] =	ssyncset.done $0x0  }
0x5b: {  	[sflag:s6] =	ssyncadd.s32 $0xFFFFE800  }
0x5c: {  	[hbm4b:s8+s18] =	stream.strided.scatter [tilespmem:s21], [sflag:$0x1], $0x1000, s19, s18, $0x38;
	[tilespmem:$0xF300] =	vst v63  }
0x5d: {  	_ =	swait.ge [sflag:s6], $0x1000  }
0x5e: {  	[sflag:s6] =	ssyncset.done $0x0  }
0x5f: {  	s0 =	simm.s32 $0xEB00;
	[sflag:s6] =	ssyncadd.s32 $0xFFFFF000  }
0x60: {  	[hbm4b:s9+s18] =	stream.strided.scatter [tilespmem:s0], [sflag:$0x1], $0x100, s19, s18, $0x38;
	[tilespmem:$0xF300] =	vst v63  }
0x61: {  	_ =	swait.ge [sflag:s6], $0x100  }
0x62: {  	[sflag:s6] =	ssyncset.done $0x0  }
0x63: {  	[sflag:s6] =	ssyncadd.s32 $0xFFFFFF00  }
0x64: {  	[hbm4b:s10+s18] =	stream.strided.scatter [tilespmem:s23], [sflag:$0x1], $0x100, s19, s18, $0x38;
	[tilespmem:$0xF300] =	vst v63  }
0x65: {  	_ =	swait.ge [sflag:s6], $0x100  }
0x66: {  	[sflag:s6] =	ssyncset.done $0x0  }
0x67: {  	[sflag:s6] =	ssyncadd.s32 $0xFFFFFF00  }
0x68: {  	[hbm4b:s11+s18] =	stream.strided.scatter [tilespmem:s24], [sflag:$0x1], $0x100, s19, s18, $0x38;
	[tilespmem:$0xF300] =	vst v63  }
0x69: {  	_ =	swait.ge [sflag:s6], $0x100  }
0x6a: {  	[sflag:s6] =	ssyncset.done $0x0  }
0x6b: {  	[sflag:s6] =	ssyncadd.s32 $0xFFFFFF00  }
0x6c: {  	[hbm4b:s12+s18] =	stream.strided.scatter [tilespmem:s25], [sflag:$0x1], $0x100, s19, s18, $0x38;
	[tilespmem:$0xF300] =	vst v63  }
0x6d: {  	_ =	swait.ge [sflag:s6], $0x100  }
0x6e: {  	[sflag:s6] =	ssyncset.done $0x0  }
0x6f: {  	[sflag:s6] =	ssyncadd.s32 $0xFFFFFF00  }
0x70: {  	[hbm4b:s13+s18] =	stream.strided.scatter [tilespmem:s26], [sflag:$0x1], $0x100, s19, s18, $0x38;
	[tilespmem:$0xF300] =	vst v63  }
0x71: {  	_ =	swait.ge [sflag:s6], $0x100  }
0x72: {  	[sflag:s6] =	ssyncset.done $0x0  }
0x73: {  	[sflag:s6] =	ssyncadd.s32 $0xFFFFFF00  }
0x74: {  	[hbm4b:s14+s18] =	stream.strided.scatter [tilespmem:s28], [sflag:$0x1], $0x100, s19, s18, $0x38;
	[tilespmem:$0xF300] =	vst v63  }
0x75: {  	_ =	swait.ge [sflag:s6], $0x100  }
0x76: {  	[sflag:s6] =	ssyncset.done $0x0  }
0x77: {  	[sflag:s6] =	ssyncadd.s32 $0xFFFFFF00  }
0x78: {  	[hbm4b:s15+s18] =	stream.strided.scatter [tilespmem:s29], [sflag:$0x1], $0x100, s19, s18, $0x38;
	[tilespmem:$0xF300] =	vst v63  }
0x79: {  	s31 =	sadd.s32 $0x1, s31;
	_ =	swait.ge [sflag:s6], $0x100  }
0x7a: {  	p1 =	sne.s32 s31, s17;
	[sflag:s6] =	ssyncset.done $0x0  }
.Ltmp1:
0x7b: {  	[sflag:s6] =	ssyncadd.s32 $0xFFFFFF00;
	(pc) =	sbr.rel @p1 .LBB2_1-.Ltmp1, $4  }
0x7c: {  	[hbm4b:s16+s18] =	stream.strided.scatter [tilespmem:s30], [sflag:$0x1], $0x100, s19, s18, $0x38;
	[tilespmem:$0xF300] =	vst v63  }
0x7d: {  	_ =	swait.ge [sflag:s6], $0x100  }
0x7e: {  	[sflag:s6] =	ssyncset.done $0x0  }
0x7f: {  	[sflag:s6] =	ssyncadd.s32 $0xFFFFFF00  }
0x80: {  	_ =	sfence.sel $0x180000  }
0x81: {  	[bflag:$0x0] =	sbarrier.arrive $0xFFFF  }
0x82: {  	_ =	strace $0x9000004A  }
0x83: {  	s0 =	stileid.u32;
	[bflag:$0x2] =	sbarrier.arrive $0xFFFF  }
0x84: {  	p0 =	sne.s32 s0, $0x0;
	s0 =	rddreg [dreg:$0x1]  }
0x85: {  	s0 =	sadd.s32 @!p0 $0x100000, s0  }
0x86: {  	[sflag:s0] =	ssyncadd.tile.s32 @!p0 $0x1;
	_ =	shalt  }
.Lfunc_end2:
_tile_overlayer_lowered:
.L_overlay_start_2:
0x87: {  	(tag) =	ssettag $0x2  }
0x88: {  	s0 =	rddreg [dreg:$0x0];
	s2 =	stileid.u32  }
0x89: {  	s1 =	rddreg [dreg:$0x1];
	p0 =	sne.s32 s2, $0x0  }
0x8a: {  	s3 =	rddreg [dreg:$0x2];
	[bflag:$0x3] =	sbarrier.arrive $0xFFFF;
	s2 =	simm.s32 @!p0 $0x1C01  }
0x8b: {  	[timem:s3], [sflag:s2] =	dma.local @!p0 [hbm:s0], s1  }
0x8c: {  	s0 =	simm.s32 @!p0 $0x1  }
0x8d: {  	_ =	swait.ge @!p0 [sflag:s0], s1  }
0x8e: {  	s1 =	ssub.s32 @!p0 $0x0, s1;
	[sflag:s0] =	ssyncset.done @!p0 $0x0  }
0x8f: {  	[sflag:s0] =	ssyncadd.s32 @!p0 s1  }
0x90: {  	[bflag:$0x3] =	sbarrier.arrive $0xFFFF  }
0x91: {  	_ =	shalt  }

</sc_bundles>
